<compile_context>
chip_gen: v7x
topology: tpu7x:2x2x1
jax: 0.10.2.dev20260603
libtpu: 0.0.44.dev20260713+nightly
codegen_flags: <defaults>
</compile_context>

<pallas_src>
import functools

import jax
import jax.numpy as jnp
from jax import lax
from jax.experimental import pallas as pl
from jax.experimental.pallas import tpu as pltpu
from jax.experimental.pallas import tpu_sc as plsc

N_NODES = 10000
N_EDGES = 160000
D_IN = 384
D_HID = 16
D_OUT = 8

NC = 2
NS = 16
CHUNK = 128
K = 40
E_PAD = NC * NS * K * CHUNK
N_PAD = 10240
ROWS_PER_TILE = N_PAD // NS
TROWS = N_PAD // NS

_mesh = plsc.VectorSubcoreMesh(
    core_axis_name="c", subcore_axis_name="s", num_cores=NC, num_subcores=NS)
_sc_params = pltpu.CompilerParams(use_tc_tiling_on_sc=False)



@functools.partial(
    pl.kernel,
    out_type=jax.ShapeDtypeStruct((NC, N_PAD, D_HID), jnp.float32),
    mesh=_mesh,
    scratch_types=[
        pltpu.VMEM((K, CHUNK), jnp.int32),
        pltpu.VMEM((CHUNK, D_HID), jnp.float32),
        pltpu.VMEM_SHARED((N_PAD, D_HID), jnp.float32),
        [pltpu.SemaphoreType.DMA] * 4,
    ],
    compiler_params=_sc_params,
)
def _deg_kernel(dst_hbm, ones_hbm, zeros_hbm, out_hbm, dst_v, ones_v, acc,
                dsems):
    c = lax.axis_index("c")
    s = lax.axis_index("s")
    c0 = pltpu.async_copy(dst_hbm.at[c, s], dst_v, dsems[0])
    c1 = pltpu.async_copy(ones_hbm, ones_v, dsems[1])
    c2 = pltpu.async_copy(
        zeros_hbm, acc.at[pl.ds(s * ROWS_PER_TILE, ROWS_PER_TILE)], dsems[2])
    c1.wait()
    c2.wait()
    plsc.subcore_barrier()
    c0.wait()

    def body(i, carry):
        cps = [pltpu.async_copy(ones_v, acc.at[dst_v.at[4 * i + u]],
                                dsems[u], add=True) for u in range(4)]
        for cp in cps:
            cp.wait()
        return carry

    lax.fori_loop(0, K // 4, body, 0)
    plsc.subcore_barrier()
    sl = pl.ds(s * ROWS_PER_TILE, ROWS_PER_TILE)
    pltpu.sync_copy(acc.at[sl], out_hbm.at[c].at[sl])


@functools.partial(
    pl.kernel,
    out_type=jax.ShapeDtypeStruct((NC, N_PAD, D_HID), jnp.float32),
    mesh=_mesh,
    scratch_types=[
        pltpu.VMEM((K, CHUNK), jnp.int32),
        pltpu.VMEM((K, CHUNK), jnp.int32),
        pltpu.VMEM((8, CHUNK, D_HID), jnp.float32),
        pltpu.VMEM_SHARED((N_PAD, D_HID), jnp.float32),
        pltpu.VMEM_SHARED((N_PAD, D_HID), jnp.float32),
        [pltpu.SemaphoreType.DMA] * 8,
        [pltpu.SemaphoreType.DMA] * 8,
    ],
    compiler_params=_sc_params,
)
def _agg_kernel(src_hbm, dst_hbm, ys_hbm, zeros_hbm, out_hbm,
                src_v, dst_v, rows_v, table, acc, gsems, ssems):
    c = lax.axis_index("c")
    s = lax.axis_index("s")
    c0 = pltpu.async_copy(src_hbm.at[c, s], src_v, gsems[0])
    c1 = pltpu.async_copy(dst_hbm.at[c, s], dst_v, gsems[1])
    tsl = pl.ds(s * TROWS, TROWS)
    c2 = pltpu.async_copy(ys_hbm.at[tsl], table.at[tsl], gsems[2])
    c3 = pltpu.async_copy(
        zeros_hbm, acc.at[pl.ds(s * ROWS_PER_TILE, ROWS_PER_TILE)], gsems[3])
    c2.wait()
    c3.wait()
    plsc.subcore_barrier()
    c0.wait()
    c1.wait()

    def gath(j, u):
        return pltpu.async_copy(table.at[src_v.at[j]], rows_v.at[u], gsems[u])

    def scat(j, u):
        return pltpu.async_copy(rows_v.at[u], acc.at[dst_v.at[j]], ssems[u],
                                add=True)

    def body(i, carry):
        j = 8 * i
        gs = [gath(j + u, u) for u in range(8)]
        ss = []
        for u in range(8):
            gs[u].wait()
            ss.append(scat(j + u, u))
        for s in ss:
            s.wait()
        return carry

    lax.fori_loop(0, K // 8, body, 0)
    plsc.subcore_barrier()
    sl = pl.ds(s * ROWS_PER_TILE, ROWS_PER_TILE)
    pltpu.sync_copy(acc.at[sl], out_hbm.at[c].at[sl])



MROWS = N_PAD * D_HID // 128
_BR = 256
_GRID = MROWS // _BR


def _mm_body(x0, x1, x2, x3, x4, x5, x6, x7, w1_ref, xw_ref):
    w1 = w1_ref[...]
    xw_ref[...] = jnp.concatenate(
        [jnp.dot(xr[...].astype(jnp.bfloat16), w1,
                 preferred_element_type=jnp.float32)
         for xr in (x0, x1, x2, x3, x4, x5, x6, x7)], axis=1)


def _scale_body(xw_ref, degp_ref, ys_ref, dis_ref):
    deg = degp_ref[0] + degp_ref[1] + 1.0
    dis = lax.rsqrt(deg)
    dis_ref[...] = dis
    ys_ref[...] = dis * xw_ref[...]


def _tc2_body(p_ref, dis_ref, ys_ref, b1_ref, w2blk_ref, t2_ref):
    dis = dis_ref[...]
    pre = dis * (p_ref[0] + p_ref[1]) + dis * ys_ref[...] + b1_ref[...]
    h = jnp.maximum(pre, 0.0)
    hw2 = jnp.dot(h, w2blk_ref[...], preferred_element_type=jnp.float32)
    t2_ref[...] = dis * hw2


def _tc3_body(q_ref, dis_ref, t2_ref, b2_ref, ssum_ref, sbc_ref, out_ref):
    dis = dis_ref[...]
    t = dis * (q_ref[0] + q_ref[1]) + dis * t2_ref[...] + b2_ref[...]
    e = jnp.exp(t)
    s8 = jnp.dot(e, ssum_ref[...], preferred_element_type=jnp.float32,
                 precision=lax.Precision.HIGHEST)
    lse = jnp.log(s8)
    lseb = jnp.dot(lse, sbc_ref[...], preferred_element_type=jnp.float32,
                   precision=lax.Precision.HIGHEST)
    out_ref[...] = t - lseb


def _xspec(g):
    return pl.BlockSpec((_BR, D_IN), lambda i, g=g: (_GRID * g + i, 0))


_mm = pl.pallas_call(
    _mm_body,
    grid=(_GRID,),
    in_specs=[_xspec(g) for g in range(8)] + [
        pl.BlockSpec((D_IN, D_HID), lambda i: (0, 0)),
    ],
    out_specs=[pl.BlockSpec((_BR, 128), lambda i: (i, 0))],
    out_shape=[jax.ShapeDtypeStruct((MROWS, 128), jnp.float32)],
)

_scale = pl.pallas_call(
    _scale_body,
    grid=(1,),
    in_specs=[
        pl.BlockSpec((MROWS, 128), lambda i: (0, 0)),
        pl.BlockSpec((NC, MROWS, 128), lambda i: (0, 0, 0)),
    ],
    out_specs=[
        pl.BlockSpec((MROWS, 128), lambda i: (0, 0)),
        pl.BlockSpec((MROWS, 128), lambda i: (0, 0)),
    ],
    out_shape=[
        jax.ShapeDtypeStruct((MROWS, 128), jnp.float32),
        jax.ShapeDtypeStruct((MROWS, 128), jnp.float32),
    ],
)

_tc2 = pl.pallas_call(
    _tc2_body,
    grid=(1,),
    in_specs=[
        pl.BlockSpec((NC, MROWS, 128), lambda i: (0, 0, 0)),
        pl.BlockSpec((MROWS, 128), lambda i: (0, 0)),
        pl.BlockSpec((MROWS, 128), lambda i: (0, 0)),
        pl.BlockSpec((128,), lambda i: (0,)),
        pl.BlockSpec((128, 128), lambda i: (0, 0)),
    ],
    out_specs=[pl.BlockSpec((MROWS, 128), lambda i: (0, 0))],
    out_shape=[jax.ShapeDtypeStruct((MROWS, 128), jnp.float32)],
)

_tc3 = pl.pallas_call(
    _tc3_body,
    grid=(1,),
    in_specs=[
        pl.BlockSpec((NC, MROWS, 128), lambda i: (0, 0, 0)),
        pl.BlockSpec((MROWS, 128), lambda i: (0, 0)),
        pl.BlockSpec((MROWS, 128), lambda i: (0, 0)),
        pl.BlockSpec((128,), lambda i: (0,)),
        pl.BlockSpec((128, 8), lambda i: (0, 0)),
        pl.BlockSpec((8, 128), lambda i: (0, 0)),
    ],
    out_specs=[pl.BlockSpec((MROWS, 128), lambda i: (0, 0))],
    out_shape=[jax.ShapeDtypeStruct((MROWS, 128), jnp.float32)],
)



def kernel(x, edge_index, W1, b1, W2, b2):
    npad = E_PAD - N_EDGES
    q = N_NODES // 8
    em = (edge_index.astype(jnp.int32) % 1280) * 8 \
        + edge_index.astype(jnp.int32) // 1280
    spread = 8 * (1040 + jnp.arange(npad, dtype=jnp.int32) % 240) + 7
    padconst = jnp.concatenate(
        [jnp.zeros((2, N_EDGES), jnp.int32),
         jnp.broadcast_to(spread, (2, npad))], axis=1)
    ep = jnp.pad(em, ((0, 0), (0, npad))) + padconst
    srcp = ep[0].reshape(NC, NS, K, CHUNK)
    dstp = ep[1].reshape(NC, NS, K, CHUNK)

    ones16 = jnp.ones((CHUNK, D_HID), jnp.float32)
    zeros16 = jnp.zeros((ROWS_PER_TILE, D_HID), jnp.float32)
    eye8 = jnp.eye(8, dtype=jnp.float32)
    w1b = W1.astype(jnp.bfloat16)
    w2pad = jnp.pad(W2, ((0, 0), (0, D_HID - D_OUT)))
    w2blk = jnp.kron(eye8, w2pad)
    b1t = jnp.tile(b1, 8)
    b2t = jnp.tile(jnp.pad(b2, (0, D_HID - D_OUT)), 8)
    lane = jnp.arange(128, dtype=jnp.int32)
    ssum = ((lane[:, None] // D_HID == jnp.arange(8)[None, :])
            & (lane[:, None] % D_HID < D_OUT)).astype(jnp.float32)
    sbc = (lane[None, :] // D_HID == jnp.arange(8)[:, None]).astype(
        jnp.float32)

    degp = _deg_kernel(dstp, ones16, zeros16)
    (xw,) = _mm(x, x, x, x, x, x, x, x, w1b)
    ys2d, dis2d = _scale(xw, degp.reshape(NC, MROWS, 128))
    p1 = _agg_kernel(srcp, dstp, ys2d.reshape(N_PAD, D_HID), zeros16)
    (t2,) = _tc2(p1.reshape(NC, MROWS, 128), dis2d, ys2d, b1t, w2blk)
    p2 = _agg_kernel(srcp, dstp, t2.reshape(N_PAD, D_HID), zeros16)
    (outp,) = _tc3(p2.reshape(NC, MROWS, 128), dis2d, t2, b2t, ssum, sbc)
    outn = outp.reshape(MROWS, 8, D_HID).transpose(1, 0, 2)
    return outn.reshape(N_PAD, D_HID)[:N_NODES, :D_OUT]

# --- scband reference (transcript-rebuilt; emitter-appended) ---
"""Pipeline reference for scband-gcn-27642409517642 (READ-ONLY COPY).

The authoritative reference and input builder live on the scoring server;
editing this copy changes nothing except your own understanding.
"""

import jax, jax.numpy as jnp
import numpy as np

N_NODES = 10000
N_EDGES = 160000
D_IN = 384
D_HID = 16
D_OUT = 8


def setup_inputs(seed: int = 0) -> dict:
    key = jax.random.key(seed)
    k1, k2, k3, k4, k5, k6 = jax.random.split(key, 6)
    x = jax.random.normal(k1, (N_NODES, D_IN), dtype=jnp.float32)
    edge_index = jax.random.randint(k2, (2, N_EDGES), 0, N_NODES, dtype=jnp.int64 if jax.config.jax_enable_x64 else jnp.int32)
    # Glorot-style init for GCNConv weights, zeros for bias (PyG defaults)
    W1 = jax.random.normal(k3, (D_IN, D_HID), dtype=jnp.float32) * (1.0 / np.sqrt(D_IN))
    b1 = jnp.zeros((D_HID,), dtype=jnp.float32)
    W2 = jax.random.normal(k4, (D_HID, D_OUT), dtype=jnp.float32) * (1.0 / np.sqrt(D_HID))
    b2 = jnp.zeros((D_OUT,), dtype=jnp.float32)
    return {"x": x, "edge_index": edge_index, "W1": W1, "b1": b1, "W2": W2, "b2": b2}


def _gcn_conv(x, edge_index, W, b, num_nodes):
    # linear transform first (PyG GCNConv applies lin before propagate)
    xw = x @ W
    src = edge_index[0]
    dst = edge_index[1]
    # add self loops
    loop = jnp.arange(num_nodes, dtype=src.dtype)
    src = jnp.concatenate([src, loop])
    dst = jnp.concatenate([dst, loop])
    # symmetric normalization D^{-1/2} (A+I) D^{-1/2}
    deg = jnp.zeros((num_nodes,), dtype=xw.dtype).at[dst].add(1.0)
    deg_inv_sqrt = jnp.where(deg > 0, 1.0 / jnp.sqrt(deg), 0.0)
    norm = deg_inv_sqrt[src] * deg_inv_sqrt[dst]
    # message = norm * x_j (gather from src), aggregate sum at dst
    msgs = xw[src] * norm[:, None]
    out = jnp.zeros((num_nodes, xw.shape[1]), dtype=xw.dtype).at[dst].add(msgs)
    return out + b


def reference(x, edge_index, W1, b1, W2, b2):
    n = x.shape[0]
    h = _gcn_conv(x, edge_index, W1, b1, n)
    h = jax.nn.relu(h)
    # dropout inactive in eval mode (training=False)
    h = _gcn_conv(h, edge_index, W2, b2, n)
    return jax.nn.log_softmax(h, axis=1)

if __name__ == "__main__":
    import jax
    _d = setup_inputs()
    print(jax.jit(kernel)(*tuple(_d.values())))

</pallas_src>

<mosaic_0001>
#map = affine_map<(d0, d1) -> (0, 0, 0, 0)>
#map1 = affine_map<(d0, d1) -> (0, 0)>
#map2 = affine_map<(d0, d1) -> (0, 0, 0)>
module attributes {stable_mosaic.version = 14 : i64} {
  func.func @_deg_kernel(%arg0: i32, %arg1: i32, %arg2: memref<2x16x40x128xi32, #tpu.memory_space<hbm>>, %arg3: memref<128x16xf32, #tpu.memory_space<hbm>>, %arg4: memref<640x16xf32, #tpu.memory_space<hbm>>, %arg5: memref<2x10240x16xf32, #tpu.memory_space<hbm>>, %arg6: memref<40x128xi32, #tpu.memory_space<vmem>>, %arg7: memref<128x16xf32, #tpu.memory_space<vmem>>, %arg8: memref<10240x16xf32, #tpu.memory_space<vmem_shared>>, %arg9: memref<!tpu.dma_semaphore, #tpu.memory_space<semaphore_mem>>, %arg10: memref<!tpu.dma_semaphore, #tpu.memory_space<semaphore_mem>>, %arg11: memref<!tpu.dma_semaphore, #tpu.memory_space<semaphore_mem>>, %arg12: memref<!tpu.dma_semaphore, #tpu.memory_space<semaphore_mem>>) attributes {dimension_semantics = [#tpu.dimension_semantics<core_parallel>, #tpu.dimension_semantics<subcore_parallel>], iteration_bounds = array<i64: 2, 16>, scalar_prefetch = 0 : i64, scratch_operands = 7 : i64, tpu.core_type = #tpu.core_type<sc_vector_subcore>, window_params = [{transform_indices = #map}, {transform_indices = #map1}, {transform_indices = #map1}, {transform_indices = #map2}]} {
    %dma_start3A = arith.constant 0 : i32
    %dma_start3A_0 = arith.constant 0 : i32
    %dma_start3A_1 = tpu.memref_slice %arg2[%arg0, %arg1, %dma_start3A, %dma_start3A_0] : memref<2x16x40x128xi32, #tpu.memory_space<hbm>> -> memref<1x1x40x128xi32, #tpu.memory_space<hbm>>
    %dma_start3A_2 = tpu.memref_squeeze %dma_start3A_1 : memref<1x1x40x128xi32, #tpu.memory_space<hbm>> -> memref<40x128xi32, #tpu.memory_space<hbm>>
    %dma_start3A_3 = arith.constant 0 : i32
    %dma_start3A_4 = arith.constant 0 : i32
    %dma_start3A_5 = tpu.memref_slice %arg2[%arg0, %arg1, %dma_start3A_3, %dma_start3A_4] : memref<2x16x40x128xi32, #tpu.memory_space<hbm>> -> memref<1x1x40x128xi32, #tpu.memory_space<hbm>>
    %dma_start3A_6 = tpu.memref_squeeze %dma_start3A_5 : memref<1x1x40x128xi32, #tpu.memory_space<hbm>> -> memref<40x128xi32, #tpu.memory_space<hbm>>
    tpu.enqueue_dma source(%dma_start3A_6 : memref<40x128xi32, #tpu.memory_space<hbm>>) target(%arg6 : memref<40x128xi32, #tpu.memory_space<vmem>>) target_semaphore(%arg9 : memref<!tpu.dma_semaphore, #tpu.memory_space<semaphore_mem>>)
    tpu.enqueue_dma source(%arg3 : memref<128x16xf32, #tpu.memory_space<hbm>>) target(%arg7 : memref<128x16xf32, #tpu.memory_space<vmem>>) target_semaphore(%arg10 : memref<!tpu.dma_semaphore, #tpu.memory_space<semaphore_mem>>)
    %mul3A = arith.constant 640 : i32
    %mul3A_7 = arith.muli %arg1, %mul3A : i32
    %dma_start3A_8 = arith.constant 0 : i32
    %dma_start3A_9 = tpu.memref_slice %arg8[%mul3A_7, %dma_start3A_8] : memref<10240x16xf32, #tpu.memory_space<vmem_shared>> -> memref<640x16xf32, #tpu.memory_space<vmem_shared>>
    tpu.enqueue_dma source(%arg4 : memref<640x16xf32, #tpu.memory_space<hbm>>) target(%dma_start3A_9 : memref<640x16xf32, #tpu.memory_space<vmem_shared>>) target_semaphore(%arg11 : memref<!tpu.dma_semaphore, #tpu.memory_space<semaphore_mem>>)
    tpu.wait_dma2 semaphore(%arg10 : memref<!tpu.dma_semaphore, #tpu.memory_space<semaphore_mem>>) src(%arg3 : memref<128x16xf32, #tpu.memory_space<hbm>>) dst(%arg7 : memref<128x16xf32, #tpu.memory_space<vmem>>)
    %dma_wait3A = arith.constant 0 : i32
    %dma_wait3A_10 = tpu.memref_slice %arg8[%mul3A_7, %dma_wait3A] : memref<10240x16xf32, #tpu.memory_space<vmem_shared>> -> memref<640x16xf32, #tpu.memory_space<vmem_shared>>
    tpu.wait_dma2 semaphore(%arg11 : memref<!tpu.dma_semaphore, #tpu.memory_space<semaphore_mem>>) src(%arg4 : memref<640x16xf32, #tpu.memory_space<hbm>>) dst(%dma_wait3A_10 : memref<640x16xf32, #tpu.memory_space<vmem_shared>>)
    %barrier3A = arith.constant 0 : index
    tpu.barrier barrier_id(%barrier3A)
    %dma_wait3A_11 = arith.constant 0 : i32
    %dma_wait3A_12 = arith.constant 0 : i32
    %dma_wait3A_13 = tpu.memref_slice %arg2[%arg0, %arg1, %dma_wait3A_11, %dma_wait3A_12] : memref<2x16x40x128xi32, #tpu.memory_space<hbm>> -> memref<1x1x40x128xi32, #tpu.memory_space<hbm>>
    %dma_wait3A_14 = tpu.memref_squeeze %dma_wait3A_13 : memref<1x1x40x128xi32, #tpu.memory_space<hbm>> -> memref<40x128xi32, #tpu.memory_space<hbm>>
    %dma_wait3A_15 = arith.constant 0 : i32
    %dma_wait3A_16 = arith.constant 0 : i32
    %dma_wait3A_17 = tpu.memref_slice %arg2[%arg0, %arg1, %dma_wait3A_15, %dma_wait3A_16] : memref<2x16x40x128xi32, #tpu.memory_space<hbm>> -> memref<1x1x40x128xi32, #tpu.memory_space<hbm>>
    %dma_wait3A_18 = tpu.memref_squeeze %dma_wait3A_17 : memref<1x1x40x128xi32, #tpu.memory_space<hbm>> -> memref<40x128xi32, #tpu.memory_space<hbm>>
    tpu.wait_dma2 semaphore(%arg9 : memref<!tpu.dma_semaphore, #tpu.memory_space<semaphore_mem>>) src(%dma_wait3A_18 : memref<40x128xi32, #tpu.memory_space<hbm>>) dst(%arg6 : memref<40x128xi32, #tpu.memory_space<vmem>>)
    %scan3A = arith.constant 0 : i32
    %scan3A_19 = arith.constant 0 : i32
    %scan3A_20 = arith.constant 10 : i32
    %scan3A_21 = arith.addi %scan3A_19, %scan3A_20 : i32
    %scan3A_22 = arith.constant 1 : i32
    scf.for %scan3A_27 = %scan3A_19 to %scan3A_21 step %scan3A_22  : i32 {
      %mul3A_28 = arith.constant 4 : i32
      %mul3A_29 = arith.muli %mul3A_28, %scan3A_27 : i32
      %add3A = arith.constant 0 : i32
      %add3A_30 = arith.addi %mul3A_29, %add3A : i32
      %dma_start3A_31 = arith.constant 0 : i32
      %dma_start3A_32 = tpu.memref_slice %arg6[%add3A_30, %dma_start3A_31] : memref<40x128xi32, #tpu.memory_space<vmem>> -> memref<1x128xi32, #tpu.memory_space<vmem>>
      %dma_start3A_33 = tpu.memref_squeeze %dma_start3A_32 : memref<1x128xi32, #tpu.memory_space<vmem>> -> memref<128xi32, #tpu.memory_space<vmem>>
      %dma_start3A_34 = arith.constant 0 : i32
      %dma_start3A_35 = arith.constant 0 : i32
      %dma_start3A_36 = tpu.memref_slice %arg8[%dma_start3A_34, %dma_start3A_35] : memref<10240x16xf32, #tpu.memory_space<vmem_shared>> -> memref<10240x16xf32, #tpu.memory_space<vmem_shared>>
      tpu.enqueue_indirect_dma source(%arg7 : memref<128x16xf32, #tpu.memory_space<vmem>>) target(%dma_start3A_36 : memref<10240x16xf32, #tpu.memory_space<vmem_shared>>) offsets(%dma_start3A_33 : memref<128xi32, #tpu.memory_space<vmem>>) semaphore(%arg9 : memref<!tpu.dma_semaphore, #tpu.memory_space<semaphore_mem>>) {add = true}
      %mul3A_37 = arith.constant 4 : i32
      %mul3A_38 = arith.muli %mul3A_37, %scan3A_27 : i32
      %add3A_39 = arith.constant 1 : i32
      %add3A_40 = arith.addi %mul3A_38, %add3A_39 : i32
      %dma_start3A_41 = arith.constant 0 : i32
      %dma_start3A_42 = tpu.memref_slice %arg6[%add3A_40, %dma_start3A_41] : memref<40x128xi32, #tpu.memory_space<vmem>> -> memref<1x128xi32, #tpu.memory_space<vmem>>
      %dma_start3A_43 = tpu.memref_squeeze %dma_start3A_42 : memref<1x128xi32, #tpu.memory_space<vmem>> -> memref<128xi32, #tpu.memory_space<vmem>>
      %dma_start3A_44 = arith.constant 0 : i32
      %dma_start3A_45 = arith.constant 0 : i32
      %dma_start3A_46 = tpu.memref_slice %arg8[%dma_start3A_44, %dma_start3A_45] : memref<10240x16xf32, #tpu.memory_space<vmem_shared>> -> memref<10240x16xf32, #tpu.memory_space<vmem_shared>>
      tpu.enqueue_indirect_dma source(%arg7 : memref<128x16xf32, #tpu.memory_space<vmem>>) target(%dma_start3A_46 : memref<10240x16xf32, #tpu.memory_space<vmem_shared>>) offsets(%dma_start3A_43 : memref<128xi32, #tpu.memory_space<vmem>>) semaphore(%arg10 : memref<!tpu.dma_semaphore, #tpu.memory_space<semaphore_mem>>) {add = true}
      %mul3A_47 = arith.constant 4 : i32
      %mul3A_48 = arith.muli %mul3A_47, %scan3A_27 : i32
      %add3A_49 = arith.constant 2 : i32
      %add3A_50 = arith.addi %mul3A_48, %add3A_49 : i32
      %dma_start3A_51 = arith.constant 0 : i32
      %dma_start3A_52 = tpu.memref_slice %arg6[%add3A_50, %dma_start3A_51] : memref<40x128xi32, #tpu.memory_space<vmem>> -> memref<1x128xi32, #tpu.memory_space<vmem>>
      %dma_start3A_53 = tpu.memref_squeeze %dma_start3A_52 : memref<1x128xi32, #tpu.memory_space<vmem>> -> memref<128xi32, #tpu.memory_space<vmem>>
      %dma_start3A_54 = arith.constant 0 : i32
      %dma_start3A_55 = arith.constant 0 : i32
      %dma_start3A_56 = tpu.memref_slice %arg8[%dma_start3A_54, %dma_start3A_55] : memref<10240x16xf32, #tpu.memory_space<vmem_shared>> -> memref<10240x16xf32, #tpu.memory_space<vmem_shared>>
      tpu.enqueue_indirect_dma source(%arg7 : memref<128x16xf32, #tpu.memory_space<vmem>>) target(%dma_start3A_56 : memref<10240x16xf32, #tpu.memory_space<vmem_shared>>) offsets(%dma_start3A_53 : memref<128xi32, #tpu.memory_space<vmem>>) semaphore(%arg11 : memref<!tpu.dma_semaphore, #tpu.memory_space<semaphore_mem>>) {add = true}
      %mul3A_57 = arith.constant 4 : i32
      %mul3A_58 = arith.muli %mul3A_57, %scan3A_27 : i32
      %add3A_59 = arith.constant 3 : i32
      %add3A_60 = arith.addi %mul3A_58, %add3A_59 : i32
      %dma_start3A_61 = arith.constant 0 : i32
      %dma_start3A_62 = tpu.memref_slice %arg6[%add3A_60, %dma_start3A_61] : memref<40x128xi32, #tpu.memory_space<vmem>> -> memref<1x128xi32, #tpu.memory_space<vmem>>
      %dma_start3A_63 = tpu.memref_squeeze %dma_start3A_62 : memref<1x128xi32, #tpu.memory_space<vmem>> -> memref<128xi32, #tpu.memory_space<vmem>>
      %dma_start3A_64 = arith.constant 0 : i32
      %dma_start3A_65 = arith.constant 0 : i32
      %dma_start3A_66 = tpu.memref_slice %arg8[%dma_start3A_64, %dma_start3A_65] : memref<10240x16xf32, #tpu.memory_space<vmem_shared>> -> memref<10240x16xf32, #tpu.memory_space<vmem_shared>>
      tpu.enqueue_indirect_dma source(%arg7 : memref<128x16xf32, #tpu.memory_space<vmem>>) target(%dma_start3A_66 : memref<10240x16xf32, #tpu.memory_space<vmem_shared>>) offsets(%dma_start3A_63 : memref<128xi32, #tpu.memory_space<vmem>>) semaphore(%arg12 : memref<!tpu.dma_semaphore, #tpu.memory_space<semaphore_mem>>) {add = true}
      %dma_wait3A_67 = arith.constant 0 : i32
      %dma_wait3A_68 = tpu.memref_slice %arg6[%add3A_30, %dma_wait3A_67] : memref<40x128xi32, #tpu.memory_space<vmem>> -> memref<1x128xi32, #tpu.memory_space<vmem>>
      %dma_wait3A_69 = tpu.memref_squeeze %dma_wait3A_68 : memref<1x128xi32, #tpu.memory_space<vmem>> -> memref<128xi32, #tpu.memory_space<vmem>>
      %dma_wait3A_70 = arith.constant 0 : i32
      %dma_wait3A_71 = arith.constant 0 : i32
      %dma_wait3A_72 = tpu.memref_slice %arg8[%dma_wait3A_70, %dma_wait3A_71] : memref<10240x16xf32, #tpu.memory_space<vmem_shared>> -> memref<10240x16xf32, #tpu.memory_space<vmem_shared>>
      tpu.wait_indirect_dma semaphore(%arg9 : memref<!tpu.dma_semaphore, #tpu.memory_space<semaphore_mem>>) src(%arg7 : memref<128x16xf32, #tpu.memory_space<vmem>>) dst(%dma_wait3A_72 : memref<10240x16xf32, #tpu.memory_space<vmem_shared>>)
      %dma_wait3A_73 = arith.constant 0 : i32
      %dma_wait3A_74 = tpu.memref_slice %arg6[%add3A_40, %dma_wait3A_73] : memref<40x128xi32, #tpu.memory_space<vmem>> -> memref<1x128xi32, #tpu.memory_space<vmem>>
      %dma_wait3A_75 = tpu.memref_squeeze %dma_wait3A_74 : memref<1x128xi32, #tpu.memory_space<vmem>> -> memref<128xi32, #tpu.memory_space<vmem>>
      %dma_wait3A_76 = arith.constant 0 : i32
      %dma_wait3A_77 = arith.constant 0 : i32
      %dma_wait3A_78 = tpu.memref_slice %arg8[%dma_wait3A_76, %dma_wait3A_77] : memref<10240x16xf32, #tpu.memory_space<vmem_shared>> -> memref<10240x16xf32, #tpu.memory_space<vmem_shared>>
      tpu.wait_indirect_dma semaphore(%arg10 : memref<!tpu.dma_semaphore, #tpu.memory_space<semaphore_mem>>) src(%arg7 : memref<128x16xf32, #tpu.memory_space<vmem>>) dst(%dma_wait3A_78 : memref<10240x16xf32, #tpu.memory_space<vmem_shared>>)
      %dma_wait3A_79 = arith.constant 0 : i32
      %dma_wait3A_80 = tpu.memref_slice %arg6[%add3A_50, %dma_wait3A_79] : memref<40x128xi32, #tpu.memory_space<vmem>> -> memref<1x128xi32, #tpu.memory_space<vmem>>
      %dma_wait3A_81 = tpu.memref_squeeze %dma_wait3A_80 : memref<1x128xi32, #tpu.memory_space<vmem>> -> memref<128xi32, #tpu.memory_space<vmem>>
      %dma_wait3A_82 = arith.constant 0 : i32
      %dma_wait3A_83 = arith.constant 0 : i32
      %dma_wait3A_84 = tpu.memref_slice %arg8[%dma_wait3A_82, %dma_wait3A_83] : memref<10240x16xf32, #tpu.memory_space<vmem_shared>> -> memref<10240x16xf32, #tpu.memory_space<vmem_shared>>
      tpu.wait_indirect_dma semaphore(%arg11 : memref<!tpu.dma_semaphore, #tpu.memory_space<semaphore_mem>>) src(%arg7 : memref<128x16xf32, #tpu.memory_space<vmem>>) dst(%dma_wait3A_84 : memref<10240x16xf32, #tpu.memory_space<vmem_shared>>)
      %dma_wait3A_85 = arith.constant 0 : i32
      %dma_wait3A_86 = tpu.memref_slice %arg6[%add3A_60, %dma_wait3A_85] : memref<40x128xi32, #tpu.memory_space<vmem>> -> memref<1x128xi32, #tpu.memory_space<vmem>>
      %dma_wait3A_87 = tpu.memref_squeeze %dma_wait3A_86 : memref<1x128xi32, #tpu.memory_space<vmem>> -> memref<128xi32, #tpu.memory_space<vmem>>
      %dma_wait3A_88 = arith.constant 0 : i32
      %dma_wait3A_89 = arith.constant 0 : i32
      %dma_wait3A_90 = tpu.memref_slice %arg8[%dma_wait3A_88, %dma_wait3A_89] : memref<10240x16xf32, #tpu.memory_space<vmem_shared>> -> memref<10240x16xf32, #tpu.memory_space<vmem_shared>>
      tpu.wait_indirect_dma semaphore(%arg12 : memref<!tpu.dma_semaphore, #tpu.memory_space<semaphore_mem>>) src(%arg7 : memref<128x16xf32, #tpu.memory_space<vmem>>) dst(%dma_wait3A_90 : memref<10240x16xf32, #tpu.memory_space<vmem_shared>>)
    }
    %scan3A_23 = arith.constant 10 : i32
    %barrier3A_24 = arith.constant 0 : index
    tpu.barrier barrier_id(%barrier3A_24)
    %mul3A_25 = arith.constant 640 : i32
    %mul3A_26 = arith.muli %arg1, %mul3A_25 : i32
    "tpu.region"() ({
      %run_scoped3A = tpu.sem_alloc : memref<!tpu.dma_semaphore, #tpu.memory_space<semaphore_mem>>
      %dma_start3A_27 = arith.constant 0 : i32
      %dma_start3A_28 = arith.constant 0 : i32
      %dma_start3A_29 = tpu.memref_slice %arg5[%arg0, %dma_start3A_27, %dma_start3A_28] : memref<2x10240x16xf32, #tpu.memory_space<hbm>> -> memref<1x10240x16xf32, #tpu.memory_space<hbm>>
      %dma_start3A_30 = tpu.memref_squeeze %dma_start3A_29 : memref<1x10240x16xf32, #tpu.memory_space<hbm>> -> memref<10240x16xf32, #tpu.memory_space<hbm>>
      %dma_start3A_31 = arith.constant 0 : i32
      %dma_start3A_32 = tpu.memref_slice %dma_start3A_30[%mul3A_26, %dma_start3A_31] : memref<10240x16xf32, #tpu.memory_space<hbm>> -> memref<640x16xf32, #tpu.memory_space<hbm>>
      %dma_start3A_33 = arith.constant 0 : i32
      %dma_start3A_34 = tpu.memref_slice %arg8[%mul3A_26, %dma_start3A_33] : memref<10240x16xf32, #tpu.memory_space<vmem_shared>> -> memref<640x16xf32, #tpu.memory_space<vmem_shared>>
      tpu.enqueue_dma source(%dma_start3A_34 : memref<640x16xf32, #tpu.memory_space<vmem_shared>>) target(%dma_start3A_32 : memref<640x16xf32, #tpu.memory_space<hbm>>) target_semaphore(%run_scoped3A : memref<!tpu.dma_semaphore, #tpu.memory_space<semaphore_mem>>)
      %dma_wait3A_35 = arith.constant 0 : i32
      %dma_wait3A_36 = arith.constant 0 : i32
      %dma_wait3A_37 = tpu.memref_slice %arg5[%arg0, %dma_wait3A_35, %dma_wait3A_36] : memref<2x10240x16xf32, #tpu.memory_space<hbm>> -> memref<1x10240x16xf32, #tpu.memory_space<hbm>>
      %dma_wait3A_38 = tpu.memref_squeeze %dma_wait3A_37 : memref<1x10240x16xf32, #tpu.memory_space<hbm>> -> memref<10240x16xf32, #tpu.memory_space<hbm>>
      %dma_wait3A_39 = arith.constant 0 : i32
      %dma_wait3A_40 = tpu.memref_slice %dma_wait3A_38[%mul3A_26, %dma_wait3A_39] : memref<10240x16xf32, #tpu.memory_space<hbm>> -> memref<640x16xf32, #tpu.memory_space<hbm>>
      %dma_wait3A_41 = arith.constant 0 : i32
      %dma_wait3A_42 = tpu.memref_slice %arg8[%mul3A_26, %dma_wait3A_41] : memref<10240x16xf32, #tpu.memory_space<vmem_shared>> -> memref<640x16xf32, #tpu.memory_space<vmem_shared>>
      tpu.wait_dma2 semaphore(%run_scoped3A : memref<!tpu.dma_semaphore, #tpu.memory_space<semaphore_mem>>) src(%dma_wait3A_42 : memref<640x16xf32, #tpu.memory_space<vmem_shared>>) dst(%dma_wait3A_40 : memref<640x16xf32, #tpu.memory_space<hbm>>)
      tpu.yield
    }) : () -> ()
    return
  }
}

#map = affine_map<(d0, d1) -> (0, 0, 0, 0)>
#map1 = affine_map<(d0, d1) -> (0, 0)>
#map2 = affine_map<(d0, d1) -> (0, 0, 0)>
module attributes {stable_mosaic.version = 14 : i64} {
  func.func @_agg_kernel(%arg0: i32, %arg1: i32, %arg2: memref<2x16x40x128xi32, #tpu.memory_space<hbm>>, %arg3: memref<2x16x40x128xi32, #tpu.memory_space<hbm>>, %arg4: memref<10240x16xf32, #tpu.memory_space<hbm>>, %arg5: memref<640x16xf32, #tpu.memory_space<hbm>>, %arg6: memref<2x10240x16xf32, #tpu.memory_space<hbm>>, %arg7: memref<40x128xi32, #tpu.memory_space<vmem>>, %arg8: memref<40x128xi32, #tpu.memory_space<vmem>>, %arg9: memref<8x128x16xf32, #tpu.memory_space<vmem>>, %arg10: memref<10240x16xf32, #tpu.memory_space<vmem_shared>>, %arg11: memref<10240x16xf32, #tpu.memory_space<vmem_shared>>, %arg12: memref<!tpu.dma_semaphore, #tpu.memory_space<semaphore_mem>>, %arg13: memref<!tpu.dma_semaphore, #tpu.memory_space<semaphore_mem>>, %arg14: memref<!tpu.dma_semaphore, #tpu.memory_space<semaphore_mem>>, %arg15: memref<!tpu.dma_semaphore, #tpu.memory_space<semaphore_mem>>, %arg16: memref<!tpu.dma_semaphore, #tpu.memory_space<semaphore_mem>>, %arg17: memref<!tpu.dma_semaphore, #tpu.memory_space<semaphore_mem>>, %arg18: memref<!tpu.dma_semaphore, #tpu.memory_space<semaphore_mem>>, %arg19: memref<!tpu.dma_semaphore, #tpu.memory_space<semaphore_mem>>, %arg20: memref<!tpu.dma_semaphore, #tpu.memory_space<semaphore_mem>>, %arg21: memref<!tpu.dma_semaphore, #tpu.memory_space<semaphore_mem>>, %arg22: memref<!tpu.dma_semaphore, #tpu.memory_space<semaphore_mem>>, %arg23: memref<!tpu.dma_semaphore, #tpu.memory_space<semaphore_mem>>, %arg24: memref<!tpu.dma_semaphore, #tpu.memory_space<semaphore_mem>>, %arg25: memref<!tpu.dma_semaphore, #tpu.memory_space<semaphore_mem>>, %arg26: memref<!tpu.dma_semaphore, #tpu.memory_space<semaphore_mem>>, %arg27: memref<!tpu.dma_semaphore, #tpu.memory_space<semaphore_mem>>) attributes {dimension_semantics = [#tpu.dimension_semantics<core_parallel>, #tpu.dimension_semantics<subcore_parallel>], iteration_bounds = array<i64: 2, 16>, scalar_prefetch = 0 : i64, scratch_operands = 21 : i64, tpu.core_type = #tpu.core_type<sc_vector_subcore>, window_params = [{transform_indices = #map}, {transform_indices = #map}, {transform_indices = #map1}, {transform_indices = #map1}, {transform_indices = #map2}]} {
    %dma_start3A = arith.constant 0 : i32
    %dma_start3A_0 = arith.constant 0 : i32
    %dma_start3A_1 = tpu.memref_slice %arg2[%arg0, %arg1, %dma_start3A, %dma_start3A_0] : memref<2x16x40x128xi32, #tpu.memory_space<hbm>> -> memref<1x1x40x128xi32, #tpu.memory_space<hbm>>
    %dma_start3A_2 = tpu.memref_squeeze %dma_start3A_1 : memref<1x1x40x128xi32, #tpu.memory_space<hbm>> -> memref<40x128xi32, #tpu.memory_space<hbm>>
    %dma_start3A_3 = arith.constant 0 : i32
    %dma_start3A_4 = arith.constant 0 : i32
    %dma_start3A_5 = tpu.memref_slice %arg2[%arg0, %arg1, %dma_start3A_3, %dma_start3A_4] : memref<2x16x40x128xi32, #tpu.memory_space<hbm>> -> memref<1x1x40x128xi32, #tpu.memory_space<hbm>>
    %dma_start3A_6 = tpu.memref_squeeze %dma_start3A_5 : memref<1x1x40x128xi32, #tpu.memory_space<hbm>> -> memref<40x128xi32, #tpu.memory_space<hbm>>
    tpu.enqueue_dma source(%dma_start3A_6 : memref<40x128xi32, #tpu.memory_space<hbm>>) target(%arg7 : memref<40x128xi32, #tpu.memory_space<vmem>>) target_semaphore(%arg12 : memref<!tpu.dma_semaphore, #tpu.memory_space<semaphore_mem>>)
    %dma_start3A_7 = arith.constant 0 : i32
    %dma_start3A_8 = arith.constant 0 : i32
    %dma_start3A_9 = tpu.memref_slice %arg3[%arg0, %arg1, %dma_start3A_7, %dma_start3A_8] : memref<2x16x40x128xi32, #tpu.memory_space<hbm>> -> memref<1x1x40x128xi32, #tpu.memory_space<hbm>>
    %dma_start3A_10 = tpu.memref_squeeze %dma_start3A_9 : memref<1x1x40x128xi32, #tpu.memory_space<hbm>> -> memref<40x128xi32, #tpu.memory_space<hbm>>
    %dma_start3A_11 = arith.constant 0 : i32
    %dma_start3A_12 = arith.constant 0 : i32
    %dma_start3A_13 = tpu.memref_slice %arg3[%arg0, %arg1, %dma_start3A_11, %dma_start3A_12] : memref<2x16x40x128xi32, #tpu.memory_space<hbm>> -> memref<1x1x40x128xi32, #tpu.memory_space<hbm>>
    %dma_start3A_14 = tpu.memref_squeeze %dma_start3A_13 : memref<1x1x40x128xi32, #tpu.memory_space<hbm>> -> memref<40x128xi32, #tpu.memory_space<hbm>>
    tpu.enqueue_dma source(%dma_start3A_14 : memref<40x128xi32, #tpu.memory_space<hbm>>) target(%arg8 : memref<40x128xi32, #tpu.memory_space<vmem>>) target_semaphore(%arg13 : memref<!tpu.dma_semaphore, #tpu.memory_space<semaphore_mem>>)
    %mul3A = arith.constant 640 : i32
    %mul3A_15 = arith.muli %arg1, %mul3A : i32
    %dma_start3A_16 = arith.constant 0 : i32
    %dma_start3A_17 = tpu.memref_slice %arg10[%mul3A_15, %dma_start3A_16] : memref<10240x16xf32, #tpu.memory_space<vmem_shared>> -> memref<640x16xf32, #tpu.memory_space<vmem_shared>>
    %dma_start3A_18 = arith.constant 0 : i32
    %dma_start3A_19 = tpu.memref_slice %arg4[%mul3A_15, %dma_start3A_18] : memref<10240x16xf32, #tpu.memory_space<hbm>> -> memref<640x16xf32, #tpu.memory_space<hbm>>
    tpu.enqueue_dma source(%dma_start3A_19 : memref<640x16xf32, #tpu.memory_space<hbm>>) target(%dma_start3A_17 : memref<640x16xf32, #tpu.memory_space<vmem_shared>>) target_semaphore(%arg14 : memref<!tpu.dma_semaphore, #tpu.memory_space<semaphore_mem>>)
    %mul3A_20 = arith.constant 640 : i32
    %mul3A_21 = arith.muli %arg1, %mul3A_20 : i32
    %dma_start3A_22 = arith.constant 0 : i32
    %dma_start3A_23 = tpu.memref_slice %arg11[%mul3A_21, %dma_start3A_22] : memref<10240x16xf32, #tpu.memory_space<vmem_shared>> -> memref<640x16xf32, #tpu.memory_space<vmem_shared>>
    tpu.enqueue_dma source(%arg5 : memref<640x16xf32, #tpu.memory_space<hbm>>) target(%dma_start3A_23 : memref<640x16xf32, #tpu.memory_space<vmem_shared>>) target_semaphore(%arg15 : memref<!tpu.dma_semaphore, #tpu.memory_space<semaphore_mem>>)
    %dma_wait3A = arith.constant 0 : i32
    %dma_wait3A_24 = tpu.memref_slice %arg10[%mul3A_15, %dma_wait3A] : memref<10240x16xf32, #tpu.memory_space<vmem_shared>> -> memref<640x16xf32, #tpu.memory_space<vmem_shared>>
    %dma_wait3A_25 = arith.constant 0 : i32
    %dma_wait3A_26 = tpu.memref_slice %arg4[%mul3A_15, %dma_wait3A_25] : memref<10240x16xf32, #tpu.memory_space<hbm>> -> memref<640x16xf32, #tpu.memory_space<hbm>>
    tpu.wait_dma2 semaphore(%arg14 : memref<!tpu.dma_semaphore, #tpu.memory_space<semaphore_mem>>) src(%dma_wait3A_26 : memref<640x16xf32, #tpu.memory_space<hbm>>) dst(%dma_wait3A_24 : memref<640x16xf32, #tpu.memory_space<vmem_shared>>)
    %dma_wait3A_27 = arith.constant 0 : i32
    %dma_wait3A_28 = tpu.memref_slice %arg11[%mul3A_21, %dma_wait3A_27] : memref<10240x16xf32, #tpu.memory_space<vmem_shared>> -> memref<640x16xf32, #tpu.memory_space<vmem_shared>>
    tpu.wait_dma2 semaphore(%arg15 : memref<!tpu.dma_semaphore, #tpu.memory_space<semaphore_mem>>) src(%arg5 : memref<640x16xf32, #tpu.memory_space<hbm>>) dst(%dma_wait3A_28 : memref<640x16xf32, #tpu.memory_space<vmem_shared>>)
    %barrier3A = arith.constant 0 : index
    tpu.barrier barrier_id(%barrier3A)
    %dma_wait3A_29 = arith.constant 0 : i32
    %dma_wait3A_30 = arith.constant 0 : i32
    %dma_wait3A_31 = tpu.memref_slice %arg2[%arg0, %arg1, %dma_wait3A_29, %dma_wait3A_30] : memref<2x16x40x128xi32, #tpu.memory_space<hbm>> -> memref<1x1x40x128xi32, #tpu.memory_space<hbm>>
    %dma_wait3A_32 = tpu.memref_squeeze %dma_wait3A_31 : memref<1x1x40x128xi32, #tpu.memory_space<hbm>> -> memref<40x128xi32, #tpu.memory_space<hbm>>
    %dma_wait3A_33 = arith.constant 0 : i32
    %dma_wait3A_34 = arith.constant 0 : i32
    %dma_wait3A_35 = tpu.memref_slice %arg2[%arg0, %arg1, %dma_wait3A_33, %dma_wait3A_34] : memref<2x16x40x128xi32, #tpu.memory_space<hbm>> -> memref<1x1x40x128xi32, #tpu.memory_space<hbm>>
    %dma_wait3A_36 = tpu.memref_squeeze %dma_wait3A_35 : memref<1x1x40x128xi32, #tpu.memory_space<hbm>> -> memref<40x128xi32, #tpu.memory_space<hbm>>
    tpu.wait_dma2 semaphore(%arg12 : memref<!tpu.dma_semaphore, #tpu.memory_space<semaphore_mem>>) src(%dma_wait3A_36 : memref<40x128xi32, #tpu.memory_space<hbm>>) dst(%arg7 : memref<40x128xi32, #tpu.memory_space<vmem>>)
    %dma_wait3A_37 = arith.constant 0 : i32
    %dma_wait3A_38 = arith.constant 0 : i32
    %dma_wait3A_39 = tpu.memref_slice %arg3[%arg0, %arg1, %dma_wait3A_37, %dma_wait3A_38] : memref<2x16x40x128xi32, #tpu.memory_space<hbm>> -> memref<1x1x40x128xi32, #tpu.memory_space<hbm>>
    %dma_wait3A_40 = tpu.memref_squeeze %dma_wait3A_39 : memref<1x1x40x128xi32, #tpu.memory_space<hbm>> -> memref<40x128xi32, #tpu.memory_space<hbm>>
    %dma_wait3A_41 = arith.constant 0 : i32
    %dma_wait3A_42 = arith.constant 0 : i32
    %dma_wait3A_43 = tpu.memref_slice %arg3[%arg0, %arg1, %dma_wait3A_41, %dma_wait3A_42] : memref<2x16x40x128xi32, #tpu.memory_space<hbm>> -> memref<1x1x40x128xi32, #tpu.memory_space<hbm>>
    %dma_wait3A_44 = tpu.memref_squeeze %dma_wait3A_43 : memref<1x1x40x128xi32, #tpu.memory_space<hbm>> -> memref<40x128xi32, #tpu.memory_space<hbm>>
    tpu.wait_dma2 semaphore(%arg13 : memref<!tpu.dma_semaphore, #tpu.memory_space<semaphore_mem>>) src(%dma_wait3A_44 : memref<40x128xi32, #tpu.memory_space<hbm>>) dst(%arg8 : memref<40x128xi32, #tpu.memory_space<vmem>>)
    %scan3A = arith.constant 0 : i32
    %scan3A_45 = arith.constant 0 : i32
    %scan3A_46 = arith.constant 5 : i32
    %scan3A_47 = arith.addi %scan3A_45, %scan3A_46 : i32
    %scan3A_48 = arith.constant 1 : i32
    scf.for %scan3A_53 = %scan3A_45 to %scan3A_47 step %scan3A_48  : i32 {
      %mul3A_54 = arith.constant 8 : i32
      %mul3A_55 = arith.muli %mul3A_54, %scan3A_53 : i32
      %add3A = arith.constant 0 : i32
      %add3A_56 = arith.addi %mul3A_55, %add3A : i32
      %dma_start3A_57 = arith.constant 0 : i32
      %dma_start3A_58 = arith.constant 0 : i32
      %dma_start3A_59 = arith.constant 0 : i32
      %dma_start3A_60 = tpu.memref_slice %arg9[%dma_start3A_57, %dma_start3A_58, %dma_start3A_59] : memref<8x128x16xf32, #tpu.memory_space<vmem>> -> memref<1x128x16xf32, #tpu.memory_space<vmem>>
      %dma_start3A_61 = tpu.memref_squeeze %dma_start3A_60 : memref<1x128x16xf32, #tpu.memory_space<vmem>> -> memref<128x16xf32, #tpu.memory_space<vmem>>
      %dma_start3A_62 = arith.constant 0 : i32
      %dma_start3A_63 = tpu.memref_slice %arg7[%add3A_56, %dma_start3A_62] : memref<40x128xi32, #tpu.memory_space<vmem>> -> memref<1x128xi32, #tpu.memory_space<vmem>>
      %dma_start3A_64 = tpu.memref_squeeze %dma_start3A_63 : memref<1x128xi32, #tpu.memory_space<vmem>> -> memref<128xi32, #tpu.memory_space<vmem>>
      %dma_start3A_65 = arith.constant 0 : i32
      %dma_start3A_66 = arith.constant 0 : i32
      %dma_start3A_67 = tpu.memref_slice %arg10[%dma_start3A_65, %dma_start3A_66] : memref<10240x16xf32, #tpu.memory_space<vmem_shared>> -> memref<10240x16xf32, #tpu.memory_space<vmem_shared>>
      tpu.enqueue_indirect_dma source(%dma_start3A_67 : memref<10240x16xf32, #tpu.memory_space<vmem_shared>>) target(%dma_start3A_61 : memref<128x16xf32, #tpu.memory_space<vmem>>) offsets(%dma_start3A_64 : memref<128xi32, #tpu.memory_space<vmem>>) semaphore(%arg12 : memref<!tpu.dma_semaphore, #tpu.memory_space<semaphore_mem>>)
      %add3A_68 = arith.constant 1 : i32
      %add3A_69 = arith.addi %mul3A_55, %add3A_68 : i32
      %dma_start3A_70 = arith.constant 1 : i32
      %dma_start3A_71 = arith.constant 0 : i32
      %dma_start3A_72 = arith.constant 0 : i32
      %dma_start3A_73 = tpu.memref_slice %arg9[%dma_start3A_70, %dma_start3A_71, %dma_start3A_72] : memref<8x128x16xf32, #tpu.memory_space<vmem>> -> memref<1x128x16xf32, #tpu.memory_space<vmem>>
      %dma_start3A_74 = tpu.memref_squeeze %dma_start3A_73 : memref<1x128x16xf32, #tpu.memory_space<vmem>> -> memref<128x16xf32, #tpu.memory_space<vmem>>
      %dma_start3A_75 = arith.constant 0 : i32
      %dma_start3A_76 = tpu.memref_slice %arg7[%add3A_69, %dma_start3A_75] : memref<40x128xi32, #tpu.memory_space<vmem>> -> memref<1x128xi32, #tpu.memory_space<vmem>>
      %dma_start3A_77 = tpu.memref_squeeze %dma_start3A_76 : memref<1x128xi32, #tpu.memory_space<vmem>> -> memref<128xi32, #tpu.memory_space<vmem>>
      %dma_start3A_78 = arith.constant 0 : i32
      %dma_start3A_79 = arith.constant 0 : i32
      %dma_start3A_80 = tpu.memref_slice %arg10[%dma_start3A_78, %dma_start3A_79] : memref<10240x16xf32, #tpu.memory_space<vmem_shared>> -> memref<10240x16xf32, #tpu.memory_space<vmem_shared>>
      tpu.enqueue_indirect_dma source(%dma_start3A_80 : memref<10240x16xf32, #tpu.memory_space<vmem_shared>>) target(%dma_start3A_74 : memref<128x16xf32, #tpu.memory_space<vmem>>) offsets(%dma_start3A_77 : memref<128xi32, #tpu.memory_space<vmem>>) semaphore(%arg13 : memref<!tpu.dma_semaphore, #tpu.memory_space<semaphore_mem>>)
      %add3A_81 = arith.constant 2 : i32
      %add3A_82 = arith.addi %mul3A_55, %add3A_81 : i32
      %dma_start3A_83 = arith.constant 2 : i32
      %dma_start3A_84 = arith.constant 0 : i32
      %dma_start3A_85 = arith.constant 0 : i32
      %dma_start3A_86 = tpu.memref_slice %arg9[%dma_start3A_83, %dma_start3A_84, %dma_start3A_85] : memref<8x128x16xf32, #tpu.memory_space<vmem>> -> memref<1x128x16xf32, #tpu.memory_space<vmem>>
      %dma_start3A_87 = tpu.memref_squeeze %dma_start3A_86 : memref<1x128x16xf32, #tpu.memory_space<vmem>> -> memref<128x16xf32, #tpu.memory_space<vmem>>
      %dma_start3A_88 = arith.constant 0 : i32
      %dma_start3A_89 = tpu.memref_slice %arg7[%add3A_82, %dma_start3A_88] : memref<40x128xi32, #tpu.memory_space<vmem>> -> memref<1x128xi32, #tpu.memory_space<vmem>>
      %dma_start3A_90 = tpu.memref_squeeze %dma_start3A_89 : memref<1x128xi32, #tpu.memory_space<vmem>> -> memref<128xi32, #tpu.memory_space<vmem>>
      %dma_start3A_91 = arith.constant 0 : i32
      %dma_start3A_92 = arith.constant 0 : i32
      %dma_start3A_93 = tpu.memref_slice %arg10[%dma_start3A_91, %dma_start3A_92] : memref<10240x16xf32, #tpu.memory_space<vmem_shared>> -> memref<10240x16xf32, #tpu.memory_space<vmem_shared>>
      tpu.enqueue_indirect_dma source(%dma_start3A_93 : memref<10240x16xf32, #tpu.memory_space<vmem_shared>>) target(%dma_start3A_87 : memref<128x16xf32, #tpu.memory_space<vmem>>) offsets(%dma_start3A_90 : memref<128xi32, #tpu.memory_space<vmem>>) semaphore(%arg14 : memref<!tpu.dma_semaphore, #tpu.memory_space<semaphore_mem>>)
      %add3A_94 = arith.constant 3 : i32
      %add3A_95 = arith.addi %mul3A_55, %add3A_94 : i32
      %dma_start3A_96 = arith.constant 3 : i32
      %dma_start3A_97 = arith.constant 0 : i32
      %dma_start3A_98 = arith.constant 0 : i32
      %dma_start3A_99 = tpu.memref_slice %arg9[%dma_start3A_96, %dma_start3A_97, %dma_start3A_98] : memref<8x128x16xf32, #tpu.memory_space<vmem>> -> memref<1x128x16xf32, #tpu.memory_space<vmem>>
      %dma_start3A_100 = tpu.memref_squeeze %dma_start3A_99 : memref<1x128x16xf32, #tpu.memory_space<vmem>> -> memref<128x16xf32, #tpu.memory_space<vmem>>
      %dma_start3A_101 = arith.constant 0 : i32
      %dma_start3A_102 = tpu.memref_slice %arg7[%add3A_95, %dma_start3A_101] : memref<40x128xi32, #tpu.memory_space<vmem>> -> memref<1x128xi32, #tpu.memory_space<vmem>>
      %dma_start3A_103 = tpu.memref_squeeze %dma_start3A_102 : memref<1x128xi32, #tpu.memory_space<vmem>> -> memref<128xi32, #tpu.memory_space<vmem>>
      %dma_start3A_104 = arith.constant 0 : i32
      %dma_start3A_105 = arith.constant 0 : i32
      %dma_start3A_106 = tpu.memref_slice %arg10[%dma_start3A_104, %dma_start3A_105] : memref<10240x16xf32, #tpu.memory_space<vmem_shared>> -> memref<10240x16xf32, #tpu.memory_space<vmem_shared>>
      tpu.enqueue_indirect_dma source(%dma_start3A_106 : memref<10240x16xf32, #tpu.memory_space<vmem_shared>>) target(%dma_start3A_100 : memref<128x16xf32, #tpu.memory_space<vmem>>) offsets(%dma_start3A_103 : memref<128xi32, #tpu.memory_space<vmem>>) semaphore(%arg15 : memref<!tpu.dma_semaphore, #tpu.memory_space<semaphore_mem>>)
      %add3A_107 = arith.constant 4 : i32
      %add3A_108 = arith.addi %mul3A_55, %add3A_107 : i32
      %dma_start3A_109 = arith.constant 4 : i32
      %dma_start3A_110 = arith.constant 0 : i32
      %dma_start3A_111 = arith.constant 0 : i32
      %dma_start3A_112 = tpu.memref_slice %arg9[%dma_start3A_109, %dma_start3A_110, %dma_start3A_111] : memref<8x128x16xf32, #tpu.memory_space<vmem>> -> memref<1x128x16xf32, #tpu.memory_space<vmem>>
      %dma_start3A_113 = tpu.memref_squeeze %dma_start3A_112 : memref<1x128x16xf32, #tpu.memory_space<vmem>> -> memref<128x16xf32, #tpu.memory_space<vmem>>
      %dma_start3A_114 = arith.constant 0 : i32
      %dma_start3A_115 = tpu.memref_slice %arg7[%add3A_108, %dma_start3A_114] : memref<40x128xi32, #tpu.memory_space<vmem>> -> memref<1x128xi32, #tpu.memory_space<vmem>>
      %dma_start3A_116 = tpu.memref_squeeze %dma_start3A_115 : memref<1x128xi32, #tpu.memory_space<vmem>> -> memref<128xi32, #tpu.memory_space<vmem>>
      %dma_start3A_117 = arith.constant 0 : i32
      %dma_start3A_118 = arith.constant 0 : i32
      %dma_start3A_119 = tpu.memref_slice %arg10[%dma_start3A_117, %dma_start3A_118] : memref<10240x16xf32, #tpu.memory_space<vmem_shared>> -> memref<10240x16xf32, #tpu.memory_space<vmem_shared>>
      tpu.enqueue_indirect_dma source(%dma_start3A_119 : memref<10240x16xf32, #tpu.memory_space<vmem_shared>>) target(%dma_start3A_113 : memref<128x16xf32, #tpu.memory_space<vmem>>) offsets(%dma_start3A_116 : memref<128xi32, #tpu.memory_space<vmem>>) semaphore(%arg16 : memref<!tpu.dma_semaphore, #tpu.memory_space<semaphore_mem>>)
      %add3A_120 = arith.constant 5 : i32
      %add3A_121 = arith.addi %mul3A_55, %add3A_120 : i32
      %dma_start3A_122 = arith.constant 5 : i32
      %dma_start3A_123 = arith.constant 0 : i32
      %dma_start3A_124 = arith.constant 0 : i32
      %dma_start3A_125 = tpu.memref_slice %arg9[%dma_start3A_122, %dma_start3A_123, %dma_start3A_124] : memref<8x128x16xf32, #tpu.memory_space<vmem>> -> memref<1x128x16xf32, #tpu.memory_space<vmem>>
      %dma_start3A_126 = tpu.memref_squeeze %dma_start3A_125 : memref<1x128x16xf32, #tpu.memory_space<vmem>> -> memref<128x16xf32, #tpu.memory_space<vmem>>
      %dma_start3A_127 = arith.constant 0 : i32
      %dma_start3A_128 = tpu.memref_slice %arg7[%add3A_121, %dma_start3A_127] : memref<40x128xi32, #tpu.memory_space<vmem>> -> memref<1x128xi32, #tpu.memory_space<vmem>>
      %dma_start3A_129 = tpu.memref_squeeze %dma_start3A_128 : memref<1x128xi32, #tpu.memory_space<vmem>> -> memref<128xi32, #tpu.memory_space<vmem>>
      %dma_start3A_130 = arith.constant 0 : i32
      %dma_start3A_131 = arith.constant 0 : i32
      %dma_start3A_132 = tpu.memref_slice %arg10[%dma_start3A_130, %dma_start3A_131] : memref<10240x16xf32, #tpu.memory_space<vmem_shared>> -> memref<10240x16xf32, #tpu.memory_space<vmem_shared>>
      tpu.enqueue_indirect_dma source(%dma_start3A_132 : memref<10240x16xf32, #tpu.memory_space<vmem_shared>>) target(%dma_start3A_126 : memref<128x16xf32, #tpu.memory_space<vmem>>) offsets(%dma_start3A_129 : memref<128xi32, #tpu.memory_space<vmem>>) semaphore(%arg17 : memref<!tpu.dma_semaphore, #tpu.memory_space<semaphore_mem>>)
      %add3A_133 = arith.constant 6 : i32
      %add3A_134 = arith.addi %mul3A_55, %add3A_133 : i32
      %dma_start3A_135 = arith.constant 6 : i32
      %dma_start3A_136 = arith.constant 0 : i32
      %dma_start3A_137 = arith.constant 0 : i32
      %dma_start3A_138 = tpu.memref_slice %arg9[%dma_start3A_135, %dma_start3A_136, %dma_start3A_137] : memref<8x128x16xf32, #tpu.memory_space<vmem>> -> memref<1x128x16xf32, #tpu.memory_space<vmem>>
      %dma_start3A_139 = tpu.memref_squeeze %dma_start3A_138 : memref<1x128x16xf32, #tpu.memory_space<vmem>> -> memref<128x16xf32, #tpu.memory_space<vmem>>
      %dma_start3A_140 = arith.constant 0 : i32
      %dma_start3A_141 = tpu.memref_slice %arg7[%add3A_134, %dma_start3A_140] : memref<40x128xi32, #tpu.memory_space<vmem>> -> memref<1x128xi32, #tpu.memory_space<vmem>>
      %dma_start3A_142 = tpu.memref_squeeze %dma_start3A_141 : memref<1x128xi32, #tpu.memory_space<vmem>> -> memref<128xi32, #tpu.memory_space<vmem>>
      %dma_start3A_143 = arith.constant 0 : i32
      %dma_start3A_144 = arith.constant 0 : i32
      %dma_start3A_145 = tpu.memref_slice %arg10[%dma_start3A_143, %dma_start3A_144] : memref<10240x16xf32, #tpu.memory_space<vmem_shared>> -> memref<10240x16xf32, #tpu.memory_space<vmem_shared>>
      tpu.enqueue_indirect_dma source(%dma_start3A_145 : memref<10240x16xf32, #tpu.memory_space<vmem_shared>>) target(%dma_start3A_139 : memref<128x16xf32, #tpu.memory_space<vmem>>) offsets(%dma_start3A_142 : memref<128xi32, #tpu.memory_space<vmem>>) semaphore(%arg18 : memref<!tpu.dma_semaphore, #tpu.memory_space<semaphore_mem>>)
      %add3A_146 = arith.constant 7 : i32
      %add3A_147 = arith.addi %mul3A_55, %add3A_146 : i32
      %dma_start3A_148 = arith.constant 7 : i32
      %dma_start3A_149 = arith.constant 0 : i32
      %dma_start3A_150 = arith.constant 0 : i32
      %dma_start3A_151 = tpu.memref_slice %arg9[%dma_start3A_148, %dma_start3A_149, %dma_start3A_150] : memref<8x128x16xf32, #tpu.memory_space<vmem>> -> memref<1x128x16xf32, #tpu.memory_space<vmem>>
      %dma_start3A_152 = tpu.memref_squeeze %dma_start3A_151 : memref<1x128x16xf32, #tpu.memory_space<vmem>> -> memref<128x16xf32, #tpu.memory_space<vmem>>
      %dma_start3A_153 = arith.constant 0 : i32
      %dma_start3A_154 = tpu.memref_slice %arg7[%add3A_147, %dma_start3A_153] : memref<40x128xi32, #tpu.memory_space<vmem>> -> memref<1x128xi32, #tpu.memory_space<vmem>>
      %dma_start3A_155 = tpu.memref_squeeze %dma_start3A_154 : memref<1x128xi32, #tpu.memory_space<vmem>> -> memref<128xi32, #tpu.memory_space<vmem>>
      %dma_start3A_156 = arith.constant 0 : i32
      %dma_start3A_157 = arith.constant 0 : i32
      %dma_start3A_158 = tpu.memref_slice %arg10[%dma_start3A_156, %dma_start3A_157] : memref<10240x16xf32, #tpu.memory_space<vmem_shared>> -> memref<10240x16xf32, #tpu.memory_space<vmem_shared>>
      tpu.enqueue_indirect_dma source(%dma_start3A_158 : memref<10240x16xf32, #tpu.memory_space<vmem_shared>>) target(%dma_start3A_152 : memref<128x16xf32, #tpu.memory_space<vmem>>) offsets(%dma_start3A_155 : memref<128xi32, #tpu.memory_space<vmem>>) semaphore(%arg19 : memref<!tpu.dma_semaphore, #tpu.memory_space<semaphore_mem>>)
      %dma_wait3A_159 = arith.constant 0 : i32
      %dma_wait3A_160 = arith.constant 0 : i32
      %dma_wait3A_161 = arith.constant 0 : i32
      %dma_wait3A_162 = tpu.memref_slice %arg9[%dma_wait3A_159, %dma_wait3A_160, %dma_wait3A_161] : memref<8x128x16xf32, #tpu.memory_space<vmem>> -> memref<1x128x16xf32, #tpu.memory_space<vmem>>
      %dma_wait3A_163 = tpu.memref_squeeze %dma_wait3A_162 : memref<1x128x16xf32, #tpu.memory_space<vmem>> -> memref<128x16xf32, #tpu.memory_space<vmem>>
      %dma_wait3A_164 = arith.constant 0 : i32
      %dma_wait3A_165 = tpu.memref_slice %arg7[%add3A_56, %dma_wait3A_164] : memref<40x128xi32, #tpu.memory_space<vmem>> -> memref<1x128xi32, #tpu.memory_space<vmem>>
      %dma_wait3A_166 = tpu.memref_squeeze %dma_wait3A_165 : memref<1x128xi32, #tpu.memory_space<vmem>> -> memref<128xi32, #tpu.memory_space<vmem>>
      %dma_wait3A_167 = arith.constant 0 : i32
      %dma_wait3A_168 = arith.constant 0 : i32
      %dma_wait3A_169 = tpu.memref_slice %arg10[%dma_wait3A_167, %dma_wait3A_168] : memref<10240x16xf32, #tpu.memory_space<vmem_shared>> -> memref<10240x16xf32, #tpu.memory_space<vmem_shared>>
      tpu.wait_indirect_dma semaphore(%arg12 : memref<!tpu.dma_semaphore, #tpu.memory_space<semaphore_mem>>) src(%dma_wait3A_169 : memref<10240x16xf32, #tpu.memory_space<vmem_shared>>) dst(%dma_wait3A_163 : memref<128x16xf32, #tpu.memory_space<vmem>>)
      %add3A_170 = arith.constant 0 : i32
      %add3A_171 = arith.addi %mul3A_55, %add3A_170 : i32
      %dma_start3A_172 = arith.constant 0 : i32
      %dma_start3A_173 = arith.constant 0 : i32
      %dma_start3A_174 = arith.constant 0 : i32
      %dma_start3A_175 = tpu.memref_slice %arg9[%dma_start3A_172, %dma_start3A_173, %dma_start3A_174] : memref<8x128x16xf32, #tpu.memory_space<vmem>> -> memref<1x128x16xf32, #tpu.memory_space<vmem>>
      %dma_start3A_176 = tpu.memref_squeeze %dma_start3A_175 : memref<1x128x16xf32, #tpu.memory_space<vmem>> -> memref<128x16xf32, #tpu.memory_space<vmem>>
      %dma_start3A_177 = arith.constant 0 : i32
      %dma_start3A_178 = tpu.memref_slice %arg8[%add3A_171, %dma_start3A_177] : memref<40x128xi32, #tpu.memory_space<vmem>> -> memref<1x128xi32, #tpu.memory_space<vmem>>
      %dma_start3A_179 = tpu.memref_squeeze %dma_start3A_178 : memref<1x128xi32, #tpu.memory_space<vmem>> -> memref<128xi32, #tpu.memory_space<vmem>>
      %dma_start3A_180 = arith.constant 0 : i32
      %dma_start3A_181 = arith.constant 0 : i32
      %dma_start3A_182 = tpu.memref_slice %arg11[%dma_start3A_180, %dma_start3A_181] : memref<10240x16xf32, #tpu.memory_space<vmem_shared>> -> memref<10240x16xf32, #tpu.memory_space<vmem_shared>>
      tpu.enqueue_indirect_dma source(%dma_start3A_176 : memref<128x16xf32, #tpu.memory_space<vmem>>) target(%dma_start3A_182 : memref<10240x16xf32, #tpu.memory_space<vmem_shared>>) offsets(%dma_start3A_179 : memref<128xi32, #tpu.memory_space<vmem>>) semaphore(%arg20 : memref<!tpu.dma_semaphore, #tpu.memory_space<semaphore_mem>>) {add = true}
      %dma_wait3A_183 = arith.constant 1 : i32
      %dma_wait3A_184 = arith.constant 0 : i32
      %dma_wait3A_185 = arith.constant 0 : i32
      %dma_wait3A_186 = tpu.memref_slice %arg9[%dma_wait3A_183, %dma_wait3A_184, %dma_wait3A_185] : memref<8x128x16xf32, #tpu.memory_space<vmem>> -> memref<1x128x16xf32, #tpu.memory_space<vmem>>
      %dma_wait3A_187 = tpu.memref_squeeze %dma_wait3A_186 : memref<1x128x16xf32, #tpu.memory_space<vmem>> -> memref<128x16xf32, #tpu.memory_space<vmem>>
      %dma_wait3A_188 = arith.constant 0 : i32
      %dma_wait3A_189 = tpu.memref_slice %arg7[%add3A_69, %dma_wait3A_188] : memref<40x128xi32, #tpu.memory_space<vmem>> -> memref<1x128xi32, #tpu.memory_space<vmem>>
      %dma_wait3A_190 = tpu.memref_squeeze %dma_wait3A_189 : memref<1x128xi32, #tpu.memory_space<vmem>> -> memref<128xi32, #tpu.memory_space<vmem>>
      %dma_wait3A_191 = arith.constant 0 : i32
      %dma_wait3A_192 = arith.constant 0 : i32
      %dma_wait3A_193 = tpu.memref_slice %arg10[%dma_wait3A_191, %dma_wait3A_192] : memref<10240x16xf32, #tpu.memory_space<vmem_shared>> -> memref<10240x16xf32, #tpu.memory_space<vmem_shared>>
      tpu.wait_indirect_dma semaphore(%arg13 : memref<!tpu.dma_semaphore, #tpu.memory_space<semaphore_mem>>) src(%dma_wait3A_193 : memref<10240x16xf32, #tpu.memory_space<vmem_shared>>) dst(%dma_wait3A_187 : memref<128x16xf32, #tpu.memory_space<vmem>>)
      %add3A_194 = arith.constant 1 : i32
      %add3A_195 = arith.addi %mul3A_55, %add3A_194 : i32
      %dma_start3A_196 = arith.constant 1 : i32
      %dma_start3A_197 = arith.constant 0 : i32
      %dma_start3A_198 = arith.constant 0 : i32
      %dma_start3A_199 = tpu.memref_slice %arg9[%dma_start3A_196, %dma_start3A_197, %dma_start3A_198] : memref<8x128x16xf32, #tpu.memory_space<vmem>> -> memref<1x128x16xf32, #tpu.memory_space<vmem>>
      %dma_start3A_200 = tpu.memref_squeeze %dma_start3A_199 : memref<1x128x16xf32, #tpu.memory_space<vmem>> -> memref<128x16xf32, #tpu.memory_space<vmem>>
      %dma_start3A_201 = arith.constant 0 : i32
      %dma_start3A_202 = tpu.memref_slice %arg8[%add3A_195, %dma_start3A_201] : memref<40x128xi32, #tpu.memory_space<vmem>> -> memref<1x128xi32, #tpu.memory_space<vmem>>
      %dma_start3A_203 = tpu.memref_squeeze %dma_start3A_202 : memref<1x128xi32, #tpu.memory_space<vmem>> -> memref<128xi32, #tpu.memory_space<vmem>>
      %dma_start3A_204 = arith.constant 0 : i32
      %dma_start3A_205 = arith.constant 0 : i32
      %dma_start3A_206 = tpu.memref_slice %arg11[%dma_start3A_204, %dma_start3A_205] : memref<10240x16xf32, #tpu.memory_space<vmem_shared>> -> memref<10240x16xf32, #tpu.memory_space<vmem_shared>>
      tpu.enqueue_indirect_dma source(%dma_start3A_200 : memref<128x16xf32, #tpu.memory_space<vmem>>) target(%dma_start3A_206 : memref<10240x16xf32, #tpu.memory_space<vmem_shared>>) offsets(%dma_start3A_203 : memref<128xi32, #tpu.memory_space<vmem>>) semaphore(%arg21 : memref<!tpu.dma_semaphore, #tpu.memory_space<semaphore_mem>>) {add = true}
      %dma_wait3A_207 = arith.constant 2 : i32
      %dma_wait3A_208 = arith.constant 0 : i32
      %dma_wait3A_209 = arith.constant 0 : i32
      %dma_wait3A_210 = tpu.memref_slice %arg9[%dma_wait3A_207, %dma_wait3A_208, %dma_wait3A_209] : memref<8x128x16xf32, #tpu.memory_space<vmem>> -> memref<1x128x16xf32, #tpu.memory_space<vmem>>
      %dma_wait3A_211 = tpu.memref_squeeze %dma_wait3A_210 : memref<1x128x16xf32, #tpu.memory_space<vmem>> -> memref<128x16xf32, #tpu.memory_space<vmem>>
      %dma_wait3A_212 = arith.constant 0 : i32
      %dma_wait3A_213 = tpu.memref_slice %arg7[%add3A_82, %dma_wait3A_212] : memref<40x128xi32, #tpu.memory_space<vmem>> -> memref<1x128xi32, #tpu.memory_space<vmem>>
      %dma_wait3A_214 = tpu.memref_squeeze %dma_wait3A_213 : memref<1x128xi32, #tpu.memory_space<vmem>> -> memref<128xi32, #tpu.memory_space<vmem>>
      %dma_wait3A_215 = arith.constant 0 : i32
      %dma_wait3A_216 = arith.constant 0 : i32
      %dma_wait3A_217 = tpu.memref_slice %arg10[%dma_wait3A_215, %dma_wait3A_216] : memref<10240x16xf32, #tpu.memory_space<vmem_shared>> -> memref<10240x16xf32, #tpu.memory_space<vmem_shared>>
      tpu.wait_indirect_dma semaphore(%arg14 : memref<!tpu.dma_semaphore, #tpu.memory_space<semaphore_mem>>) src(%dma_wait3A_217 : memref<10240x16xf32, #tpu.memory_space<vmem_shared>>) dst(%dma_wait3A_211 : memref<128x16xf32, #tpu.memory_space<vmem>>)
      %add3A_218 = arith.constant 2 : i32
      %add3A_219 = arith.addi %mul3A_55, %add3A_218 : i32
      %dma_start3A_220 = arith.constant 2 : i32
      %dma_start3A_221 = arith.constant 0 : i32
      %dma_start3A_222 = arith.constant 0 : i32
      %dma_start3A_223 = tpu.memref_slice %arg9[%dma_start3A_220, %dma_start3A_221, %dma_start3A_222] : memref<8x128x16xf32, #tpu.memory_space<vmem>> -> memref<1x128x16xf32, #tpu.memory_space<vmem>>
      %dma_start3A_224 = tpu.memref_squeeze %dma_start3A_223 : memref<1x128x16xf32, #tpu.memory_space<vmem>> -> memref<128x16xf32, #tpu.memory_space<vmem>>
      %dma_start3A_225 = arith.constant 0 : i32
      %dma_start3A_226 = tpu.memref_slice %arg8[%add3A_219, %dma_start3A_225] : memref<40x128xi32, #tpu.memory_space<vmem>> -> memref<1x128xi32, #tpu.memory_space<vmem>>
      %dma_start3A_227 = tpu.memref_squeeze %dma_start3A_226 : memref<1x128xi32, #tpu.memory_space<vmem>> -> memref<128xi32, #tpu.memory_space<vmem>>
      %dma_start3A_228 = arith.constant 0 : i32
      %dma_start3A_229 = arith.constant 0 : i32
      %dma_start3A_230 = tpu.memref_slice %arg11[%dma_start3A_228, %dma_start3A_229] : memref<10240x16xf32, #tpu.memory_space<vmem_shared>> -> memref<10240x16xf32, #tpu.memory_space<vmem_shared>>
      tpu.enqueue_indirect_dma source(%dma_start3A_224 : memref<128x16xf32, #tpu.memory_space<vmem>>) target(%dma_start3A_230 : memref<10240x16xf32, #tpu.memory_space<vmem_shared>>) offsets(%dma_start3A_227 : memref<128xi32, #tpu.memory_space<vmem>>) semaphore(%arg22 : memref<!tpu.dma_semaphore, #tpu.memory_space<semaphore_mem>>) {add = true}
      %dma_wait3A_231 = arith.constant 3 : i32
      %dma_wait3A_232 = arith.constant 0 : i32
      %dma_wait3A_233 = arith.constant 0 : i32
      %dma_wait3A_234 = tpu.memref_slice %arg9[%dma_wait3A_231, %dma_wait3A_232, %dma_wait3A_233] : memref<8x128x16xf32, #tpu.memory_space<vmem>> -> memref<1x128x16xf32, #tpu.memory_space<vmem>>
      %dma_wait3A_235 = tpu.memref_squeeze %dma_wait3A_234 : memref<1x128x16xf32, #tpu.memory_space<vmem>> -> memref<128x16xf32, #tpu.memory_space<vmem>>
      %dma_wait3A_236 = arith.constant 0 : i32
      %dma_wait3A_237 = tpu.memref_slice %arg7[%add3A_95, %dma_wait3A_236] : memref<40x128xi32, #tpu.memory_space<vmem>> -> memref<1x128xi32, #tpu.memory_space<vmem>>
      %dma_wait3A_238 = tpu.memref_squeeze %dma_wait3A_237 : memref<1x128xi32, #tpu.memory_space<vmem>> -> memref<128xi32, #tpu.memory_space<vmem>>
      %dma_wait3A_239 = arith.constant 0 : i32
      %dma_wait3A_240 = arith.constant 0 : i32
      %dma_wait3A_241 = tpu.memref_slice %arg10[%dma_wait3A_239, %dma_wait3A_240] : memref<10240x16xf32, #tpu.memory_space<vmem_shared>> -> memref<10240x16xf32, #tpu.memory_space<vmem_shared>>
      tpu.wait_indirect_dma semaphore(%arg15 : memref<!tpu.dma_semaphore, #tpu.memory_space<semaphore_mem>>) src(%dma_wait3A_241 : memref<10240x16xf32, #tpu.memory_space<vmem_shared>>) dst(%dma_wait3A_235 : memref<128x16xf32, #tpu.memory_space<vmem>>)
      %add3A_242 = arith.constant 3 : i32
      %add3A_243 = arith.addi %mul3A_55, %add3A_242 : i32
      %dma_start3A_244 = arith.constant 3 : i32
      %dma_start3A_245 = arith.constant 0 : i32
      %dma_start3A_246 = arith.constant 0 : i32
      %dma_start3A_247 = tpu.memref_slice %arg9[%dma_start3A_244, %dma_start3A_245, %dma_start3A_246] : memref<8x128x16xf32, #tpu.memory_space<vmem>> -> memref<1x128x16xf32, #tpu.memory_space<vmem>>
      %dma_start3A_248 = tpu.memref_squeeze %dma_start3A_247 : memref<1x128x16xf32, #tpu.memory_space<vmem>> -> memref<128x16xf32, #tpu.memory_space<vmem>>
      %dma_start3A_249 = arith.constant 0 : i32
      %dma_start3A_250 = tpu.memref_slice %arg8[%add3A_243, %dma_start3A_249] : memref<40x128xi32, #tpu.memory_space<vmem>> -> memref<1x128xi32, #tpu.memory_space<vmem>>
      %dma_start3A_251 = tpu.memref_squeeze %dma_start3A_250 : memref<1x128xi32, #tpu.memory_space<vmem>> -> memref<128xi32, #tpu.memory_space<vmem>>
      %dma_start3A_252 = arith.constant 0 : i32
      %dma_start3A_253 = arith.constant 0 : i32
      %dma_start3A_254 = tpu.memref_slice %arg11[%dma_start3A_252, %dma_start3A_253] : memref<10240x16xf32, #tpu.memory_space<vmem_shared>> -> memref<10240x16xf32, #tpu.memory_space<vmem_shared>>
      tpu.enqueue_indirect_dma source(%dma_start3A_248 : memref<128x16xf32, #tpu.memory_space<vmem>>) target(%dma_start3A_254 : memref<10240x16xf32, #tpu.memory_space<vmem_shared>>) offsets(%dma_start3A_251 : memref<128xi32, #tpu.memory_space<vmem>>) semaphore(%arg23 : memref<!tpu.dma_semaphore, #tpu.memory_space<semaphore_mem>>) {add = true}
      %dma_wait3A_255 = arith.constant 4 : i32
      %dma_wait3A_256 = arith.constant 0 : i32
      %dma_wait3A_257 = arith.constant 0 : i32
      %dma_wait3A_258 = tpu.memref_slice %arg9[%dma_wait3A_255, %dma_wait3A_256, %dma_wait3A_257] : memref<8x128x16xf32, #tpu.memory_space<vmem>> -> memref<1x128x16xf32, #tpu.memory_space<vmem>>
      %dma_wait3A_259 = tpu.memref_squeeze %dma_wait3A_258 : memref<1x128x16xf32, #tpu.memory_space<vmem>> -> memref<128x16xf32, #tpu.memory_space<vmem>>
      %dma_wait3A_260 = arith.constant 0 : i32
      %dma_wait3A_261 = tpu.memref_slice %arg7[%add3A_108, %dma_wait3A_260] : memref<40x128xi32, #tpu.memory_space<vmem>> -> memref<1x128xi32, #tpu.memory_space<vmem>>
      %dma_wait3A_262 = tpu.memref_squeeze %dma_wait3A_261 : memref<1x128xi32, #tpu.memory_space<vmem>> -> memref<128xi32, #tpu.memory_space<vmem>>
      %dma_wait3A_263 = arith.constant 0 : i32
      %dma_wait3A_264 = arith.constant 0 : i32
      %dma_wait3A_265 = tpu.memref_slice %arg10[%dma_wait3A_263, %dma_wait3A_264] : memref<10240x16xf32, #tpu.memory_space<vmem_shared>> -> memref<10240x16xf32, #tpu.memory_space<vmem_shared>>
      tpu.wait_indirect_dma semaphore(%arg16 : memref<!tpu.dma_semaphore, #tpu.memory_space<semaphore_mem>>) src(%dma_wait3A_265 : memref<10240x16xf32, #tpu.memory_space<vmem_shared>>) dst(%dma_wait3A_259 : memref<128x16xf32, #tpu.memory_space<vmem>>)
      %add3A_266 = arith.constant 4 : i32
      %add3A_267 = arith.addi %mul3A_55, %add3A_266 : i32
      %dma_start3A_268 = arith.constant 4 : i32
      %dma_start3A_269 = arith.constant 0 : i32
      %dma_start3A_270 = arith.constant 0 : i32
      %dma_start3A_271 = tpu.memref_slice %arg9[%dma_start3A_268, %dma_start3A_269, %dma_start3A_270] : memref<8x128x16xf32, #tpu.memory_space<vmem>> -> memref<1x128x16xf32, #tpu.memory_space<vmem>>
      %dma_start3A_272 = tpu.memref_squeeze %dma_start3A_271 : memref<1x128x16xf32, #tpu.memory_space<vmem>> -> memref<128x16xf32, #tpu.memory_space<vmem>>
      %dma_start3A_273 = arith.constant 0 : i32
      %dma_start3A_274 = tpu.memref_slice %arg8[%add3A_267, %dma_start3A_273] : memref<40x128xi32, #tpu.memory_space<vmem>> -> memref<1x128xi32, #tpu.memory_space<vmem>>
      %dma_start3A_275 = tpu.memref_squeeze %dma_start3A_274 : memref<1x128xi32, #tpu.memory_space<vmem>> -> memref<128xi32, #tpu.memory_space<vmem>>
      %dma_start3A_276 = arith.constant 0 : i32
      %dma_start3A_277 = arith.constant 0 : i32
      %dma_start3A_278 = tpu.memref_slice %arg11[%dma_start3A_276, %dma_start3A_277] : memref<10240x16xf32, #tpu.memory_space<vmem_shared>> -> memref<10240x16xf32, #tpu.memory_space<vmem_shared>>
      tpu.enqueue_indirect_dma source(%dma_start3A_272 : memref<128x16xf32, #tpu.memory_space<vmem>>) target(%dma_start3A_278 : memref<10240x16xf32, #tpu.memory_space<vmem_shared>>) offsets(%dma_start3A_275 : memref<128xi32, #tpu.memory_space<vmem>>) semaphore(%arg24 : memref<!tpu.dma_semaphore, #tpu.memory_space<semaphore_mem>>) {add = true}
      %dma_wait3A_279 = arith.constant 5 : i32
      %dma_wait3A_280 = arith.constant 0 : i32
      %dma_wait3A_281 = arith.constant 0 : i32
      %dma_wait3A_282 = tpu.memref_slice %arg9[%dma_wait3A_279, %dma_wait3A_280, %dma_wait3A_281] : memref<8x128x16xf32, #tpu.memory_space<vmem>> -> memref<1x128x16xf32, #tpu.memory_space<vmem>>
      %dma_wait3A_283 = tpu.memref_squeeze %dma_wait3A_282 : memref<1x128x16xf32, #tpu.memory_space<vmem>> -> memref<128x16xf32, #tpu.memory_space<vmem>>
      %dma_wait3A_284 = arith.constant 0 : i32
      %dma_wait3A_285 = tpu.memref_slice %arg7[%add3A_121, %dma_wait3A_284] : memref<40x128xi32, #tpu.memory_space<vmem>> -> memref<1x128xi32, #tpu.memory_space<vmem>>
      %dma_wait3A_286 = tpu.memref_squeeze %dma_wait3A_285 : memref<1x128xi32, #tpu.memory_space<vmem>> -> memref<128xi32, #tpu.memory_space<vmem>>
      %dma_wait3A_287 = arith.constant 0 : i32
      %dma_wait3A_288 = arith.constant 0 : i32
      %dma_wait3A_289 = tpu.memref_slice %arg10[%dma_wait3A_287, %dma_wait3A_288] : memref<10240x16xf32, #tpu.memory_space<vmem_shared>> -> memref<10240x16xf32, #tpu.memory_space<vmem_shared>>
      tpu.wait_indirect_dma semaphore(%arg17 : memref<!tpu.dma_semaphore, #tpu.memory_space<semaphore_mem>>) src(%dma_wait3A_289 : memref<10240x16xf32, #tpu.memory_space<vmem_shared>>) dst(%dma_wait3A_283 : memref<128x16xf32, #tpu.memory_space<vmem>>)
      %add3A_290 = arith.constant 5 : i32
      %add3A_291 = arith.addi %mul3A_55, %add3A_290 : i32
      %dma_start3A_292 = arith.constant 5 : i32
      %dma_start3A_293 = arith.constant 0 : i32
      %dma_start3A_294 = arith.constant 0 : i32
      %dma_start3A_295 = tpu.memref_slice %arg9[%dma_start3A_292, %dma_start3A_293, %dma_start3A_294] : memref<8x128x16xf32, #tpu.memory_space<vmem>> -> memref<1x128x16xf32, #tpu.memory_space<vmem>>
      %dma_start3A_296 = tpu.memref_squeeze %dma_start3A_295 : memref<1x128x16xf32, #tpu.memory_space<vmem>> -> memref<128x16xf32, #tpu.memory_space<vmem>>
      %dma_start3A_297 = arith.constant 0 : i32
      %dma_start3A_298 = tpu.memref_slice %arg8[%add3A_291, %dma_start3A_297] : memref<40x128xi32, #tpu.memory_space<vmem>> -> memref<1x128xi32, #tpu.memory_space<vmem>>
      %dma_start3A_299 = tpu.memref_squeeze %dma_start3A_298 : memref<1x128xi32, #tpu.memory_space<vmem>> -> memref<128xi32, #tpu.memory_space<vmem>>
      %dma_start3A_300 = arith.constant 0 : i32
      %dma_start3A_301 = arith.constant 0 : i32
      %dma_start3A_302 = tpu.memref_slice %arg11[%dma_start3A_300, %dma_start3A_301] : memref<10240x16xf32, #tpu.memory_space<vmem_shared>> -> memref<10240x16xf32, #tpu.memory_space<vmem_shared>>
      tpu.enqueue_indirect_dma source(%dma_start3A_296 : memref<128x16xf32, #tpu.memory_space<vmem>>) target(%dma_start3A_302 : memref<10240x16xf32, #tpu.memory_space<vmem_shared>>) offsets(%dma_start3A_299 : memref<128xi32, #tpu.memory_space<vmem>>) semaphore(%arg25 : memref<!tpu.dma_semaphore, #tpu.memory_space<semaphore_mem>>) {add = true}
      %dma_wait3A_303 = arith.constant 6 : i32
      %dma_wait3A_304 = arith.constant 0 : i32
      %dma_wait3A_305 = arith.constant 0 : i32
      %dma_wait3A_306 = tpu.memref_slice %arg9[%dma_wait3A_303, %dma_wait3A_304, %dma_wait3A_305] : memref<8x128x16xf32, #tpu.memory_space<vmem>> -> memref<1x128x16xf32, #tpu.memory_space<vmem>>
      %dma_wait3A_307 = tpu.memref_squeeze %dma_wait3A_306 : memref<1x128x16xf32, #tpu.memory_space<vmem>> -> memref<128x16xf32, #tpu.memory_space<vmem>>
      %dma_wait3A_308 = arith.constant 0 : i32
      %dma_wait3A_309 = tpu.memref_slice %arg7[%add3A_134, %dma_wait3A_308] : memref<40x128xi32, #tpu.memory_space<vmem>> -> memref<1x128xi32, #tpu.memory_space<vmem>>
      %dma_wait3A_310 = tpu.memref_squeeze %dma_wait3A_309 : memref<1x128xi32, #tpu.memory_space<vmem>> -> memref<128xi32, #tpu.memory_space<vmem>>
      %dma_wait3A_311 = arith.constant 0 : i32
      %dma_wait3A_312 = arith.constant 0 : i32
      %dma_wait3A_313 = tpu.memref_slice %arg10[%dma_wait3A_311, %dma_wait3A_312] : memref<10240x16xf32, #tpu.memory_space<vmem_shared>> -> memref<10240x16xf32, #tpu.memory_space<vmem_shared>>
      tpu.wait_indirect_dma semaphore(%arg18 : memref<!tpu.dma_semaphore, #tpu.memory_space<semaphore_mem>>) src(%dma_wait3A_313 : memref<10240x16xf32, #tpu.memory_space<vmem_shared>>) dst(%dma_wait3A_307 : memref<128x16xf32, #tpu.memory_space<vmem>>)
      %add3A_314 = arith.constant 6 : i32
      %add3A_315 = arith.addi %mul3A_55, %add3A_314 : i32
      %dma_start3A_316 = arith.constant 6 : i32
      %dma_start3A_317 = arith.constant 0 : i32
      %dma_start3A_318 = arith.constant 0 : i32
      %dma_start3A_319 = tpu.memref_slice %arg9[%dma_start3A_316, %dma_start3A_317, %dma_start3A_318] : memref<8x128x16xf32, #tpu.memory_space<vmem>> -> memref<1x128x16xf32, #tpu.memory_space<vmem>>
      %dma_start3A_320 = tpu.memref_squeeze %dma_start3A_319 : memref<1x128x16xf32, #tpu.memory_space<vmem>> -> memref<128x16xf32, #tpu.memory_space<vmem>>
      %dma_start3A_321 = arith.constant 0 : i32
      %dma_start3A_322 = tpu.memref_slice %arg8[%add3A_315, %dma_start3A_321] : memref<40x128xi32, #tpu.memory_space<vmem>> -> memref<1x128xi32, #tpu.memory_space<vmem>>
      %dma_start3A_323 = tpu.memref_squeeze %dma_start3A_322 : memref<1x128xi32, #tpu.memory_space<vmem>> -> memref<128xi32, #tpu.memory_space<vmem>>
      %dma_start3A_324 = arith.constant 0 : i32
      %dma_start3A_325 = arith.constant 0 : i32
      %dma_start3A_326 = tpu.memref_slice %arg11[%dma_start3A_324, %dma_start3A_325] : memref<10240x16xf32, #tpu.memory_space<vmem_shared>> -> memref<10240x16xf32, #tpu.memory_space<vmem_shared>>
      tpu.enqueue_indirect_dma source(%dma_start3A_320 : memref<128x16xf32, #tpu.memory_space<vmem>>) target(%dma_start3A_326 : memref<10240x16xf32, #tpu.memory_space<vmem_shared>>) offsets(%dma_start3A_323 : memref<128xi32, #tpu.memory_space<vmem>>) semaphore(%arg26 : memref<!tpu.dma_semaphore, #tpu.memory_space<semaphore_mem>>) {add = true}
      %dma_wait3A_327 = arith.constant 7 : i32
      %dma_wait3A_328 = arith.constant 0 : i32
      %dma_wait3A_329 = arith.constant 0 : i32
      %dma_wait3A_330 = tpu.memref_slice %arg9[%dma_wait3A_327, %dma_wait3A_328, %dma_wait3A_329] : memref<8x128x16xf32, #tpu.memory_space<vmem>> -> memref<1x128x16xf32, #tpu.memory_space<vmem>>
      %dma_wait3A_331 = tpu.memref_squeeze %dma_wait3A_330 : memref<1x128x16xf32, #tpu.memory_space<vmem>> -> memref<128x16xf32, #tpu.memory_space<vmem>>
      %dma_wait3A_332 = arith.constant 0 : i32
      %dma_wait3A_333 = tpu.memref_slice %arg7[%add3A_147, %dma_wait3A_332] : memref<40x128xi32, #tpu.memory_space<vmem>> -> memref<1x128xi32, #tpu.memory_space<vmem>>
      %dma_wait3A_334 = tpu.memref_squeeze %dma_wait3A_333 : memref<1x128xi32, #tpu.memory_space<vmem>> -> memref<128xi32, #tpu.memory_space<vmem>>
      %dma_wait3A_335 = arith.constant 0 : i32
      %dma_wait3A_336 = arith.constant 0 : i32
      %dma_wait3A_337 = tpu.memref_slice %arg10[%dma_wait3A_335, %dma_wait3A_336] : memref<10240x16xf32, #tpu.memory_space<vmem_shared>> -> memref<10240x16xf32, #tpu.memory_space<vmem_shared>>
      tpu.wait_indirect_dma semaphore(%arg19 : memref<!tpu.dma_semaphore, #tpu.memory_space<semaphore_mem>>) src(%dma_wait3A_337 : memref<10240x16xf32, #tpu.memory_space<vmem_shared>>) dst(%dma_wait3A_331 : memref<128x16xf32, #tpu.memory_space<vmem>>)
      %add3A_338 = arith.constant 7 : i32
      %add3A_339 = arith.addi %mul3A_55, %add3A_338 : i32
      %dma_start3A_340 = arith.constant 7 : i32
      %dma_start3A_341 = arith.constant 0 : i32
      %dma_start3A_342 = arith.constant 0 : i32
      %dma_start3A_343 = tpu.memref_slice %arg9[%dma_start3A_340, %dma_start3A_341, %dma_start3A_342] : memref<8x128x16xf32, #tpu.memory_space<vmem>> -> memref<1x128x16xf32, #tpu.memory_space<vmem>>
      %dma_start3A_344 = tpu.memref_squeeze %dma_start3A_343 : memref<1x128x16xf32, #tpu.memory_space<vmem>> -> memref<128x16xf32, #tpu.memory_space<vmem>>
      %dma_start3A_345 = arith.constant 0 : i32
      %dma_start3A_346 = tpu.memref_slice %arg8[%add3A_339, %dma_start3A_345] : memref<40x128xi32, #tpu.memory_space<vmem>> -> memref<1x128xi32, #tpu.memory_space<vmem>>
      %dma_start3A_347 = tpu.memref_squeeze %dma_start3A_346 : memref<1x128xi32, #tpu.memory_space<vmem>> -> memref<128xi32, #tpu.memory_space<vmem>>
      %dma_start3A_348 = arith.constant 0 : i32
      %dma_start3A_349 = arith.constant 0 : i32
      %dma_start3A_350 = tpu.memref_slice %arg11[%dma_start3A_348, %dma_start3A_349] : memref<10240x16xf32, #tpu.memory_space<vmem_shared>> -> memref<10240x16xf32, #tpu.memory_space<vmem_shared>>
      tpu.enqueue_indirect_dma source(%dma_start3A_344 : memref<128x16xf32, #tpu.memory_space<vmem>>) target(%dma_start3A_350 : memref<10240x16xf32, #tpu.memory_space<vmem_shared>>) offsets(%dma_start3A_347 : memref<128xi32, #tpu.memory_space<vmem>>) semaphore(%arg27 : memref<!tpu.dma_semaphore, #tpu.memory_space<semaphore_mem>>) {add = true}
      %dma_wait3A_351 = arith.constant 0 : i32
      %dma_wait3A_352 = arith.constant 0 : i32
      %dma_wait3A_353 = arith.constant 0 : i32
      %dma_wait3A_354 = tpu.memref_slice %arg9[%dma_wait3A_351, %dma_wait3A_352, %dma_wait3A_353] : memref<8x128x16xf32, #tpu.memory_space<vmem>> -> memref<1x128x16xf32, #tpu.memory_space<vmem>>
      %dma_wait3A_355 = tpu.memref_squeeze %dma_wait3A_354 : memref<1x128x16xf32, #tpu.memory_space<vmem>> -> memref<128x16xf32, #tpu.memory_space<vmem>>
      %dma_wait3A_356 = arith.constant 0 : i32
      %dma_wait3A_357 = tpu.memref_slice %arg8[%add3A_171, %dma_wait3A_356] : memref<40x128xi32, #tpu.memory_space<vmem>> -> memref<1x128xi32, #tpu.memory_space<vmem>>
      %dma_wait3A_358 = tpu.memref_squeeze %dma_wait3A_357 : memref<1x128xi32, #tpu.memory_space<vmem>> -> memref<128xi32, #tpu.memory_space<vmem>>
      %dma_wait3A_359 = arith.constant 0 : i32
      %dma_wait3A_360 = arith.constant 0 : i32
      %dma_wait3A_361 = tpu.memref_slice %arg11[%dma_wait3A_359, %dma_wait3A_360] : memref<10240x16xf32, #tpu.memory_space<vmem_shared>> -> memref<10240x16xf32, #tpu.memory_space<vmem_shared>>
      tpu.wait_indirect_dma semaphore(%arg20 : memref<!tpu.dma_semaphore, #tpu.memory_space<semaphore_mem>>) src(%dma_wait3A_355 : memref<128x16xf32, #tpu.memory_space<vmem>>) dst(%dma_wait3A_361 : memref<10240x16xf32, #tpu.memory_space<vmem_shared>>)
      %dma_wait3A_362 = arith.constant 1 : i32
      %dma_wait3A_363 = arith.constant 0 : i32
      %dma_wait3A_364 = arith.constant 0 : i32
      %dma_wait3A_365 = tpu.memref_slice %arg9[%dma_wait3A_362, %dma_wait3A_363, %dma_wait3A_364] : memref<8x128x16xf32, #tpu.memory_space<vmem>> -> memref<1x128x16xf32, #tpu.memory_space<vmem>>
      %dma_wait3A_366 = tpu.memref_squeeze %dma_wait3A_365 : memref<1x128x16xf32, #tpu.memory_space<vmem>> -> memref<128x16xf32, #tpu.memory_space<vmem>>
      %dma_wait3A_367 = arith.constant 0 : i32
      %dma_wait3A_368 = tpu.memref_slice %arg8[%add3A_195, %dma_wait3A_367] : memref<40x128xi32, #tpu.memory_space<vmem>> -> memref<1x128xi32, #tpu.memory_space<vmem>>
      %dma_wait3A_369 = tpu.memref_squeeze %dma_wait3A_368 : memref<1x128xi32, #tpu.memory_space<vmem>> -> memref<128xi32, #tpu.memory_space<vmem>>
      %dma_wait3A_370 = arith.constant 0 : i32
      %dma_wait3A_371 = arith.constant 0 : i32
      %dma_wait3A_372 = tpu.memref_slice %arg11[%dma_wait3A_370, %dma_wait3A_371] : memref<10240x16xf32, #tpu.memory_space<vmem_shared>> -> memref<10240x16xf32, #tpu.memory_space<vmem_shared>>
      tpu.wait_indirect_dma semaphore(%arg21 : memref<!tpu.dma_semaphore, #tpu.memory_space<semaphore_mem>>) src(%dma_wait3A_366 : memref<128x16xf32, #tpu.memory_space<vmem>>) dst(%dma_wait3A_372 : memref<10240x16xf32, #tpu.memory_space<vmem_shared>>)
      %dma_wait3A_373 = arith.constant 2 : i32
      %dma_wait3A_374 = arith.constant 0 : i32
      %dma_wait3A_375 = arith.constant 0 : i32
      %dma_wait3A_376 = tpu.memref_slice %arg9[%dma_wait3A_373, %dma_wait3A_374, %dma_wait3A_375] : memref<8x128x16xf32, #tpu.memory_space<vmem>> -> memref<1x128x16xf32, #tpu.memory_space<vmem>>
      %dma_wait3A_377 = tpu.memref_squeeze %dma_wait3A_376 : memref<1x128x16xf32, #tpu.memory_space<vmem>> -> memref<128x16xf32, #tpu.memory_space<vmem>>
      %dma_wait3A_378 = arith.constant 0 : i32
      %dma_wait3A_379 = tpu.memref_slice %arg8[%add3A_219, %dma_wait3A_378] : memref<40x128xi32, #tpu.memory_space<vmem>> -> memref<1x128xi32, #tpu.memory_space<vmem>>
      %dma_wait3A_380 = tpu.memref_squeeze %dma_wait3A_379 : memref<1x128xi32, #tpu.memory_space<vmem>> -> memref<128xi32, #tpu.memory_space<vmem>>
      %dma_wait3A_381 = arith.constant 0 : i32
      %dma_wait3A_382 = arith.constant 0 : i32
      %dma_wait3A_383 = tpu.memref_slice %arg11[%dma_wait3A_381, %dma_wait3A_382] : memref<10240x16xf32, #tpu.memory_space<vmem_shared>> -> memref<10240x16xf32, #tpu.memory_space<vmem_shared>>
      tpu.wait_indirect_dma semaphore(%arg22 : memref<!tpu.dma_semaphore, #tpu.memory_space<semaphore_mem>>) src(%dma_wait3A_377 : memref<128x16xf32, #tpu.memory_space<vmem>>) dst(%dma_wait3A_383 : memref<10240x16xf32, #tpu.memory_space<vmem_shared>>)
      %dma_wait3A_384 = arith.constant 3 : i32
      %dma_wait3A_385 = arith.constant 0 : i32
      %dma_wait3A_386 = arith.constant 0 : i32
      %dma_wait3A_387 = tpu.memref_slice %arg9[%dma_wait3A_384, %dma_wait3A_385, %dma_wait3A_386] : memref<8x128x16xf32, #tpu.memory_space<vmem>> -> memref<1x128x16xf32, #tpu.memory_space<vmem>>
      %dma_wait3A_388 = tpu.memref_squeeze %dma_wait3A_387 : memref<1x128x16xf32, #tpu.memory_space<vmem>> -> memref<128x16xf32, #tpu.memory_space<vmem>>
      %dma_wait3A_389 = arith.constant 0 : i32
      %dma_wait3A_390 = tpu.memref_slice %arg8[%add3A_243, %dma_wait3A_389] : memref<40x128xi32, #tpu.memory_space<vmem>> -> memref<1x128xi32, #tpu.memory_space<vmem>>
      %dma_wait3A_391 = tpu.memref_squeeze %dma_wait3A_390 : memref<1x128xi32, #tpu.memory_space<vmem>> -> memref<128xi32, #tpu.memory_space<vmem>>
      %dma_wait3A_392 = arith.constant 0 : i32
      %dma_wait3A_393 = arith.constant 0 : i32
      %dma_wait3A_394 = tpu.memref_slice %arg11[%dma_wait3A_392, %dma_wait3A_393] : memref<10240x16xf32, #tpu.memory_space<vmem_shared>> -> memref<10240x16xf32, #tpu.memory_space<vmem_shared>>
      tpu.wait_indirect_dma semaphore(%arg23 : memref<!tpu.dma_semaphore, #tpu.memory_space<semaphore_mem>>) src(%dma_wait3A_388 : memref<128x16xf32, #tpu.memory_space<vmem>>) dst(%dma_wait3A_394 : memref<10240x16xf32, #tpu.memory_space<vmem_shared>>)
      %dma_wait3A_395 = arith.constant 4 : i32
      %dma_wait3A_396 = arith.constant 0 : i32
      %dma_wait3A_397 = arith.constant 0 : i32
      %dma_wait3A_398 = tpu.memref_slice %arg9[%dma_wait3A_395, %dma_wait3A_396, %dma_wait3A_397] : memref<8x128x16xf32, #tpu.memory_space<vmem>> -> memref<1x128x16xf32, #tpu.memory_space<vmem>>
      %dma_wait3A_399 = tpu.memref_squeeze %dma_wait3A_398 : memref<1x128x16xf32, #tpu.memory_space<vmem>> -> memref<128x16xf32, #tpu.memory_space<vmem>>
      %dma_wait3A_400 = arith.constant 0 : i32
      %dma_wait3A_401 = tpu.memref_slice %arg8[%add3A_267, %dma_wait3A_400] : memref<40x128xi32, #tpu.memory_space<vmem>> -> memref<1x128xi32, #tpu.memory_space<vmem>>
      %dma_wait3A_402 = tpu.memref_squeeze %dma_wait3A_401 : memref<1x128xi32, #tpu.memory_space<vmem>> -> memref<128xi32, #tpu.memory_space<vmem>>
      %dma_wait3A_403 = arith.constant 0 : i32
      %dma_wait3A_404 = arith.constant 0 : i32
      %dma_wait3A_405 = tpu.memref_slice %arg11[%dma_wait3A_403, %dma_wait3A_404] : memref<10240x16xf32, #tpu.memory_space<vmem_shared>> -> memref<10240x16xf32, #tpu.memory_space<vmem_shared>>
      tpu.wait_indirect_dma semaphore(%arg24 : memref<!tpu.dma_semaphore, #tpu.memory_space<semaphore_mem>>) src(%dma_wait3A_399 : memref<128x16xf32, #tpu.memory_space<vmem>>) dst(%dma_wait3A_405 : memref<10240x16xf32, #tpu.memory_space<vmem_shared>>)
      %dma_wait3A_406 = arith.constant 5 : i32
      %dma_wait3A_407 = arith.constant 0 : i32
      %dma_wait3A_408 = arith.constant 0 : i32
      %dma_wait3A_409 = tpu.memref_slice %arg9[%dma_wait3A_406, %dma_wait3A_407, %dma_wait3A_408] : memref<8x128x16xf32, #tpu.memory_space<vmem>> -> memref<1x128x16xf32, #tpu.memory_space<vmem>>
      %dma_wait3A_410 = tpu.memref_squeeze %dma_wait3A_409 : memref<1x128x16xf32, #tpu.memory_space<vmem>> -> memref<128x16xf32, #tpu.memory_space<vmem>>
      %dma_wait3A_411 = arith.constant 0 : i32
      %dma_wait3A_412 = tpu.memref_slice %arg8[%add3A_291, %dma_wait3A_411] : memref<40x128xi32, #tpu.memory_space<vmem>> -> memref<1x128xi32, #tpu.memory_space<vmem>>
      %dma_wait3A_413 = tpu.memref_squeeze %dma_wait3A_412 : memref<1x128xi32, #tpu.memory_space<vmem>> -> memref<128xi32, #tpu.memory_space<vmem>>
      %dma_wait3A_414 = arith.constant 0 : i32
      %dma_wait3A_415 = arith.constant 0 : i32
      %dma_wait3A_416 = tpu.memref_slice %arg11[%dma_wait3A_414, %dma_wait3A_415] : memref<10240x16xf32, #tpu.memory_space<vmem_shared>> -> memref<10240x16xf32, #tpu.memory_space<vmem_shared>>
      tpu.wait_indirect_dma semaphore(%arg25 : memref<!tpu.dma_semaphore, #tpu.memory_space<semaphore_mem>>) src(%dma_wait3A_410 : memref<128x16xf32, #tpu.memory_space<vmem>>) dst(%dma_wait3A_416 : memref<10240x16xf32, #tpu.memory_space<vmem_shared>>)
      %dma_wait3A_417 = arith.constant 6 : i32
      %dma_wait3A_418 = arith.constant 0 : i32
      %dma_wait3A_419 = arith.constant 0 : i32
      %dma_wait3A_420 = tpu.memref_slice %arg9[%dma_wait3A_417, %dma_wait3A_418, %dma_wait3A_419] : memref<8x128x16xf32, #tpu.memory_space<vmem>> -> memref<1x128x16xf32, #tpu.memory_space<vmem>>
      %dma_wait3A_421 = tpu.memref_squeeze %dma_wait3A_420 : memref<1x128x16xf32, #tpu.memory_space<vmem>> -> memref<128x16xf32, #tpu.memory_space<vmem>>
      %dma_wait3A_422 = arith.constant 0 : i32
      %dma_wait3A_423 = tpu.memref_slice %arg8[%add3A_315, %dma_wait3A_422] : memref<40x128xi32, #tpu.memory_space<vmem>> -> memref<1x128xi32, #tpu.memory_space<vmem>>
      %dma_wait3A_424 = tpu.memref_squeeze %dma_wait3A_423 : memref<1x128xi32, #tpu.memory_space<vmem>> -> memref<128xi32, #tpu.memory_space<vmem>>
      %dma_wait3A_425 = arith.constant 0 : i32
      %dma_wait3A_426 = arith.constant 0 : i32
      %dma_wait3A_427 = tpu.memref_slice %arg11[%dma_wait3A_425, %dma_wait3A_426] : memref<10240x16xf32, #tpu.memory_space<vmem_shared>> -> memref<10240x16xf32, #tpu.memory_space<vmem_shared>>
      tpu.wait_indirect_dma semaphore(%arg26 : memref<!tpu.dma_semaphore, #tpu.memory_space<semaphore_mem>>) src(%dma_wait3A_421 : memref<128x16xf32, #tpu.memory_space<vmem>>) dst(%dma_wait3A_427 : memref<10240x16xf32, #tpu.memory_space<vmem_shared>>)
      %dma_wait3A_428 = arith.constant 7 : i32
      %dma_wait3A_429 = arith.constant 0 : i32
      %dma_wait3A_430 = arith.constant 0 : i32
      %dma_wait3A_431 = tpu.memref_slice %arg9[%dma_wait3A_428, %dma_wait3A_429, %dma_wait3A_430] : memref<8x128x16xf32, #tpu.memory_space<vmem>> -> memref<1x128x16xf32, #tpu.memory_space<vmem>>
      %dma_wait3A_432 = tpu.memref_squeeze %dma_wait3A_431 : memref<1x128x16xf32, #tpu.memory_space<vmem>> -> memref<128x16xf32, #tpu.memory_space<vmem>>
      %dma_wait3A_433 = arith.constant 0 : i32
      %dma_wait3A_434 = tpu.memref_slice %arg8[%add3A_339, %dma_wait3A_433] : memref<40x128xi32, #tpu.memory_space<vmem>> -> memref<1x128xi32, #tpu.memory_space<vmem>>
      %dma_wait3A_435 = tpu.memref_squeeze %dma_wait3A_434 : memref<1x128xi32, #tpu.memory_space<vmem>> -> memref<128xi32, #tpu.memory_space<vmem>>
      %dma_wait3A_436 = arith.constant 0 : i32
      %dma_wait3A_437 = arith.constant 0 : i32
      %dma_wait3A_438 = tpu.memref_slice %arg11[%dma_wait3A_436, %dma_wait3A_437] : memref<10240x16xf32, #tpu.memory_space<vmem_shared>> -> memref<10240x16xf32, #tpu.memory_space<vmem_shared>>
      tpu.wait_indirect_dma semaphore(%arg27 : memref<!tpu.dma_semaphore, #tpu.memory_space<semaphore_mem>>) src(%dma_wait3A_432 : memref<128x16xf32, #tpu.memory_space<vmem>>) dst(%dma_wait3A_438 : memref<10240x16xf32, #tpu.memory_space<vmem_shared>>)
    }
    %scan3A_49 = arith.constant 5 : i32
    %barrier3A_50 = arith.constant 0 : index
    tpu.barrier barrier_id(%barrier3A_50)
    %mul3A_51 = arith.constant 640 : i32
    %mul3A_52 = arith.muli %arg1, %mul3A_51 : i32
    "tpu.region"() ({
      %run_scoped3A = tpu.sem_alloc : memref<!tpu.dma_semaphore, #tpu.memory_space<semaphore_mem>>
      %dma_start3A_53 = arith.constant 0 : i32
      %dma_start3A_54 = arith.constant 0 : i32
      %dma_start3A_55 = tpu.memref_slice %arg6[%arg0, %dma_start3A_53, %dma_start3A_54] : memref<2x10240x16xf32, #tpu.memory_space<hbm>> -> memref<1x10240x16xf32, #tpu.memory_space<hbm>>
      %dma_start3A_56 = tpu.memref_squeeze %dma_start3A_55 : memref<1x10240x16xf32, #tpu.memory_space<hbm>> -> memref<10240x16xf32, #tpu.memory_space<hbm>>
      %dma_start3A_57 = arith.constant 0 : i32
      %dma_start3A_58 = tpu.memref_slice %dma_start3A_56[%mul3A_52, %dma_start3A_57] : memref<10240x16xf32, #tpu.memory_space<hbm>> -> memref<640x16xf32, #tpu.memory_space<hbm>>
      %dma_start3A_59 = arith.constant 0 : i32
      %dma_start3A_60 = tpu.memref_slice %arg11[%mul3A_52, %dma_start3A_59] : memref<10240x16xf32, #tpu.memory_space<vmem_shared>> -> memref<640x16xf32, #tpu.memory_space<vmem_shared>>
      tpu.enqueue_dma source(%dma_start3A_60 : memref<640x16xf32, #tpu.memory_space<vmem_shared>>) target(%dma_start3A_58 : memref<640x16xf32, #tpu.memory_space<hbm>>) target_semaphore(%run_scoped3A : memref<!tpu.dma_semaphore, #tpu.memory_space<semaphore_mem>>)
      %dma_wait3A_61 = arith.constant 0 : i32
      %dma_wait3A_62 = arith.constant 0 : i32
      %dma_wait3A_63 = tpu.memref_slice %arg6[%arg0, %dma_wait3A_61, %dma_wait3A_62] : memref<2x10240x16xf32, #tpu.memory_space<hbm>> -> memref<1x10240x16xf32, #tpu.memory_space<hbm>>
      %dma_wait3A_64 = tpu.memref_squeeze %dma_wait3A_63 : memref<1x10240x16xf32, #tpu.memory_space<hbm>> -> memref<10240x16xf32, #tpu.memory_space<hbm>>
      %dma_wait3A_65 = arith.constant 0 : i32
      %dma_wait3A_66 = tpu.memref_slice %dma_wait3A_64[%mul3A_52, %dma_wait3A_65] : memref<10240x16xf32, #tpu.memory_space<hbm>> -> memref<640x16xf32, #tpu.memory_space<hbm>>
      %dma_wait3A_67 = arith.constant 0 : i32
      %dma_wait3A_68 = tpu.memref_slice %arg11[%mul3A_52, %dma_wait3A_67] : memref<10240x16xf32, #tpu.memory_space<vmem_shared>> -> memref<640x16xf32, #tpu.memory_space<vmem_shared>>
      tpu.wait_dma2 semaphore(%run_scoped3A : memref<!tpu.dma_semaphore, #tpu.memory_space<semaphore_mem>>) src(%dma_wait3A_68 : memref<640x16xf32, #tpu.memory_space<vmem_shared>>) dst(%dma_wait3A_66 : memref<640x16xf32, #tpu.memory_space<hbm>>)
      tpu.yield
    }) : () -> ()
    return
  }
}

#map = affine_map<(d0, d1) -> (0, 0, 0, 0)>
#map1 = affine_map<(d0, d1) -> (0, 0)>
#map2 = affine_map<(d0, d1) -> (0, 0, 0)>
module attributes {stable_mosaic.version = 14 : i64} {
  func.func @_agg_kernel(%arg0: i32, %arg1: i32, %arg2: memref<2x16x40x128xi32, #tpu.memory_space<hbm>>, %arg3: memref<2x16x40x128xi32, #tpu.memory_space<hbm>>, %arg4: memref<10240x16xf32, #tpu.memory_space<hbm>>, %arg5: memref<640x16xf32, #tpu.memory_space<hbm>>, %arg6: memref<2x10240x16xf32, #tpu.memory_space<hbm>>, %arg7: memref<40x128xi32, #tpu.memory_space<vmem>>, %arg8: memref<40x128xi32, #tpu.memory_space<vmem>>, %arg9: memref<8x128x16xf32, #tpu.memory_space<vmem>>, %arg10: memref<10240x16xf32, #tpu.memory_space<vmem_shared>>, %arg11: memref<10240x16xf32, #tpu.memory_space<vmem_shared>>, %arg12: memref<!tpu.dma_semaphore, #tpu.memory_space<semaphore_mem>>, %arg13: memref<!tpu.dma_semaphore, #tpu.memory_space<semaphore_mem>>, %arg14: memref<!tpu.dma_semaphore, #tpu.memory_space<semaphore_mem>>, %arg15: memref<!tpu.dma_semaphore, #tpu.memory_space<semaphore_mem>>, %arg16: memref<!tpu.dma_semaphore, #tpu.memory_space<semaphore_mem>>, %arg17: memref<!tpu.dma_semaphore, #tpu.memory_space<semaphore_mem>>, %arg18: memref<!tpu.dma_semaphore, #tpu.memory_space<semaphore_mem>>, %arg19: memref<!tpu.dma_semaphore, #tpu.memory_space<semaphore_mem>>, %arg20: memref<!tpu.dma_semaphore, #tpu.memory_space<semaphore_mem>>, %arg21: memref<!tpu.dma_semaphore, #tpu.memory_space<semaphore_mem>>, %arg22: memref<!tpu.dma_semaphore, #tpu.memory_space<semaphore_mem>>, %arg23: memref<!tpu.dma_semaphore, #tpu.memory_space<semaphore_mem>>, %arg24: memref<!tpu.dma_semaphore, #tpu.memory_space<semaphore_mem>>, %arg25: memref<!tpu.dma_semaphore, #tpu.memory_space<semaphore_mem>>, %arg26: memref<!tpu.dma_semaphore, #tpu.memory_space<semaphore_mem>>, %arg27: memref<!tpu.dma_semaphore, #tpu.memory_space<semaphore_mem>>) attributes {dimension_semantics = [#tpu.dimension_semantics<core_parallel>, #tpu.dimension_semantics<subcore_parallel>], iteration_bounds = array<i64: 2, 16>, scalar_prefetch = 0 : i64, scratch_operands = 21 : i64, tpu.core_type = #tpu.core_type<sc_vector_subcore>, window_params = [{transform_indices = #map}, {transform_indices = #map}, {transform_indices = #map1}, {transform_indices = #map1}, {transform_indices = #map2}]} {
    %dma_start3A = arith.constant 0 : i32
    %dma_start3A_0 = arith.constant 0 : i32
    %dma_start3A_1 = tpu.memref_slice %arg2[%arg0, %arg1, %dma_start3A, %dma_start3A_0] : memref<2x16x40x128xi32, #tpu.memory_space<hbm>> -> memref<1x1x40x128xi32, #tpu.memory_space<hbm>>
    %dma_start3A_2 = tpu.memref_squeeze %dma_start3A_1 : memref<1x1x40x128xi32, #tpu.memory_space<hbm>> -> memref<40x128xi32, #tpu.memory_space<hbm>>
    %dma_start3A_3 = arith.constant 0 : i32
    %dma_start3A_4 = arith.constant 0 : i32
    %dma_start3A_5 = tpu.memref_slice %arg2[%arg0, %arg1, %dma_start3A_3, %dma_start3A_4] : memref<2x16x40x128xi32, #tpu.memory_space<hbm>> -> memref<1x1x40x128xi32, #tpu.memory_space<hbm>>
    %dma_start3A_6 = tpu.memref_squeeze %dma_start3A_5 : memref<1x1x40x128xi32, #tpu.memory_space<hbm>> -> memref<40x128xi32, #tpu.memory_space<hbm>>
    tpu.enqueue_dma source(%dma_start3A_6 : memref<40x128xi32, #tpu.memory_space<hbm>>) target(%arg7 : memref<40x128xi32, #tpu.memory_space<vmem>>) target_semaphore(%arg12 : memref<!tpu.dma_semaphore, #tpu.memory_space<semaphore_mem>>)
    %dma_start3A_7 = arith.constant 0 : i32
    %dma_start3A_8 = arith.constant 0 : i32
    %dma_start3A_9 = tpu.memref_slice %arg3[%arg0, %arg1, %dma_start3A_7, %dma_start3A_8] : memref<2x16x40x128xi32, #tpu.memory_space<hbm>> -> memref<1x1x40x128xi32, #tpu.memory_space<hbm>>
    %dma_start3A_10 = tpu.memref_squeeze %dma_start3A_9 : memref<1x1x40x128xi32, #tpu.memory_space<hbm>> -> memref<40x128xi32, #tpu.memory_space<hbm>>
    %dma_start3A_11 = arith.constant 0 : i32
    %dma_start3A_12 = arith.constant 0 : i32
    %dma_start3A_13 = tpu.memref_slice %arg3[%arg0, %arg1, %dma_start3A_11, %dma_start3A_12] : memref<2x16x40x128xi32, #tpu.memory_space<hbm>> -> memref<1x1x40x128xi32, #tpu.memory_space<hbm>>
    %dma_start3A_14 = tpu.memref_squeeze %dma_start3A_13 : memref<1x1x40x128xi32, #tpu.memory_space<hbm>> -> memref<40x128xi32, #tpu.memory_space<hbm>>
    tpu.enqueue_dma source(%dma_start3A_14 : memref<40x128xi32, #tpu.memory_space<hbm>>) target(%arg8 : memref<40x128xi32, #tpu.memory_space<vmem>>) target_semaphore(%arg13 : memref<!tpu.dma_semaphore, #tpu.memory_space<semaphore_mem>>)
    %mul3A = arith.constant 640 : i32
    %mul3A_15 = arith.muli %arg1, %mul3A : i32
    %dma_start3A_16 = arith.constant 0 : i32
    %dma_start3A_17 = tpu.memref_slice %arg10[%mul3A_15, %dma_start3A_16] : memref<10240x16xf32, #tpu.memory_space<vmem_shared>> -> memref<640x16xf32, #tpu.memory_space<vmem_shared>>
    %dma_start3A_18 = arith.constant 0 : i32
    %dma_start3A_19 = tpu.memref_slice %arg4[%mul3A_15, %dma_start3A_18] : memref<10240x16xf32, #tpu.memory_space<hbm>> -> memref<640x16xf32, #tpu.memory_space<hbm>>
    tpu.enqueue_dma source(%dma_start3A_19 : memref<640x16xf32, #tpu.memory_space<hbm>>) target(%dma_start3A_17 : memref<640x16xf32, #tpu.memory_space<vmem_shared>>) target_semaphore(%arg14 : memref<!tpu.dma_semaphore, #tpu.memory_space<semaphore_mem>>)
    %mul3A_20 = arith.constant 640 : i32
    %mul3A_21 = arith.muli %arg1, %mul3A_20 : i32
    %dma_start3A_22 = arith.constant 0 : i32
    %dma_start3A_23 = tpu.memref_slice %arg11[%mul3A_21, %dma_start3A_22] : memref<10240x16xf32, #tpu.memory_space<vmem_shared>> -> memref<640x16xf32, #tpu.memory_space<vmem_shared>>
    tpu.enqueue_dma source(%arg5 : memref<640x16xf32, #tpu.memory_space<hbm>>) target(%dma_start3A_23 : memref<640x16xf32, #tpu.memory_space<vmem_shared>>) target_semaphore(%arg15 : memref<!tpu.dma_semaphore, #tpu.memory_space<semaphore_mem>>)
    %dma_wait3A = arith.constant 0 : i32
    %dma_wait3A_24 = tpu.memref_slice %arg10[%mul3A_15, %dma_wait3A] : memref<10240x16xf32, #tpu.memory_space<vmem_shared>> -> memref<640x16xf32, #tpu.memory_space<vmem_shared>>
    %dma_wait3A_25 = arith.constant 0 : i32
    %dma_wait3A_26 = tpu.memref_slice %arg4[%mul3A_15, %dma_wait3A_25] : memref<10240x16xf32, #tpu.memory_space<hbm>> -> memref<640x16xf32, #tpu.memory_space<hbm>>
    tpu.wait_dma2 semaphore(%arg14 : memref<!tpu.dma_semaphore, #tpu.memory_space<semaphore_mem>>) src(%dma_wait3A_26 : memref<640x16xf32, #tpu.memory_space<hbm>>) dst(%dma_wait3A_24 : memref<640x16xf32, #tpu.memory_space<vmem_shared>>)
    %dma_wait3A_27 = arith.constant 0 : i32
    %dma_wait3A_28 = tpu.memref_slice %arg11[%mul3A_21, %dma_wait3A_27] : memref<10240x16xf32, #tpu.memory_space<vmem_shared>> -> memref<640x16xf32, #tpu.memory_space<vmem_shared>>
    tpu.wait_dma2 semaphore(%arg15 : memref<!tpu.dma_semaphore, #tpu.memory_space<semaphore_mem>>) src(%arg5 : memref<640x16xf32, #tpu.memory_space<hbm>>) dst(%dma_wait3A_28 : memref<640x16xf32, #tpu.memory_space<vmem_shared>>)
    %barrier3A = arith.constant 0 : index
    tpu.barrier barrier_id(%barrier3A)
    %dma_wait3A_29 = arith.constant 0 : i32
    %dma_wait3A_30 = arith.constant 0 : i32
    %dma_wait3A_31 = tpu.memref_slice %arg2[%arg0, %arg1, %dma_wait3A_29, %dma_wait3A_30] : memref<2x16x40x128xi32, #tpu.memory_space<hbm>> -> memref<1x1x40x128xi32, #tpu.memory_space<hbm>>
    %dma_wait3A_32 = tpu.memref_squeeze %dma_wait3A_31 : memref<1x1x40x128xi32, #tpu.memory_space<hbm>> -> memref<40x128xi32, #tpu.memory_space<hbm>>
    %dma_wait3A_33 = arith.constant 0 : i32
    %dma_wait3A_34 = arith.constant 0 : i32
    %dma_wait3A_35 = tpu.memref_slice %arg2[%arg0, %arg1, %dma_wait3A_33, %dma_wait3A_34] : memref<2x16x40x128xi32, #tpu.memory_space<hbm>> -> memref<1x1x40x128xi32, #tpu.memory_space<hbm>>
    %dma_wait3A_36 = tpu.memref_squeeze %dma_wait3A_35 : memref<1x1x40x128xi32, #tpu.memory_space<hbm>> -> memref<40x128xi32, #tpu.memory_space<hbm>>
    tpu.wait_dma2 semaphore(%arg12 : memref<!tpu.dma_semaphore, #tpu.memory_space<semaphore_mem>>) src(%dma_wait3A_36 : memref<40x128xi32, #tpu.memory_space<hbm>>) dst(%arg7 : memref<40x128xi32, #tpu.memory_space<vmem>>)
    %dma_wait3A_37 = arith.constant 0 : i32
    %dma_wait3A_38 = arith.constant 0 : i32
    %dma_wait3A_39 = tpu.memref_slice %arg3[%arg0, %arg1, %dma_wait3A_37, %dma_wait3A_38] : memref<2x16x40x128xi32, #tpu.memory_space<hbm>> -> memref<1x1x40x128xi32, #tpu.memory_space<hbm>>
    %dma_wait3A_40 = tpu.memref_squeeze %dma_wait3A_39 : memref<1x1x40x128xi32, #tpu.memory_space<hbm>> -> memref<40x128xi32, #tpu.memory_space<hbm>>
    %dma_wait3A_41 = arith.constant 0 : i32
    %dma_wait3A_42 = arith.constant 0 : i32
    %dma_wait3A_43 = tpu.memref_slice %arg3[%arg0, %arg1, %dma_wait3A_41, %dma_wait3A_42] : memref<2x16x40x128xi32, #tpu.memory_space<hbm>> -> memref<1x1x40x128xi32, #tpu.memory_space<hbm>>
    %dma_wait3A_44 = tpu.memref_squeeze %dma_wait3A_43 : memref<1x1x40x128xi32, #tpu.memory_space<hbm>> -> memref<40x128xi32, #tpu.memory_space<hbm>>
    tpu.wait_dma2 semaphore(%arg13 : memref<!tpu.dma_semaphore, #tpu.memory_space<semaphore_mem>>) src(%dma_wait3A_44 : memref<40x128xi32, #tpu.memory_space<hbm>>) dst(%arg8 : memref<40x128xi32, #tpu.memory_space<vmem>>)
    %scan3A = arith.constant 0 : i32
    %scan3A_45 = arith.constant 0 : i32
    %scan3A_46 = arith.constant 5 : i32
    %scan3A_47 = arith.addi %scan3A_45, %scan3A_46 : i32
    %scan3A_48 = arith.constant 1 : i32
    scf.for %scan3A_53 = %scan3A_45 to %scan3A_47 step %scan3A_48  : i32 {
      %mul3A_54 = arith.constant 8 : i32
      %mul3A_55 = arith.muli %mul3A_54, %scan3A_53 : i32
      %add3A = arith.constant 0 : i32
      %add3A_56 = arith.addi %mul3A_55, %add3A : i32
      %dma_start3A_57 = arith.constant 0 : i32
      %dma_start3A_58 = arith.constant 0 : i32
      %dma_start3A_59 = arith.constant 0 : i32
      %dma_start3A_60 = tpu.memref_slice %arg9[%dma_start3A_57, %dma_start3A_58, %dma_start3A_59] : memref<8x128x16xf32, #tpu.memory_space<vmem>> -> memref<1x128x16xf32, #tpu.memory_space<vmem>>
      %dma_start3A_61 = tpu.memref_squeeze %dma_start3A_60 : memref<1x128x16xf32, #tpu.memory_space<vmem>> -> memref<128x16xf32, #tpu.memory_space<vmem>>
      %dma_start3A_62 = arith.constant 0 : i32
      %dma_start3A_63 = tpu.memref_slice %arg7[%add3A_56, %dma_start3A_62] : memref<40x128xi32, #tpu.memory_space<vmem>> -> memref<1x128xi32, #tpu.memory_space<vmem>>
      %dma_start3A_64 = tpu.memref_squeeze %dma_start3A_63 : memref<1x128xi32, #tpu.memory_space<vmem>> -> memref<128xi32, #tpu.memory_space<vmem>>
      %dma_start3A_65 = arith.constant 0 : i32
      %dma_start3A_66 = arith.constant 0 : i32
      %dma_start3A_67 = tpu.memref_slice %arg10[%dma_start3A_65, %dma_start3A_66] : memref<10240x16xf32, #tpu.memory_space<vmem_shared>> -> memref<10240x16xf32, #tpu.memory_space<vmem_shared>>
      tpu.enqueue_indirect_dma source(%dma_start3A_67 : memref<10240x16xf32, #tpu.memory_space<vmem_shared>>) target(%dma_start3A_61 : memref<128x16xf32, #tpu.memory_space<vmem>>) offsets(%dma_start3A_64 : memref<128xi32, #tpu.memory_space<vmem>>) semaphore(%arg12 : memref<!tpu.dma_semaphore, #tpu.memory_space<semaphore_mem>>)
      %add3A_68 = arith.constant 1 : i32
      %add3A_69 = arith.addi %mul3A_55, %add3A_68 : i32
      %dma_start3A_70 = arith.constant 1 : i32
      %dma_start3A_71 = arith.constant 0 : i32
      %dma_start3A_72 = arith.constant 0 : i32
      %dma_start3A_73 = tpu.memref_slice %arg9[%dma_start3A_70, %dma_start3A_71, %dma_start3A_72] : memref<8x128x16xf32, #tpu.memory_space<vmem>> -> memref<1x128x16xf32, #tpu.memory_space<vmem>>
      %dma_start3A_74 = tpu.memref_squeeze %dma_start3A_73 : memref<1x128x16xf32, #tpu.memory_space<vmem>> -> memref<128x16xf32, #tpu.memory_space<vmem>>
      %dma_start3A_75 = arith.constant 0 : i32
      %dma_start3A_76 = tpu.memref_slice %arg7[%add3A_69, %dma_start3A_75] : memref<40x128xi32, #tpu.memory_space<vmem>> -> memref<1x128xi32, #tpu.memory_space<vmem>>
      %dma_start3A_77 = tpu.memref_squeeze %dma_start3A_76 : memref<1x128xi32, #tpu.memory_space<vmem>> -> memref<128xi32, #tpu.memory_space<vmem>>
      %dma_start3A_78 = arith.constant 0 : i32
      %dma_start3A_79 = arith.constant 0 : i32
      %dma_start3A_80 = tpu.memref_slice %arg10[%dma_start3A_78, %dma_start3A_79] : memref<10240x16xf32, #tpu.memory_space<vmem_shared>> -> memref<10240x16xf32, #tpu.memory_space<vmem_shared>>
      tpu.enqueue_indirect_dma source(%dma_start3A_80 : memref<10240x16xf32, #tpu.memory_space<vmem_shared>>) target(%dma_start3A_74 : memref<128x16xf32, #tpu.memory_space<vmem>>) offsets(%dma_start3A_77 : memref<128xi32, #tpu.memory_space<vmem>>) semaphore(%arg13 : memref<!tpu.dma_semaphore, #tpu.memory_space<semaphore_mem>>)
      %add3A_81 = arith.constant 2 : i32
      %add3A_82 = arith.addi %mul3A_55, %add3A_81 : i32
      %dma_start3A_83 = arith.constant 2 : i32
      %dma_start3A_84 = arith.constant 0 : i32
      %dma_start3A_85 = arith.constant 0 : i32
      %dma_start3A_86 = tpu.memref_slice %arg9[%dma_start3A_83, %dma_start3A_84, %dma_start3A_85] : memref<8x128x16xf32, #tpu.memory_space<vmem>> -> memref<1x128x16xf32, #tpu.memory_space<vmem>>
      %dma_start3A_87 = tpu.memref_squeeze %dma_start3A_86 : memref<1x128x16xf32, #tpu.memory_space<vmem>> -> memref<128x16xf32, #tpu.memory_space<vmem>>
      %dma_start3A_88 = arith.constant 0 : i32
      %dma_start3A_89 = tpu.memref_slice %arg7[%add3A_82, %dma_start3A_88] : memref<40x128xi32, #tpu.memory_space<vmem>> -> memref<1x128xi32, #tpu.memory_space<vmem>>
      %dma_start3A_90 = tpu.memref_squeeze %dma_start3A_89 : memref<1x128xi32, #tpu.memory_space<vmem>> -> memref<128xi32, #tpu.memory_space<vmem>>
      %dma_start3A_91 = arith.constant 0 : i32
      %dma_start3A_92 = arith.constant 0 : i32
      %dma_start3A_93 = tpu.memref_slice %arg10[%dma_start3A_91, %dma_start3A_92] : memref<10240x16xf32, #tpu.memory_space<vmem_shared>> -> memref<10240x16xf32, #tpu.memory_space<vmem_shared>>
      tpu.enqueue_indirect_dma source(%dma_start3A_93 : memref<10240x16xf32, #tpu.memory_space<vmem_shared>>) target(%dma_start3A_87 : memref<128x16xf32, #tpu.memory_space<vmem>>) offsets(%dma_start3A_90 : memref<128xi32, #tpu.memory_space<vmem>>) semaphore(%arg14 : memref<!tpu.dma_semaphore, #tpu.memory_space<semaphore_mem>>)
      %add3A_94 = arith.constant 3 : i32
      %add3A_95 = arith.addi %mul3A_55, %add3A_94 : i32
      %dma_start3A_96 = arith.constant 3 : i32
      %dma_start3A_97 = arith.constant 0 : i32
      %dma_start3A_98 = arith.constant 0 : i32
      %dma_start3A_99 = tpu.memref_slice %arg9[%dma_start3A_96, %dma_start3A_97, %dma_start3A_98] : memref<8x128x16xf32, #tpu.memory_space<vmem>> -> memref<1x128x16xf32, #tpu.memory_space<vmem>>
      %dma_start3A_100 = tpu.memref_squeeze %dma_start3A_99 : memref<1x128x16xf32, #tpu.memory_space<vmem>> -> memref<128x16xf32, #tpu.memory_space<vmem>>
      %dma_start3A_101 = arith.constant 0 : i32
      %dma_start3A_102 = tpu.memref_slice %arg7[%add3A_95, %dma_start3A_101] : memref<40x128xi32, #tpu.memory_space<vmem>> -> memref<1x128xi32, #tpu.memory_space<vmem>>
      %dma_start3A_103 = tpu.memref_squeeze %dma_start3A_102 : memref<1x128xi32, #tpu.memory_space<vmem>> -> memref<128xi32, #tpu.memory_space<vmem>>
      %dma_start3A_104 = arith.constant 0 : i32
      %dma_start3A_105 = arith.constant 0 : i32
      %dma_start3A_106 = tpu.memref_slice %arg10[%dma_start3A_104, %dma_start3A_105] : memref<10240x16xf32, #tpu.memory_space<vmem_shared>> -> memref<10240x16xf32, #tpu.memory_space<vmem_shared>>
      tpu.enqueue_indirect_dma source(%dma_start3A_106 : memref<10240x16xf32, #tpu.memory_space<vmem_shared>>) target(%dma_start3A_100 : memref<128x16xf32, #tpu.memory_space<vmem>>) offsets(%dma_start3A_103 : memref<128xi32, #tpu.memory_space<vmem>>) semaphore(%arg15 : memref<!tpu.dma_semaphore, #tpu.memory_space<semaphore_mem>>)
      %add3A_107 = arith.constant 4 : i32
      %add3A_108 = arith.addi %mul3A_55, %add3A_107 : i32
      %dma_start3A_109 = arith.constant 4 : i32
      %dma_start3A_110 = arith.constant 0 : i32
      %dma_start3A_111 = arith.constant 0 : i32
      %dma_start3A_112 = tpu.memref_slice %arg9[%dma_start3A_109, %dma_start3A_110, %dma_start3A_111] : memref<8x128x16xf32, #tpu.memory_space<vmem>> -> memref<1x128x16xf32, #tpu.memory_space<vmem>>
      %dma_start3A_113 = tpu.memref_squeeze %dma_start3A_112 : memref<1x128x16xf32, #tpu.memory_space<vmem>> -> memref<128x16xf32, #tpu.memory_space<vmem>>
      %dma_start3A_114 = arith.constant 0 : i32
      %dma_start3A_115 = tpu.memref_slice %arg7[%add3A_108, %dma_start3A_114] : memref<40x128xi32, #tpu.memory_space<vmem>> -> memref<1x128xi32, #tpu.memory_space<vmem>>
      %dma_start3A_116 = tpu.memref_squeeze %dma_start3A_115 : memref<1x128xi32, #tpu.memory_space<vmem>> -> memref<128xi32, #tpu.memory_space<vmem>>
      %dma_start3A_117 = arith.constant 0 : i32
      %dma_start3A_118 = arith.constant 0 : i32
      %dma_start3A_119 = tpu.memref_slice %arg10[%dma_start3A_117, %dma_start3A_118] : memref<10240x16xf32, #tpu.memory_space<vmem_shared>> -> memref<10240x16xf32, #tpu.memory_space<vmem_shared>>
      tpu.enqueue_indirect_dma source(%dma_start3A_119 : memref<10240x16xf32, #tpu.memory_space<vmem_shared>>) target(%dma_start3A_113 : memref<128x16xf32, #tpu.memory_space<vmem>>) offsets(%dma_start3A_116 : memref<128xi32, #tpu.memory_space<vmem>>) semaphore(%arg16 : memref<!tpu.dma_semaphore, #tpu.memory_space<semaphore_mem>>)
      %add3A_120 = arith.constant 5 : i32
      %add3A_121 = arith.addi %mul3A_55, %add3A_120 : i32
      %dma_start3A_122 = arith.constant 5 : i32
      %dma_start3A_123 = arith.constant 0 : i32
      %dma_start3A_124 = arith.constant 0 : i32
      %dma_start3A_125 = tpu.memref_slice %arg9[%dma_start3A_122, %dma_start3A_123, %dma_start3A_124] : memref<8x128x16xf32, #tpu.memory_space<vmem>> -> memref<1x128x16xf32, #tpu.memory_space<vmem>>
      %dma_start3A_126 = tpu.memref_squeeze %dma_start3A_125 : memref<1x128x16xf32, #tpu.memory_space<vmem>> -> memref<128x16xf32, #tpu.memory_space<vmem>>
      %dma_start3A_127 = arith.constant 0 : i32
      %dma_start3A_128 = tpu.memref_slice %arg7[%add3A_121, %dma_start3A_127] : memref<40x128xi32, #tpu.memory_space<vmem>> -> memref<1x128xi32, #tpu.memory_space<vmem>>
      %dma_start3A_129 = tpu.memref_squeeze %dma_start3A_128 : memref<1x128xi32, #tpu.memory_space<vmem>> -> memref<128xi32, #tpu.memory_space<vmem>>
      %dma_start3A_130 = arith.constant 0 : i32
      %dma_start3A_131 = arith.constant 0 : i32
      %dma_start3A_132 = tpu.memref_slice %arg10[%dma_start3A_130, %dma_start3A_131] : memref<10240x16xf32, #tpu.memory_space<vmem_shared>> -> memref<10240x16xf32, #tpu.memory_space<vmem_shared>>
      tpu.enqueue_indirect_dma source(%dma_start3A_132 : memref<10240x16xf32, #tpu.memory_space<vmem_shared>>) target(%dma_start3A_126 : memref<128x16xf32, #tpu.memory_space<vmem>>) offsets(%dma_start3A_129 : memref<128xi32, #tpu.memory_space<vmem>>) semaphore(%arg17 : memref<!tpu.dma_semaphore, #tpu.memory_space<semaphore_mem>>)
      %add3A_133 = arith.constant 6 : i32
      %add3A_134 = arith.addi %mul3A_55, %add3A_133 : i32
      %dma_start3A_135 = arith.constant 6 : i32
      %dma_start3A_136 = arith.constant 0 : i32
      %dma_start3A_137 = arith.constant 0 : i32
      %dma_start3A_138 = tpu.memref_slice %arg9[%dma_start3A_135, %dma_start3A_136, %dma_start3A_137] : memref<8x128x16xf32, #tpu.memory_space<vmem>> -> memref<1x128x16xf32, #tpu.memory_space<vmem>>
      %dma_start3A_139 = tpu.memref_squeeze %dma_start3A_138 : memref<1x128x16xf32, #tpu.memory_space<vmem>> -> memref<128x16xf32, #tpu.memory_space<vmem>>
      %dma_start3A_140 = arith.constant 0 : i32
      %dma_start3A_141 = tpu.memref_slice %arg7[%add3A_134, %dma_start3A_140] : memref<40x128xi32, #tpu.memory_space<vmem>> -> memref<1x128xi32, #tpu.memory_space<vmem>>
      %dma_start3A_142 = tpu.memref_squeeze %dma_start3A_141 : memref<1x128xi32, #tpu.memory_space<vmem>> -> memref<128xi32, #tpu.memory_space<vmem>>
      %dma_start3A_143 = arith.constant 0 : i32
      %dma_start3A_144 = arith.constant 0 : i32
      %dma_start3A_145 = tpu.memref_slice %arg10[%dma_start3A_143, %dma_start3A_144] : memref<10240x16xf32, #tpu.memory_space<vmem_shared>> -> memref<10240x16xf32, #tpu.memory_space<vmem_shared>>
      tpu.enqueue_indirect_dma source(%dma_start3A_145 : memref<10240x16xf32, #tpu.memory_space<vmem_shared>>) target(%dma_start3A_139 : memref<128x16xf32, #tpu.memory_space<vmem>>) offsets(%dma_start3A_142 : memref<128xi32, #tpu.memory_space<vmem>>) semaphore(%arg18 : memref<!tpu.dma_semaphore, #tpu.memory_space<semaphore_mem>>)
      %add3A_146 = arith.constant 7 : i32
      %add3A_147 = arith.addi %mul3A_55, %add3A_146 : i32
      %dma_start3A_148 = arith.constant 7 : i32
      %dma_start3A_149 = arith.constant 0 : i32
      %dma_start3A_150 = arith.constant 0 : i32
      %dma_start3A_151 = tpu.memref_slice %arg9[%dma_start3A_148, %dma_start3A_149, %dma_start3A_150] : memref<8x128x16xf32, #tpu.memory_space<vmem>> -> memref<1x128x16xf32, #tpu.memory_space<vmem>>
      %dma_start3A_152 = tpu.memref_squeeze %dma_start3A_151 : memref<1x128x16xf32, #tpu.memory_space<vmem>> -> memref<128x16xf32, #tpu.memory_space<vmem>>
      %dma_start3A_153 = arith.constant 0 : i32
      %dma_start3A_154 = tpu.memref_slice %arg7[%add3A_147, %dma_start3A_153] : memref<40x128xi32, #tpu.memory_space<vmem>> -> memref<1x128xi32, #tpu.memory_space<vmem>>
      %dma_start3A_155 = tpu.memref_squeeze %dma_start3A_154 : memref<1x128xi32, #tpu.memory_space<vmem>> -> memref<128xi32, #tpu.memory_space<vmem>>
      %dma_start3A_156 = arith.constant 0 : i32
      %dma_start3A_157 = arith.constant 0 : i32
      %dma_start3A_158 = tpu.memref_slice %arg10[%dma_start3A_156, %dma_start3A_157] : memref<10240x16xf32, #tpu.memory_space<vmem_shared>> -> memref<10240x16xf32, #tpu.memory_space<vmem_shared>>
      tpu.enqueue_indirect_dma source(%dma_start3A_158 : memref<10240x16xf32, #tpu.memory_space<vmem_shared>>) target(%dma_start3A_152 : memref<128x16xf32, #tpu.memory_space<vmem>>) offsets(%dma_start3A_155 : memref<128xi32, #tpu.memory_space<vmem>>) semaphore(%arg19 : memref<!tpu.dma_semaphore, #tpu.memory_space<semaphore_mem>>)
      %dma_wait3A_159 = arith.constant 0 : i32
      %dma_wait3A_160 = arith.constant 0 : i32
      %dma_wait3A_161 = arith.constant 0 : i32
      %dma_wait3A_162 = tpu.memref_slice %arg9[%dma_wait3A_159, %dma_wait3A_160, %dma_wait3A_161] : memref<8x128x16xf32, #tpu.memory_space<vmem>> -> memref<1x128x16xf32, #tpu.memory_space<vmem>>
      %dma_wait3A_163 = tpu.memref_squeeze %dma_wait3A_162 : memref<1x128x16xf32, #tpu.memory_space<vmem>> -> memref<128x16xf32, #tpu.memory_space<vmem>>
      %dma_wait3A_164 = arith.constant 0 : i32
      %dma_wait3A_165 = tpu.memref_slice %arg7[%add3A_56, %dma_wait3A_164] : memref<40x128xi32, #tpu.memory_space<vmem>> -> memref<1x128xi32, #tpu.memory_space<vmem>>
      %dma_wait3A_166 = tpu.memref_squeeze %dma_wait3A_165 : memref<1x128xi32, #tpu.memory_space<vmem>> -> memref<128xi32, #tpu.memory_space<vmem>>
      %dma_wait3A_167 = arith.constant 0 : i32
      %dma_wait3A_168 = arith.constant 0 : i32
      %dma_wait3A_169 = tpu.memref_slice %arg10[%dma_wait3A_167, %dma_wait3A_168] : memref<10240x16xf32, #tpu.memory_space<vmem_shared>> -> memref<10240x16xf32, #tpu.memory_space<vmem_shared>>
      tpu.wait_indirect_dma semaphore(%arg12 : memref<!tpu.dma_semaphore, #tpu.memory_space<semaphore_mem>>) src(%dma_wait3A_169 : memref<10240x16xf32, #tpu.memory_space<vmem_shared>>) dst(%dma_wait3A_163 : memref<128x16xf32, #tpu.memory_space<vmem>>)
      %add3A_170 = arith.constant 0 : i32
      %add3A_171 = arith.addi %mul3A_55, %add3A_170 : i32
      %dma_start3A_172 = arith.constant 0 : i32
      %dma_start3A_173 = arith.constant 0 : i32
      %dma_start3A_174 = arith.constant 0 : i32
      %dma_start3A_175 = tpu.memref_slice %arg9[%dma_start3A_172, %dma_start3A_173, %dma_start3A_174] : memref<8x128x16xf32, #tpu.memory_space<vmem>> -> memref<1x128x16xf32, #tpu.memory_space<vmem>>
      %dma_start3A_176 = tpu.memref_squeeze %dma_start3A_175 : memref<1x128x16xf32, #tpu.memory_space<vmem>> -> memref<128x16xf32, #tpu.memory_space<vmem>>
      %dma_start3A_177 = arith.constant 0 : i32
      %dma_start3A_178 = tpu.memref_slice %arg8[%add3A_171, %dma_start3A_177] : memref<40x128xi32, #tpu.memory_space<vmem>> -> memref<1x128xi32, #tpu.memory_space<vmem>>
      %dma_start3A_179 = tpu.memref_squeeze %dma_start3A_178 : memref<1x128xi32, #tpu.memory_space<vmem>> -> memref<128xi32, #tpu.memory_space<vmem>>
      %dma_start3A_180 = arith.constant 0 : i32
      %dma_start3A_181 = arith.constant 0 : i32
      %dma_start3A_182 = tpu.memref_slice %arg11[%dma_start3A_180, %dma_start3A_181] : memref<10240x16xf32, #tpu.memory_space<vmem_shared>> -> memref<10240x16xf32, #tpu.memory_space<vmem_shared>>
      tpu.enqueue_indirect_dma source(%dma_start3A_176 : memref<128x16xf32, #tpu.memory_space<vmem>>) target(%dma_start3A_182 : memref<10240x16xf32, #tpu.memory_space<vmem_shared>>) offsets(%dma_start3A_179 : memref<128xi32, #tpu.memory_space<vmem>>) semaphore(%arg20 : memref<!tpu.dma_semaphore, #tpu.memory_space<semaphore_mem>>) {add = true}
      %dma_wait3A_183 = arith.constant 1 : i32
      %dma_wait3A_184 = arith.constant 0 : i32
      %dma_wait3A_185 = arith.constant 0 : i32
      %dma_wait3A_186 = tpu.memref_slice %arg9[%dma_wait3A_183, %dma_wait3A_184, %dma_wait3A_185] : memref<8x128x16xf32, #tpu.memory_space<vmem>> -> memref<1x128x16xf32, #tpu.memory_space<vmem>>
      %dma_wait3A_187 = tpu.memref_squeeze %dma_wait3A_186 : memref<1x128x16xf32, #tpu.memory_space<vmem>> -> memref<128x16xf32, #tpu.memory_space<vmem>>
      %dma_wait3A_188 = arith.constant 0 : i32
      %dma_wait3A_189 = tpu.memref_slice %arg7[%add3A_69, %dma_wait3A_188] : memref<40x128xi32, #tpu.memory_space<vmem>> -> memref<1x128xi32, #tpu.memory_space<vmem>>
      %dma_wait3A_190 = tpu.memref_squeeze %dma_wait3A_189 : memref<1x128xi32, #tpu.memory_space<vmem>> -> memref<128xi32, #tpu.memory_space<vmem>>
      %dma_wait3A_191 = arith.constant 0 : i32
      %dma_wait3A_192 = arith.constant 0 : i32
      %dma_wait3A_193 = tpu.memref_slice %arg10[%dma_wait3A_191, %dma_wait3A_192] : memref<10240x16xf32, #tpu.memory_space<vmem_shared>> -> memref<10240x16xf32, #tpu.memory_space<vmem_shared>>
      tpu.wait_indirect_dma semaphore(%arg13 : memref<!tpu.dma_semaphore, #tpu.memory_space<semaphore_mem>>) src(%dma_wait3A_193 : memref<10240x16xf32, #tpu.memory_space<vmem_shared>>) dst(%dma_wait3A_187 : memref<128x16xf32, #tpu.memory_space<vmem>>)
      %add3A_194 = arith.constant 1 : i32
      %add3A_195 = arith.addi %mul3A_55, %add3A_194 : i32
      %dma_start3A_196 = arith.constant 1 : i32
      %dma_start3A_197 = arith.constant 0 : i32
      %dma_start3A_198 = arith.constant 0 : i32
      %dma_start3A_199 = tpu.memref_slice %arg9[%dma_start3A_196, %dma_start3A_197, %dma_start3A_198] : memref<8x128x16xf32, #tpu.memory_space<vmem>> -> memref<1x128x16xf32, #tpu.memory_space<vmem>>
      %dma_start3A_200 = tpu.memref_squeeze %dma_start3A_199 : memref<1x128x16xf32, #tpu.memory_space<vmem>> -> memref<128x16xf32, #tpu.memory_space<vmem>>
      %dma_start3A_201 = arith.constant 0 : i32
      %dma_start3A_202 = tpu.memref_slice %arg8[%add3A_195, %dma_start3A_201] : memref<40x128xi32, #tpu.memory_space<vmem>> -> memref<1x128xi32, #tpu.memory_space<vmem>>
      %dma_start3A_203 = tpu.memref_squeeze %dma_start3A_202 : memref<1x128xi32, #tpu.memory_space<vmem>> -> memref<128xi32, #tpu.memory_space<vmem>>
      %dma_start3A_204 = arith.constant 0 : i32
      %dma_start3A_205 = arith.constant 0 : i32
      %dma_start3A_206 = tpu.memref_slice %arg11[%dma_start3A_204, %dma_start3A_205] : memref<10240x16xf32, #tpu.memory_space<vmem_shared>> -> memref<10240x16xf32, #tpu.memory_space<vmem_shared>>
      tpu.enqueue_indirect_dma source(%dma_start3A_200 : memref<128x16xf32, #tpu.memory_space<vmem>>) target(%dma_start3A_206 : memref<10240x16xf32, #tpu.memory_space<vmem_shared>>) offsets(%dma_start3A_203 : memref<128xi32, #tpu.memory_space<vmem>>) semaphore(%arg21 : memref<!tpu.dma_semaphore, #tpu.memory_space<semaphore_mem>>) {add = true}
      %dma_wait3A_207 = arith.constant 2 : i32
      %dma_wait3A_208 = arith.constant 0 : i32
      %dma_wait3A_209 = arith.constant 0 : i32
      %dma_wait3A_210 = tpu.memref_slice %arg9[%dma_wait3A_207, %dma_wait3A_208, %dma_wait3A_209] : memref<8x128x16xf32, #tpu.memory_space<vmem>> -> memref<1x128x16xf32, #tpu.memory_space<vmem>>
      %dma_wait3A_211 = tpu.memref_squeeze %dma_wait3A_210 : memref<1x128x16xf32, #tpu.memory_space<vmem>> -> memref<128x16xf32, #tpu.memory_space<vmem>>
      %dma_wait3A_212 = arith.constant 0 : i32
      %dma_wait3A_213 = tpu.memref_slice %arg7[%add3A_82, %dma_wait3A_212] : memref<40x128xi32, #tpu.memory_space<vmem>> -> memref<1x128xi32, #tpu.memory_space<vmem>>
      %dma_wait3A_214 = tpu.memref_squeeze %dma_wait3A_213 : memref<1x128xi32, #tpu.memory_space<vmem>> -> memref<128xi32, #tpu.memory_space<vmem>>
      %dma_wait3A_215 = arith.constant 0 : i32
      %dma_wait3A_216 = arith.constant 0 : i32
      %dma_wait3A_217 = tpu.memref_slice %arg10[%dma_wait3A_215, %dma_wait3A_216] : memref<10240x16xf32, #tpu.memory_space<vmem_shared>> -> memref<10240x16xf32, #tpu.memory_space<vmem_shared>>
      tpu.wait_indirect_dma semaphore(%arg14 : memref<!tpu.dma_semaphore, #tpu.memory_space<semaphore_mem>>) src(%dma_wait3A_217 : memref<10240x16xf32, #tpu.memory_space<vmem_shared>>) dst(%dma_wait3A_211 : memref<128x16xf32, #tpu.memory_space<vmem>>)
      %add3A_218 = arith.constant 2 : i32
      %add3A_219 = arith.addi %mul3A_55, %add3A_218 : i32
      %dma_start3A_220 = arith.constant 2 : i32
      %dma_start3A_221 = arith.constant 0 : i32
      %dma_start3A_222 = arith.constant 0 : i32
      %dma_start3A_223 = tpu.memref_slice %arg9[%dma_start3A_220, %dma_start3A_221, %dma_start3A_222] : memref<8x128x16xf32, #tpu.memory_space<vmem>> -> memref<1x128x16xf32, #tpu.memory_space<vmem>>
      %dma_start3A_224 = tpu.memref_squeeze %dma_start3A_223 : memref<1x128x16xf32, #tpu.memory_space<vmem>> -> memref<128x16xf32, #tpu.memory_space<vmem>>
      %dma_start3A_225 = arith.constant 0 : i32
      %dma_start3A_226 = tpu.memref_slice %arg8[%add3A_219, %dma_start3A_225] : memref<40x128xi32, #tpu.memory_space<vmem>> -> memref<1x128xi32, #tpu.memory_space<vmem>>
      %dma_start3A_227 = tpu.memref_squeeze %dma_start3A_226 : memref<1x128xi32, #tpu.memory_space<vmem>> -> memref<128xi32, #tpu.memory_space<vmem>>
      %dma_start3A_228 = arith.constant 0 : i32
      %dma_start3A_229 = arith.constant 0 : i32
      %dma_start3A_230 = tpu.memref_slice %arg11[%dma_start3A_228, %dma_start3A_229] : memref<10240x16xf32, #tpu.memory_space<vmem_shared>> -> memref<10240x16xf32, #tpu.memory_space<vmem_shared>>
      tpu.enqueue_indirect_dma source(%dma_start3A_224 : memref<128x16xf32, #tpu.memory_space<vmem>>) target(%dma_start3A_230 : memref<10240x16xf32, #tpu.memory_space<vmem_shared>>) offsets(%dma_start3A_227 : memref<128xi32, #tpu.memory_space<vmem>>) semaphore(%arg22 : memref<!tpu.dma_semaphore, #tpu.memory_space<semaphore_mem>>) {add = true}
      %dma_wait3A_231 = arith.constant 3 : i32
      %dma_wait3A_232 = arith.constant 0 : i32
      %dma_wait3A_233 = arith.constant 0 : i32
      %dma_wait3A_234 = tpu.memref_slice %arg9[%dma_wait3A_231, %dma_wait3A_232, %dma_wait3A_233] : memref<8x128x16xf32, #tpu.memory_space<vmem>> -> memref<1x128x16xf32, #tpu.memory_space<vmem>>
      %dma_wait3A_235 = tpu.memref_squeeze %dma_wait3A_234 : memref<1x128x16xf32, #tpu.memory_space<vmem>> -> memref<128x16xf32, #tpu.memory_space<vmem>>
      %dma_wait3A_236 = arith.constant 0 : i32
      %dma_wait3A_237 = tpu.memref_slice %arg7[%add3A_95, %dma_wait3A_236] : memref<40x128xi32, #tpu.memory_space<vmem>> -> memref<1x128xi32, #tpu.memory_space<vmem>>
      %dma_wait3A_238 = tpu.memref_squeeze %dma_wait3A_237 : memref<1x128xi32, #tpu.memory_space<vmem>> -> memref<128xi32, #tpu.memory_space<vmem>>
      %dma_wait3A_239 = arith.constant 0 : i32
      %dma_wait3A_240 = arith.constant 0 : i32
      %dma_wait3A_241 = tpu.memref_slice %arg10[%dma_wait3A_239, %dma_wait3A_240] : memref<10240x16xf32, #tpu.memory_space<vmem_shared>> -> memref<10240x16xf32, #tpu.memory_space<vmem_shared>>
      tpu.wait_indirect_dma semaphore(%arg15 : memref<!tpu.dma_semaphore, #tpu.memory_space<semaphore_mem>>) src(%dma_wait3A_241 : memref<10240x16xf32, #tpu.memory_space<vmem_shared>>) dst(%dma_wait3A_235 : memref<128x16xf32, #tpu.memory_space<vmem>>)
      %add3A_242 = arith.constant 3 : i32
      %add3A_243 = arith.addi %mul3A_55, %add3A_242 : i32
      %dma_start3A_244 = arith.constant 3 : i32
      %dma_start3A_245 = arith.constant 0 : i32
      %dma_start3A_246 = arith.constant 0 : i32
      %dma_start3A_247 = tpu.memref_slice %arg9[%dma_start3A_244, %dma_start3A_245, %dma_start3A_246] : memref<8x128x16xf32, #tpu.memory_space<vmem>> -> memref<1x128x16xf32, #tpu.memory_space<vmem>>
      %dma_start3A_248 = tpu.memref_squeeze %dma_start3A_247 : memref<1x128x16xf32, #tpu.memory_space<vmem>> -> memref<128x16xf32, #tpu.memory_space<vmem>>
      %dma_start3A_249 = arith.constant 0 : i32
      %dma_start3A_250 = tpu.memref_slice %arg8[%add3A_243, %dma_start3A_249] : memref<40x128xi32, #tpu.memory_space<vmem>> -> memref<1x128xi32, #tpu.memory_space<vmem>>
      %dma_start3A_251 = tpu.memref_squeeze %dma_start3A_250 : memref<1x128xi32, #tpu.memory_space<vmem>> -> memref<128xi32, #tpu.memory_space<vmem>>
      %dma_start3A_252 = arith.constant 0 : i32
      %dma_start3A_253 = arith.constant 0 : i32
      %dma_start3A_254 = tpu.memref_slice %arg11[%dma_start3A_252, %dma_start3A_253] : memref<10240x16xf32, #tpu.memory_space<vmem_shared>> -> memref<10240x16xf32, #tpu.memory_space<vmem_shared>>
      tpu.enqueue_indirect_dma source(%dma_start3A_248 : memref<128x16xf32, #tpu.memory_space<vmem>>) target(%dma_start3A_254 : memref<10240x16xf32, #tpu.memory_space<vmem_shared>>) offsets(%dma_start3A_251 : memref<128xi32, #tpu.memory_space<vmem>>) semaphore(%arg23 : memref<!tpu.dma_semaphore, #tpu.memory_space<semaphore_mem>>) {add = true}
      %dma_wait3A_255 = arith.constant 4 : i32
      %dma_wait3A_256 = arith.constant 0 : i32
      %dma_wait3A_257 = arith.constant 0 : i32
      %dma_wait3A_258 = tpu.memref_slice %arg9[%dma_wait3A_255, %dma_wait3A_256, %dma_wait3A_257] : memref<8x128x16xf32, #tpu.memory_space<vmem>> -> memref<1x128x16xf32, #tpu.memory_space<vmem>>
      %dma_wait3A_259 = tpu.memref_squeeze %dma_wait3A_258 : memref<1x128x16xf32, #tpu.memory_space<vmem>> -> memref<128x16xf32, #tpu.memory_space<vmem>>
      %dma_wait3A_260 = arith.constant 0 : i32
      %dma_wait3A_261 = tpu.memref_slice %arg7[%add3A_108, %dma_wait3A_260] : memref<40x128xi32, #tpu.memory_space<vmem>> -> memref<1x128xi32, #tpu.memory_space<vmem>>
      %dma_wait3A_262 = tpu.memref_squeeze %dma_wait3A_261 : memref<1x128xi32, #tpu.memory_space<vmem>> -> memref<128xi32, #tpu.memory_space<vmem>>
      %dma_wait3A_263 = arith.constant 0 : i32
      %dma_wait3A_264 = arith.constant 0 : i32
      %dma_wait3A_265 = tpu.memref_slice %arg10[%dma_wait3A_263, %dma_wait3A_264] : memref<10240x16xf32, #tpu.memory_space<vmem_shared>> -> memref<10240x16xf32, #tpu.memory_space<vmem_shared>>
      tpu.wait_indirect_dma semaphore(%arg16 : memref<!tpu.dma_semaphore, #tpu.memory_space<semaphore_mem>>) src(%dma_wait3A_265 : memref<10240x16xf32, #tpu.memory_space<vmem_shared>>) dst(%dma_wait3A_259 : memref<128x16xf32, #tpu.memory_space<vmem>>)
      %add3A_266 = arith.constant 4 : i32
      %add3A_267 = arith.addi %mul3A_55, %add3A_266 : i32
      %dma_start3A_268 = arith.constant 4 : i32
      %dma_start3A_269 = arith.constant 0 : i32
      %dma_start3A_270 = arith.constant 0 : i32
      %dma_start3A_271 = tpu.memref_slice %arg9[%dma_start3A_268, %dma_start3A_269, %dma_start3A_270] : memref<8x128x16xf32, #tpu.memory_space<vmem>> -> memref<1x128x16xf32, #tpu.memory_space<vmem>>
      %dma_start3A_272 = tpu.memref_squeeze %dma_start3A_271 : memref<1x128x16xf32, #tpu.memory_space<vmem>> -> memref<128x16xf32, #tpu.memory_space<vmem>>
      %dma_start3A_273 = arith.constant 0 : i32
      %dma_start3A_274 = tpu.memref_slice %arg8[%add3A_267, %dma_start3A_273] : memref<40x128xi32, #tpu.memory_space<vmem>> -> memref<1x128xi32, #tpu.memory_space<vmem>>
      %dma_start3A_275 = tpu.memref_squeeze %dma_start3A_274 : memref<1x128xi32, #tpu.memory_space<vmem>> -> memref<128xi32, #tpu.memory_space<vmem>>
      %dma_start3A_276 = arith.constant 0 : i32
      %dma_start3A_277 = arith.constant 0 : i32
      %dma_start3A_278 = tpu.memref_slice %arg11[%dma_start3A_276, %dma_start3A_277] : memref<10240x16xf32, #tpu.memory_space<vmem_shared>> -> memref<10240x16xf32, #tpu.memory_space<vmem_shared>>
      tpu.enqueue_indirect_dma source(%dma_start3A_272 : memref<128x16xf32, #tpu.memory_space<vmem>>) target(%dma_start3A_278 : memref<10240x16xf32, #tpu.memory_space<vmem_shared>>) offsets(%dma_start3A_275 : memref<128xi32, #tpu.memory_space<vmem>>) semaphore(%arg24 : memref<!tpu.dma_semaphore, #tpu.memory_space<semaphore_mem>>) {add = true}
      %dma_wait3A_279 = arith.constant 5 : i32
      %dma_wait3A_280 = arith.constant 0 : i32
      %dma_wait3A_281 = arith.constant 0 : i32
      %dma_wait3A_282 = tpu.memref_slice %arg9[%dma_wait3A_279, %dma_wait3A_280, %dma_wait3A_281] : memref<8x128x16xf32, #tpu.memory_space<vmem>> -> memref<1x128x16xf32, #tpu.memory_space<vmem>>
      %dma_wait3A_283 = tpu.memref_squeeze %dma_wait3A_282 : memref<1x128x16xf32, #tpu.memory_space<vmem>> -> memref<128x16xf32, #tpu.memory_space<vmem>>
      %dma_wait3A_284 = arith.constant 0 : i32
      %dma_wait3A_285 = tpu.memref_slice %arg7[%add3A_121, %dma_wait3A_284] : memref<40x128xi32, #tpu.memory_space<vmem>> -> memref<1x128xi32, #tpu.memory_space<vmem>>
      %dma_wait3A_286 = tpu.memref_squeeze %dma_wait3A_285 : memref<1x128xi32, #tpu.memory_space<vmem>> -> memref<128xi32, #tpu.memory_space<vmem>>
      %dma_wait3A_287 = arith.constant 0 : i32
      %dma_wait3A_288 = arith.constant 0 : i32
      %dma_wait3A_289 = tpu.memref_slice %arg10[%dma_wait3A_287, %dma_wait3A_288] : memref<10240x16xf32, #tpu.memory_space<vmem_shared>> -> memref<10240x16xf32, #tpu.memory_space<vmem_shared>>
      tpu.wait_indirect_dma semaphore(%arg17 : memref<!tpu.dma_semaphore, #tpu.memory_space<semaphore_mem>>) src(%dma_wait3A_289 : memref<10240x16xf32, #tpu.memory_space<vmem_shared>>) dst(%dma_wait3A_283 : memref<128x16xf32, #tpu.memory_space<vmem>>)
      %add3A_290 = arith.constant 5 : i32
      %add3A_291 = arith.addi %mul3A_55, %add3A_290 : i32
      %dma_start3A_292 = arith.constant 5 : i32
      %dma_start3A_293 = arith.constant 0 : i32
      %dma_start3A_294 = arith.constant 0 : i32
      %dma_start3A_295 = tpu.memref_slice %arg9[%dma_start3A_292, %dma_start3A_293, %dma_start3A_294] : memref<8x128x16xf32, #tpu.memory_space<vmem>> -> memref<1x128x16xf32, #tpu.memory_space<vmem>>
      %dma_start3A_296 = tpu.memref_squeeze %dma_start3A_295 : memref<1x128x16xf32, #tpu.memory_space<vmem>> -> memref<128x16xf32, #tpu.memory_space<vmem>>
      %dma_start3A_297 = arith.constant 0 : i32
      %dma_start3A_298 = tpu.memref_slice %arg8[%add3A_291, %dma_start3A_297] : memref<40x128xi32, #tpu.memory_space<vmem>> -> memref<1x128xi32, #tpu.memory_space<vmem>>
      %dma_start3A_299 = tpu.memref_squeeze %dma_start3A_298 : memref<1x128xi32, #tpu.memory_space<vmem>> -> memref<128xi32, #tpu.memory_space<vmem>>
      %dma_start3A_300 = arith.constant 0 : i32
      %dma_start3A_301 = arith.constant 0 : i32
      %dma_start3A_302 = tpu.memref_slice %arg11[%dma_start3A_300, %dma_start3A_301] : memref<10240x16xf32, #tpu.memory_space<vmem_shared>> -> memref<10240x16xf32, #tpu.memory_space<vmem_shared>>
      tpu.enqueue_indirect_dma source(%dma_start3A_296 : memref<128x16xf32, #tpu.memory_space<vmem>>) target(%dma_start3A_302 : memref<10240x16xf32, #tpu.memory_space<vmem_shared>>) offsets(%dma_start3A_299 : memref<128xi32, #tpu.memory_space<vmem>>) semaphore(%arg25 : memref<!tpu.dma_semaphore, #tpu.memory_space<semaphore_mem>>) {add = true}
      %dma_wait3A_303 = arith.constant 6 : i32
      %dma_wait3A_304 = arith.constant 0 : i32
      %dma_wait3A_305 = arith.constant 0 : i32
      %dma_wait3A_306 = tpu.memref_slice %arg9[%dma_wait3A_303, %dma_wait3A_304, %dma_wait3A_305] : memref<8x128x16xf32, #tpu.memory_space<vmem>> -> memref<1x128x16xf32, #tpu.memory_space<vmem>>
      %dma_wait3A_307 = tpu.memref_squeeze %dma_wait3A_306 : memref<1x128x16xf32, #tpu.memory_space<vmem>> -> memref<128x16xf32, #tpu.memory_space<vmem>>
      %dma_wait3A_308 = arith.constant 0 : i32
      %dma_wait3A_309 = tpu.memref_slice %arg7[%add3A_134, %dma_wait3A_308] : memref<40x128xi32, #tpu.memory_space<vmem>> -> memref<1x128xi32, #tpu.memory_space<vmem>>
      %dma_wait3A_310 = tpu.memref_squeeze %dma_wait3A_309 : memref<1x128xi32, #tpu.memory_space<vmem>> -> memref<128xi32, #tpu.memory_space<vmem>>
      %dma_wait3A_311 = arith.constant 0 : i32
      %dma_wait3A_312 = arith.constant 0 : i32
      %dma_wait3A_313 = tpu.memref_slice %arg10[%dma_wait3A_311, %dma_wait3A_312] : memref<10240x16xf32, #tpu.memory_space<vmem_shared>> -> memref<10240x16xf32, #tpu.memory_space<vmem_shared>>
      tpu.wait_indirect_dma semaphore(%arg18 : memref<!tpu.dma_semaphore, #tpu.memory_space<semaphore_mem>>) src(%dma_wait3A_313 : memref<10240x16xf32, #tpu.memory_space<vmem_shared>>) dst(%dma_wait3A_307 : memref<128x16xf32, #tpu.memory_space<vmem>>)
      %add3A_314 = arith.constant 6 : i32
      %add3A_315 = arith.addi %mul3A_55, %add3A_314 : i32
      %dma_start3A_316 = arith.constant 6 : i32
      %dma_start3A_317 = arith.constant 0 : i32
      %dma_start3A_318 = arith.constant 0 : i32
      %dma_start3A_319 = tpu.memref_slice %arg9[%dma_start3A_316, %dma_start3A_317, %dma_start3A_318] : memref<8x128x16xf32, #tpu.memory_space<vmem>> -> memref<1x128x16xf32, #tpu.memory_space<vmem>>
      %dma_start3A_320 = tpu.memref_squeeze %dma_start3A_319 : memref<1x128x16xf32, #tpu.memory_space<vmem>> -> memref<128x16xf32, #tpu.memory_space<vmem>>
      %dma_start3A_321 = arith.constant 0 : i32
      %dma_start3A_322 = tpu.memref_slice %arg8[%add3A_315, %dma_start3A_321] : memref<40x128xi32, #tpu.memory_space<vmem>> -> memref<1x128xi32, #tpu.memory_space<vmem>>
      %dma_start3A_323 = tpu.memref_squeeze %dma_start3A_322 : memref<1x128xi32, #tpu.memory_space<vmem>> -> memref<128xi32, #tpu.memory_space<vmem>>
      %dma_start3A_324 = arith.constant 0 : i32
      %dma_start3A_325 = arith.constant 0 : i32
      %dma_start3A_326 = tpu.memref_slice %arg11[%dma_start3A_324, %dma_start3A_325] : memref<10240x16xf32, #tpu.memory_space<vmem_shared>> -> memref<10240x16xf32, #tpu.memory_space<vmem_shared>>
      tpu.enqueue_indirect_dma source(%dma_start3A_320 : memref<128x16xf32, #tpu.memory_space<vmem>>) target(%dma_start3A_326 : memref<10240x16xf32, #tpu.memory_space<vmem_shared>>) offsets(%dma_start3A_323 : memref<128xi32, #tpu.memory_space<vmem>>) semaphore(%arg26 : memref<!tpu.dma_semaphore, #tpu.memory_space<semaphore_mem>>) {add = true}
      %dma_wait3A_327 = arith.constant 7 : i32
      %dma_wait3A_328 = arith.constant 0 : i32
      %dma_wait3A_329 = arith.constant 0 : i32
      %dma_wait3A_330 = tpu.memref_slice %arg9[%dma_wait3A_327, %dma_wait3A_328, %dma_wait3A_329] : memref<8x128x16xf32, #tpu.memory_space<vmem>> -> memref<1x128x16xf32, #tpu.memory_space<vmem>>
      %dma_wait3A_331 = tpu.memref_squeeze %dma_wait3A_330 : memref<1x128x16xf32, #tpu.memory_space<vmem>> -> memref<128x16xf32, #tpu.memory_space<vmem>>
      %dma_wait3A_332 = arith.constant 0 : i32
      %dma_wait3A_333 = tpu.memref_slice %arg7[%add3A_147, %dma_wait3A_332] : memref<40x128xi32, #tpu.memory_space<vmem>> -> memref<1x128xi32, #tpu.memory_space<vmem>>
      %dma_wait3A_334 = tpu.memref_squeeze %dma_wait3A_333 : memref<1x128xi32, #tpu.memory_space<vmem>> -> memref<128xi32, #tpu.memory_space<vmem>>
      %dma_wait3A_335 = arith.constant 0 : i32
      %dma_wait3A_336 = arith.constant 0 : i32
      %dma_wait3A_337 = tpu.memref_slice %arg10[%dma_wait3A_335, %dma_wait3A_336] : memref<10240x16xf32, #tpu.memory_space<vmem_shared>> -> memref<10240x16xf32, #tpu.memory_space<vmem_shared>>
      tpu.wait_indirect_dma semaphore(%arg19 : memref<!tpu.dma_semaphore, #tpu.memory_space<semaphore_mem>>) src(%dma_wait3A_337 : memref<10240x16xf32, #tpu.memory_space<vmem_shared>>) dst(%dma_wait3A_331 : memref<128x16xf32, #tpu.memory_space<vmem>>)
      %add3A_338 = arith.constant 7 : i32
      %add3A_339 = arith.addi %mul3A_55, %add3A_338 : i32
      %dma_start3A_340 = arith.constant 7 : i32
      %dma_start3A_341 = arith.constant 0 : i32
      %dma_start3A_342 = arith.constant 0 : i32
      %dma_start3A_343 = tpu.memref_slice %arg9[%dma_start3A_340, %dma_start3A_341, %dma_start3A_342] : memref<8x128x16xf32, #tpu.memory_space<vmem>> -> memref<1x128x16xf32, #tpu.memory_space<vmem>>
      %dma_start3A_344 = tpu.memref_squeeze %dma_start3A_343 : memref<1x128x16xf32, #tpu.memory_space<vmem>> -> memref<128x16xf32, #tpu.memory_space<vmem>>
      %dma_start3A_345 = arith.constant 0 : i32
      %dma_start3A_346 = tpu.memref_slice %arg8[%add3A_339, %dma_start3A_345] : memref<40x128xi32, #tpu.memory_space<vmem>> -> memref<1x128xi32, #tpu.memory_space<vmem>>
      %dma_start3A_347 = tpu.memref_squeeze %dma_start3A_346 : memref<1x128xi32, #tpu.memory_space<vmem>> -> memref<128xi32, #tpu.memory_space<vmem>>
      %dma_start3A_348 = arith.constant 0 : i32
      %dma_start3A_349 = arith.constant 0 : i32
      %dma_start3A_350 = tpu.memref_slice %arg11[%dma_start3A_348, %dma_start3A_349] : memref<10240x16xf32, #tpu.memory_space<vmem_shared>> -> memref<10240x16xf32, #tpu.memory_space<vmem_shared>>
      tpu.enqueue_indirect_dma source(%dma_start3A_344 : memref<128x16xf32, #tpu.memory_space<vmem>>) target(%dma_start3A_350 : memref<10240x16xf32, #tpu.memory_space<vmem_shared>>) offsets(%dma_start3A_347 : memref<128xi32, #tpu.memory_space<vmem>>) semaphore(%arg27 : memref<!tpu.dma_semaphore, #tpu.memory_space<semaphore_mem>>) {add = true}
      %dma_wait3A_351 = arith.constant 0 : i32
      %dma_wait3A_352 = arith.constant 0 : i32
      %dma_wait3A_353 = arith.constant 0 : i32
      %dma_wait3A_354 = tpu.memref_slice %arg9[%dma_wait3A_351, %dma_wait3A_352, %dma_wait3A_353] : memref<8x128x16xf32, #tpu.memory_space<vmem>> -> memref<1x128x16xf32, #tpu.memory_space<vmem>>
      %dma_wait3A_355 = tpu.memref_squeeze %dma_wait3A_354 : memref<1x128x16xf32, #tpu.memory_space<vmem>> -> memref<128x16xf32, #tpu.memory_space<vmem>>
      %dma_wait3A_356 = arith.constant 0 : i32
      %dma_wait3A_357 = tpu.memref_slice %arg8[%add3A_171, %dma_wait3A_356] : memref<40x128xi32, #tpu.memory_space<vmem>> -> memref<1x128xi32, #tpu.memory_space<vmem>>
      %dma_wait3A_358 = tpu.memref_squeeze %dma_wait3A_357 : memref<1x128xi32, #tpu.memory_space<vmem>> -> memref<128xi32, #tpu.memory_space<vmem>>
      %dma_wait3A_359 = arith.constant 0 : i32
      %dma_wait3A_360 = arith.constant 0 : i32
      %dma_wait3A_361 = tpu.memref_slice %arg11[%dma_wait3A_359, %dma_wait3A_360] : memref<10240x16xf32, #tpu.memory_space<vmem_shared>> -> memref<10240x16xf32, #tpu.memory_space<vmem_shared>>
      tpu.wait_indirect_dma semaphore(%arg20 : memref<!tpu.dma_semaphore, #tpu.memory_space<semaphore_mem>>) src(%dma_wait3A_355 : memref<128x16xf32, #tpu.memory_space<vmem>>) dst(%dma_wait3A_361 : memref<10240x16xf32, #tpu.memory_space<vmem_shared>>)
      %dma_wait3A_362 = arith.constant 1 : i32
      %dma_wait3A_363 = arith.constant 0 : i32
      %dma_wait3A_364 = arith.constant 0 : i32
      %dma_wait3A_365 = tpu.memref_slice %arg9[%dma_wait3A_362, %dma_wait3A_363, %dma_wait3A_364] : memref<8x128x16xf32, #tpu.memory_space<vmem>> -> memref<1x128x16xf32, #tpu.memory_space<vmem>>
      %dma_wait3A_366 = tpu.memref_squeeze %dma_wait3A_365 : memref<1x128x16xf32, #tpu.memory_space<vmem>> -> memref<128x16xf32, #tpu.memory_space<vmem>>
      %dma_wait3A_367 = arith.constant 0 : i32
      %dma_wait3A_368 = tpu.memref_slice %arg8[%add3A_195, %dma_wait3A_367] : memref<40x128xi32, #tpu.memory_space<vmem>> -> memref<1x128xi32, #tpu.memory_space<vmem>>
      %dma_wait3A_369 = tpu.memref_squeeze %dma_wait3A_368 : memref<1x128xi32, #tpu.memory_space<vmem>> -> memref<128xi32, #tpu.memory_space<vmem>>
      %dma_wait3A_370 = arith.constant 0 : i32
      %dma_wait3A_371 = arith.constant 0 : i32
      %dma_wait3A_372 = tpu.memref_slice %arg11[%dma_wait3A_370, %dma_wait3A_371] : memref<10240x16xf32, #tpu.memory_space<vmem_shared>> -> memref<10240x16xf32, #tpu.memory_space<vmem_shared>>
      tpu.wait_indirect_dma semaphore(%arg21 : memref<!tpu.dma_semaphore, #tpu.memory_space<semaphore_mem>>) src(%dma_wait3A_366 : memref<128x16xf32, #tpu.memory_space<vmem>>) dst(%dma_wait3A_372 : memref<10240x16xf32, #tpu.memory_space<vmem_shared>>)
      %dma_wait3A_373 = arith.constant 2 : i32
      %dma_wait3A_374 = arith.constant 0 : i32
      %dma_wait3A_375 = arith.constant 0 : i32
      %dma_wait3A_376 = tpu.memref_slice %arg9[%dma_wait3A_373, %dma_wait3A_374, %dma_wait3A_375] : memref<8x128x16xf32, #tpu.memory_space<vmem>> -> memref<1x128x16xf32, #tpu.memory_space<vmem>>
      %dma_wait3A_377 = tpu.memref_squeeze %dma_wait3A_376 : memref<1x128x16xf32, #tpu.memory_space<vmem>> -> memref<128x16xf32, #tpu.memory_space<vmem>>
      %dma_wait3A_378 = arith.constant 0 : i32
      %dma_wait3A_379 = tpu.memref_slice %arg8[%add3A_219, %dma_wait3A_378] : memref<40x128xi32, #tpu.memory_space<vmem>> -> memref<1x128xi32, #tpu.memory_space<vmem>>
      %dma_wait3A_380 = tpu.memref_squeeze %dma_wait3A_379 : memref<1x128xi32, #tpu.memory_space<vmem>> -> memref<128xi32, #tpu.memory_space<vmem>>
      %dma_wait3A_381 = arith.constant 0 : i32
      %dma_wait3A_382 = arith.constant 0 : i32
      %dma_wait3A_383 = tpu.memref_slice %arg11[%dma_wait3A_381, %dma_wait3A_382] : memref<10240x16xf32, #tpu.memory_space<vmem_shared>> -> memref<10240x16xf32, #tpu.memory_space<vmem_shared>>
      tpu.wait_indirect_dma semaphore(%arg22 : memref<!tpu.dma_semaphore, #tpu.memory_space<semaphore_mem>>) src(%dma_wait3A_377 : memref<128x16xf32, #tpu.memory_space<vmem>>) dst(%dma_wait3A_383 : memref<10240x16xf32, #tpu.memory_space<vmem_shared>>)
      %dma_wait3A_384 = arith.constant 3 : i32
      %dma_wait3A_385 = arith.constant 0 : i32
      %dma_wait3A_386 = arith.constant 0 : i32
      %dma_wait3A_387 = tpu.memref_slice %arg9[%dma_wait3A_384, %dma_wait3A_385, %dma_wait3A_386] : memref<8x128x16xf32, #tpu.memory_space<vmem>> -> memref<1x128x16xf32, #tpu.memory_space<vmem>>
      %dma_wait3A_388 = tpu.memref_squeeze %dma_wait3A_387 : memref<1x128x16xf32, #tpu.memory_space<vmem>> -> memref<128x16xf32, #tpu.memory_space<vmem>>
      %dma_wait3A_389 = arith.constant 0 : i32
      %dma_wait3A_390 = tpu.memref_slice %arg8[%add3A_243, %dma_wait3A_389] : memref<40x128xi32, #tpu.memory_space<vmem>> -> memref<1x128xi32, #tpu.memory_space<vmem>>
      %dma_wait3A_391 = tpu.memref_squeeze %dma_wait3A_390 : memref<1x128xi32, #tpu.memory_space<vmem>> -> memref<128xi32, #tpu.memory_space<vmem>>
      %dma_wait3A_392 = arith.constant 0 : i32
      %dma_wait3A_393 = arith.constant 0 : i32
      %dma_wait3A_394 = tpu.memref_slice %arg11[%dma_wait3A_392, %dma_wait3A_393] : memref<10240x16xf32, #tpu.memory_space<vmem_shared>> -> memref<10240x16xf32, #tpu.memory_space<vmem_shared>>
      tpu.wait_indirect_dma semaphore(%arg23 : memref<!tpu.dma_semaphore, #tpu.memory_space<semaphore_mem>>) src(%dma_wait3A_388 : memref<128x16xf32, #tpu.memory_space<vmem>>) dst(%dma_wait3A_394 : memref<10240x16xf32, #tpu.memory_space<vmem_shared>>)
      %dma_wait3A_395 = arith.constant 4 : i32
      %dma_wait3A_396 = arith.constant 0 : i32
      %dma_wait3A_397 = arith.constant 0 : i32
      %dma_wait3A_398 = tpu.memref_slice %arg9[%dma_wait3A_395, %dma_wait3A_396, %dma_wait3A_397] : memref<8x128x16xf32, #tpu.memory_space<vmem>> -> memref<1x128x16xf32, #tpu.memory_space<vmem>>
      %dma_wait3A_399 = tpu.memref_squeeze %dma_wait3A_398 : memref<1x128x16xf32, #tpu.memory_space<vmem>> -> memref<128x16xf32, #tpu.memory_space<vmem>>
      %dma_wait3A_400 = arith.constant 0 : i32
      %dma_wait3A_401 = tpu.memref_slice %arg8[%add3A_267, %dma_wait3A_400] : memref<40x128xi32, #tpu.memory_space<vmem>> -> memref<1x128xi32, #tpu.memory_space<vmem>>
      %dma_wait3A_402 = tpu.memref_squeeze %dma_wait3A_401 : memref<1x128xi32, #tpu.memory_space<vmem>> -> memref<128xi32, #tpu.memory_space<vmem>>
      %dma_wait3A_403 = arith.constant 0 : i32
      %dma_wait3A_404 = arith.constant 0 : i32
      %dma_wait3A_405 = tpu.memref_slice %arg11[%dma_wait3A_403, %dma_wait3A_404] : memref<10240x16xf32, #tpu.memory_space<vmem_shared>> -> memref<10240x16xf32, #tpu.memory_space<vmem_shared>>
      tpu.wait_indirect_dma semaphore(%arg24 : memref<!tpu.dma_semaphore, #tpu.memory_space<semaphore_mem>>) src(%dma_wait3A_399 : memref<128x16xf32, #tpu.memory_space<vmem>>) dst(%dma_wait3A_405 : memref<10240x16xf32, #tpu.memory_space<vmem_shared>>)
      %dma_wait3A_406 = arith.constant 5 : i32
      %dma_wait3A_407 = arith.constant 0 : i32
      %dma_wait3A_408 = arith.constant 0 : i32
      %dma_wait3A_409 = tpu.memref_slice %arg9[%dma_wait3A_406, %dma_wait3A_407, %dma_wait3A_408] : memref<8x128x16xf32, #tpu.memory_space<vmem>> -> memref<1x128x16xf32, #tpu.memory_space<vmem>>
      %dma_wait3A_410 = tpu.memref_squeeze %dma_wait3A_409 : memref<1x128x16xf32, #tpu.memory_space<vmem>> -> memref<128x16xf32, #tpu.memory_space<vmem>>
      %dma_wait3A_411 = arith.constant 0 : i32
      %dma_wait3A_412 = tpu.memref_slice %arg8[%add3A_291, %dma_wait3A_411] : memref<40x128xi32, #tpu.memory_space<vmem>> -> memref<1x128xi32, #tpu.memory_space<vmem>>
      %dma_wait3A_413 = tpu.memref_squeeze %dma_wait3A_412 : memref<1x128xi32, #tpu.memory_space<vmem>> -> memref<128xi32, #tpu.memory_space<vmem>>
      %dma_wait3A_414 = arith.constant 0 : i32
      %dma_wait3A_415 = arith.constant 0 : i32
      %dma_wait3A_416 = tpu.memref_slice %arg11[%dma_wait3A_414, %dma_wait3A_415] : memref<10240x16xf32, #tpu.memory_space<vmem_shared>> -> memref<10240x16xf32, #tpu.memory_space<vmem_shared>>
      tpu.wait_indirect_dma semaphore(%arg25 : memref<!tpu.dma_semaphore, #tpu.memory_space<semaphore_mem>>) src(%dma_wait3A_410 : memref<128x16xf32, #tpu.memory_space<vmem>>) dst(%dma_wait3A_416 : memref<10240x16xf32, #tpu.memory_space<vmem_shared>>)
      %dma_wait3A_417 = arith.constant 6 : i32
      %dma_wait3A_418 = arith.constant 0 : i32
      %dma_wait3A_419 = arith.constant 0 : i32
      %dma_wait3A_420 = tpu.memref_slice %arg9[%dma_wait3A_417, %dma_wait3A_418, %dma_wait3A_419] : memref<8x128x16xf32, #tpu.memory_space<vmem>> -> memref<1x128x16xf32, #tpu.memory_space<vmem>>
      %dma_wait3A_421 = tpu.memref_squeeze %dma_wait3A_420 : memref<1x128x16xf32, #tpu.memory_space<vmem>> -> memref<128x16xf32, #tpu.memory_space<vmem>>
      %dma_wait3A_422 = arith.constant 0 : i32
      %dma_wait3A_423 = tpu.memref_slice %arg8[%add3A_315, %dma_wait3A_422] : memref<40x128xi32, #tpu.memory_space<vmem>> -> memref<1x128xi32, #tpu.memory_space<vmem>>
      %dma_wait3A_424 = tpu.memref_squeeze %dma_wait3A_423 : memref<1x128xi32, #tpu.memory_space<vmem>> -> memref<128xi32, #tpu.memory_space<vmem>>
      %dma_wait3A_425 = arith.constant 0 : i32
      %dma_wait3A_426 = arith.constant 0 : i32
      %dma_wait3A_427 = tpu.memref_slice %arg11[%dma_wait3A_425, %dma_wait3A_426] : memref<10240x16xf32, #tpu.memory_space<vmem_shared>> -> memref<10240x16xf32, #tpu.memory_space<vmem_shared>>
      tpu.wait_indirect_dma semaphore(%arg26 : memref<!tpu.dma_semaphore, #tpu.memory_space<semaphore_mem>>) src(%dma_wait3A_421 : memref<128x16xf32, #tpu.memory_space<vmem>>) dst(%dma_wait3A_427 : memref<10240x16xf32, #tpu.memory_space<vmem_shared>>)
      %dma_wait3A_428 = arith.constant 7 : i32
      %dma_wait3A_429 = arith.constant 0 : i32
      %dma_wait3A_430 = arith.constant 0 : i32
      %dma_wait3A_431 = tpu.memref_slice %arg9[%dma_wait3A_428, %dma_wait3A_429, %dma_wait3A_430] : memref<8x128x16xf32, #tpu.memory_space<vmem>> -> memref<1x128x16xf32, #tpu.memory_space<vmem>>
      %dma_wait3A_432 = tpu.memref_squeeze %dma_wait3A_431 : memref<1x128x16xf32, #tpu.memory_space<vmem>> -> memref<128x16xf32, #tpu.memory_space<vmem>>
      %dma_wait3A_433 = arith.constant 0 : i32
      %dma_wait3A_434 = tpu.memref_slice %arg8[%add3A_339, %dma_wait3A_433] : memref<40x128xi32, #tpu.memory_space<vmem>> -> memref<1x128xi32, #tpu.memory_space<vmem>>
      %dma_wait3A_435 = tpu.memref_squeeze %dma_wait3A_434 : memref<1x128xi32, #tpu.memory_space<vmem>> -> memref<128xi32, #tpu.memory_space<vmem>>
      %dma_wait3A_436 = arith.constant 0 : i32
      %dma_wait3A_437 = arith.constant 0 : i32
      %dma_wait3A_438 = tpu.memref_slice %arg11[%dma_wait3A_436, %dma_wait3A_437] : memref<10240x16xf32, #tpu.memory_space<vmem_shared>> -> memref<10240x16xf32, #tpu.memory_space<vmem_shared>>
      tpu.wait_indirect_dma semaphore(%arg27 : memref<!tpu.dma_semaphore, #tpu.memory_space<semaphore_mem>>) src(%dma_wait3A_432 : memref<128x16xf32, #tpu.memory_space<vmem>>) dst(%dma_wait3A_438 : memref<10240x16xf32, #tpu.memory_space<vmem_shared>>)
    }
    %scan3A_49 = arith.constant 5 : i32
    %barrier3A_50 = arith.constant 0 : index
    tpu.barrier barrier_id(%barrier3A_50)
    %mul3A_51 = arith.constant 640 : i32
    %mul3A_52 = arith.muli %arg1, %mul3A_51 : i32
    "tpu.region"() ({
      %run_scoped3A = tpu.sem_alloc : memref<!tpu.dma_semaphore, #tpu.memory_space<semaphore_mem>>
      %dma_start3A_53 = arith.constant 0 : i32
      %dma_start3A_54 = arith.constant 0 : i32
      %dma_start3A_55 = tpu.memref_slice %arg6[%arg0, %dma_start3A_53, %dma_start3A_54] : memref<2x10240x16xf32, #tpu.memory_space<hbm>> -> memref<1x10240x16xf32, #tpu.memory_space<hbm>>
      %dma_start3A_56 = tpu.memref_squeeze %dma_start3A_55 : memref<1x10240x16xf32, #tpu.memory_space<hbm>> -> memref<10240x16xf32, #tpu.memory_space<hbm>>
      %dma_start3A_57 = arith.constant 0 : i32
      %dma_start3A_58 = tpu.memref_slice %dma_start3A_56[%mul3A_52, %dma_start3A_57] : memref<10240x16xf32, #tpu.memory_space<hbm>> -> memref<640x16xf32, #tpu.memory_space<hbm>>
      %dma_start3A_59 = arith.constant 0 : i32
      %dma_start3A_60 = tpu.memref_slice %arg11[%mul3A_52, %dma_start3A_59] : memref<10240x16xf32, #tpu.memory_space<vmem_shared>> -> memref<640x16xf32, #tpu.memory_space<vmem_shared>>
      tpu.enqueue_dma source(%dma_start3A_60 : memref<640x16xf32, #tpu.memory_space<vmem_shared>>) target(%dma_start3A_58 : memref<640x16xf32, #tpu.memory_space<hbm>>) target_semaphore(%run_scoped3A : memref<!tpu.dma_semaphore, #tpu.memory_space<semaphore_mem>>)
      %dma_wait3A_61 = arith.constant 0 : i32
      %dma_wait3A_62 = arith.constant 0 : i32
      %dma_wait3A_63 = tpu.memref_slice %arg6[%arg0, %dma_wait3A_61, %dma_wait3A_62] : memref<2x10240x16xf32, #tpu.memory_space<hbm>> -> memref<1x10240x16xf32, #tpu.memory_space<hbm>>
      %dma_wait3A_64 = tpu.memref_squeeze %dma_wait3A_63 : memref<1x10240x16xf32, #tpu.memory_space<hbm>> -> memref<10240x16xf32, #tpu.memory_space<hbm>>
      %dma_wait3A_65 = arith.constant 0 : i32
      %dma_wait3A_66 = tpu.memref_slice %dma_wait3A_64[%mul3A_52, %dma_wait3A_65] : memref<10240x16xf32, #tpu.memory_space<hbm>> -> memref<640x16xf32, #tpu.memory_space<hbm>>
      %dma_wait3A_67 = arith.constant 0 : i32
      %dma_wait3A_68 = tpu.memref_slice %arg11[%mul3A_52, %dma_wait3A_67] : memref<10240x16xf32, #tpu.memory_space<vmem_shared>> -> memref<640x16xf32, #tpu.memory_space<vmem_shared>>
      tpu.wait_dma2 semaphore(%run_scoped3A : memref<!tpu.dma_semaphore, #tpu.memory_space<semaphore_mem>>) src(%dma_wait3A_68 : memref<640x16xf32, #tpu.memory_space<vmem_shared>>) dst(%dma_wait3A_66 : memref<640x16xf32, #tpu.memory_space<hbm>>)
      tpu.yield
    }) : () -> ()
    return
  }
}

module attributes {stable_mosaic.version = 14 : i64} {
  func.func @_mm_body(%arg0: i32, %arg1: memref<256x384xf32, #tpu.memory_space<vmem>>, %arg2: memref<256x384xf32, #tpu.memory_space<vmem>>, %arg3: memref<256x384xf32, #tpu.memory_space<vmem>>, %arg4: memref<256x384xf32, #tpu.memory_space<vmem>>, %arg5: memref<256x384xf32, #tpu.memory_space<vmem>>, %arg6: memref<256x384xf32, #tpu.memory_space<vmem>>, %arg7: memref<256x384xf32, #tpu.memory_space<vmem>>, %arg8: memref<256x384xf32, #tpu.memory_space<vmem>>, %arg9: memref<384x16xbf16, #tpu.memory_space<vmem>>, %arg10: memref<256x128xf32, #tpu.memory_space<vmem>>) attributes {dimension_semantics = [#tpu.dimension_semantics<arbitrary>], iteration_bounds = array<i64: 5>, scalar_prefetch = 0 : i64, scratch_operands = 0 : i64, tpu.core_type = #tpu.core_type<tc>, window_params = [{transform_indices = @transform_0, window_bounds = array<i64: 256, 384>}, {transform_indices = @transform_1, window_bounds = array<i64: 256, 384>}, {transform_indices = @transform_2, window_bounds = array<i64: 256, 384>}, {transform_indices = @transform_3, window_bounds = array<i64: 256, 384>}, {transform_indices = @transform_4, window_bounds = array<i64: 256, 384>}, {transform_indices = @transform_5, window_bounds = array<i64: 256, 384>}, {transform_indices = @transform_6, window_bounds = array<i64: 256, 384>}, {transform_indices = @transform_7, window_bounds = array<i64: 256, 384>}, {pipeline_mode = #tpu.pipeline_mode<synchronous>, transform_indices = @transform_8, window_bounds = array<i64: 384, 16>}, {transform_indices = @transform_9, window_bounds = array<i64: 256, 128>}]} {
    %get3A = arith.constant 0 : index
    %get3A_0 = arith.constant 0 : index
    %get3A_1 = vector.load %arg9[%get3A, %get3A_0] : memref<384x16xbf16, #tpu.memory_space<vmem>>, vector<384x16xbf16>
    %get3A_2 = arith.constant 0 : index
    %get3A_3 = arith.constant 0 : index
    %get3A_4 = vector.load %arg1[%get3A_2, %get3A_3] : memref<256x384xf32, #tpu.memory_space<vmem>>, vector<256x384xf32>
    %convert_element_type3A = arith.truncf %get3A_4 : vector<256x384xf32> to vector<256x384xbf16>
    %dot_general3A = arith.constant dense<0.000000e+00> : vector<256x16xf32>
    %dot_general3A_5 = tpu.matmul %convert_element_type3A, %get3A_1, %dot_general3A {dimension_numbers = #tpu.dot_dimension_numbers<[1], [0], [0], [1], [0, 0, 1, 1], [], []>, transpose_lhs_hint = false} : vector<256x384xbf16>, vector<384x16xbf16>, vector<256x16xf32> -> vector<256x16xf32>
    %get3A_6 = arith.constant 0 : index
    %get3A_7 = arith.constant 0 : index
    %get3A_8 = vector.load %arg2[%get3A_6, %get3A_7] : memref<256x384xf32, #tpu.memory_space<vmem>>, vector<256x384xf32>
    %convert_element_type3A_9 = arith.truncf %get3A_8 : vector<256x384xf32> to vector<256x384xbf16>
    %dot_general3A_10 = arith.constant dense<0.000000e+00> : vector<256x16xf32>
    %dot_general3A_11 = tpu.matmul %convert_element_type3A_9, %get3A_1, %dot_general3A_10 {dimension_numbers = #tpu.dot_dimension_numbers<[1], [0], [0], [1], [0, 0, 1, 1], [], []>, transpose_lhs_hint = false} : vector<256x384xbf16>, vector<384x16xbf16>, vector<256x16xf32> -> vector<256x16xf32>
    %get3A_12 = arith.constant 0 : index
    %get3A_13 = arith.constant 0 : index
    %get3A_14 = vector.load %arg3[%get3A_12, %get3A_13] : memref<256x384xf32, #tpu.memory_space<vmem>>, vector<256x384xf32>
    %convert_element_type3A_15 = arith.truncf %get3A_14 : vector<256x384xf32> to vector<256x384xbf16>
    %dot_general3A_16 = arith.constant dense<0.000000e+00> : vector<256x16xf32>
    %dot_general3A_17 = tpu.matmul %convert_element_type3A_15, %get3A_1, %dot_general3A_16 {dimension_numbers = #tpu.dot_dimension_numbers<[1], [0], [0], [1], [0, 0, 1, 1], [], []>, transpose_lhs_hint = false} : vector<256x384xbf16>, vector<384x16xbf16>, vector<256x16xf32> -> vector<256x16xf32>
    %get3A_18 = arith.constant 0 : index
    %get3A_19 = arith.constant 0 : index
    %get3A_20 = vector.load %arg4[%get3A_18, %get3A_19] : memref<256x384xf32, #tpu.memory_space<vmem>>, vector<256x384xf32>
    %convert_element_type3A_21 = arith.truncf %get3A_20 : vector<256x384xf32> to vector<256x384xbf16>
    %dot_general3A_22 = arith.constant dense<0.000000e+00> : vector<256x16xf32>
    %dot_general3A_23 = tpu.matmul %convert_element_type3A_21, %get3A_1, %dot_general3A_22 {dimension_numbers = #tpu.dot_dimension_numbers<[1], [0], [0], [1], [0, 0, 1, 1], [], []>, transpose_lhs_hint = false} : vector<256x384xbf16>, vector<384x16xbf16>, vector<256x16xf32> -> vector<256x16xf32>
    %get3A_24 = arith.constant 0 : index
    %get3A_25 = arith.constant 0 : index
    %get3A_26 = vector.load %arg5[%get3A_24, %get3A_25] : memref<256x384xf32, #tpu.memory_space<vmem>>, vector<256x384xf32>
    %convert_element_type3A_27 = arith.truncf %get3A_26 : vector<256x384xf32> to vector<256x384xbf16>
    %dot_general3A_28 = arith.constant dense<0.000000e+00> : vector<256x16xf32>
    %dot_general3A_29 = tpu.matmul %convert_element_type3A_27, %get3A_1, %dot_general3A_28 {dimension_numbers = #tpu.dot_dimension_numbers<[1], [0], [0], [1], [0, 0, 1, 1], [], []>, transpose_lhs_hint = false} : vector<256x384xbf16>, vector<384x16xbf16>, vector<256x16xf32> -> vector<256x16xf32>
    %get3A_30 = arith.constant 0 : index
    %get3A_31 = arith.constant 0 : index
    %get3A_32 = vector.load %arg6[%get3A_30, %get3A_31] : memref<256x384xf32, #tpu.memory_space<vmem>>, vector<256x384xf32>
    %convert_element_type3A_33 = arith.truncf %get3A_32 : vector<256x384xf32> to vector<256x384xbf16>
    %dot_general3A_34 = arith.constant dense<0.000000e+00> : vector<256x16xf32>
    %dot_general3A_35 = tpu.matmul %convert_element_type3A_33, %get3A_1, %dot_general3A_34 {dimension_numbers = #tpu.dot_dimension_numbers<[1], [0], [0], [1], [0, 0, 1, 1], [], []>, transpose_lhs_hint = false} : vector<256x384xbf16>, vector<384x16xbf16>, vector<256x16xf32> -> vector<256x16xf32>
    %get3A_36 = arith.constant 0 : index
    %get3A_37 = arith.constant 0 : index
    %get3A_38 = vector.load %arg7[%get3A_36, %get3A_37] : memref<256x384xf32, #tpu.memory_space<vmem>>, vector<256x384xf32>
    %convert_element_type3A_39 = arith.truncf %get3A_38 : vector<256x384xf32> to vector<256x384xbf16>
    %dot_general3A_40 = arith.constant dense<0.000000e+00> : vector<256x16xf32>
    %dot_general3A_41 = tpu.matmul %convert_element_type3A_39, %get3A_1, %dot_general3A_40 {dimension_numbers = #tpu.dot_dimension_numbers<[1], [0], [0], [1], [0, 0, 1, 1], [], []>, transpose_lhs_hint = false} : vector<256x384xbf16>, vector<384x16xbf16>, vector<256x16xf32> -> vector<256x16xf32>
    %get3A_42 = arith.constant 0 : index
    %get3A_43 = arith.constant 0 : index
    %get3A_44 = vector.load %arg8[%get3A_42, %get3A_43] : memref<256x384xf32, #tpu.memory_space<vmem>>, vector<256x384xf32>
    %convert_element_type3A_45 = arith.truncf %get3A_44 : vector<256x384xf32> to vector<256x384xbf16>
    %dot_general3A_46 = arith.constant dense<0.000000e+00> : vector<256x16xf32>
    %dot_general3A_47 = tpu.matmul %convert_element_type3A_45, %get3A_1, %dot_general3A_46 {dimension_numbers = #tpu.dot_dimension_numbers<[1], [0], [0], [1], [0, 0, 1, 1], [], []>, transpose_lhs_hint = false} : vector<256x384xbf16>, vector<384x16xbf16>, vector<256x16xf32> -> vector<256x16xf32>
    %concatenate3A = tpu.concatenate %dot_general3A_5, %dot_general3A_11, %dot_general3A_17, %dot_general3A_23, %dot_general3A_29, %dot_general3A_35, %dot_general3A_41, %dot_general3A_47 in 1 : vector<256x16xf32>, vector<256x16xf32>, vector<256x16xf32>, vector<256x16xf32>, vector<256x16xf32>, vector<256x16xf32>, vector<256x16xf32>, vector<256x16xf32> -> vector<256x128xf32>
    %swap3A = arith.constant 0 : index
    %swap3A_48 = arith.constant 0 : index
    %swap3A_49 = vector.load %arg10[%swap3A, %swap3A_48] : memref<256x128xf32, #tpu.memory_space<vmem>>, vector<256x128xf32>
    tpu.vector_store %arg10[%swap3A, %swap3A_48], %concatenate3A {strides = array<i32>} : memref<256x128xf32, #tpu.memory_space<vmem>>, vector<256x128xf32>,
    return
  }
  func.func @transform_0(%arg0: i32) -> (i32, i32) {
    %add3A = arith.constant 0 : i32
    %add3A_0 = arith.addi %add3A, %arg0 : i32
    %c0_i32 = arith.constant 0 : i32
    %c0_i32_1 = arith.constant 0 : i32
    return %add3A_0, %c0_i32 : i32, i32
  }
  func.func @transform_1(%arg0: i32) -> (i32, i32) {
    %add3A = arith.constant 5 : i32
    %add3A_0 = arith.addi %add3A, %arg0 : i32
    %c0_i32 = arith.constant 0 : i32
    %c0_i32_1 = arith.constant 0 : i32
    return %add3A_0, %c0_i32 : i32, i32
  }
  func.func @transform_2(%arg0: i32) -> (i32, i32) {
    %add3A = arith.constant 10 : i32
    %add3A_0 = arith.addi %add3A, %arg0 : i32
    %c0_i32 = arith.constant 0 : i32
    %c0_i32_1 = arith.constant 0 : i32
    return %add3A_0, %c0_i32 : i32, i32
  }
  func.func @transform_3(%arg0: i32) -> (i32, i32) {
    %add3A = arith.constant 15 : i32
    %add3A_0 = arith.addi %add3A, %arg0 : i32
    %c0_i32 = arith.constant 0 : i32
    %c0_i32_1 = arith.constant 0 : i32
    return %add3A_0, %c0_i32 : i32, i32
  }
  func.func @transform_4(%arg0: i32) -> (i32, i32) {
    %add3A = arith.constant 20 : i32
    %add3A_0 = arith.addi %add3A, %arg0 : i32
    %c0_i32 = arith.constant 0 : i32
    %c0_i32_1 = arith.constant 0 : i32
    return %add3A_0, %c0_i32 : i32, i32
  }
  func.func @transform_5(%arg0: i32) -> (i32, i32) {
    %add3A = arith.constant 25 : i32
    %add3A_0 = arith.addi %add3A, %arg0 : i32
    %c0_i32 = arith.constant 0 : i32
    %c0_i32_1 = arith.constant 0 : i32
    return %add3A_0, %c0_i32 : i32, i32
  }
  func.func @transform_6(%arg0: i32) -> (i32, i32) {
    %add3A = arith.constant 30 : i32
    %add3A_0 = arith.addi %add3A, %arg0 : i32
    %c0_i32 = arith.constant 0 : i32
    %c0_i32_1 = arith.constant 0 : i32
    return %add3A_0, %c0_i32 : i32, i32
  }
  func.func @transform_7(%arg0: i32) -> (i32, i32) {
    %add3A = arith.constant 35 : i32
    %add3A_0 = arith.addi %add3A, %arg0 : i32
    %c0_i32 = arith.constant 0 : i32
    %c0_i32_1 = arith.constant 0 : i32
    return %add3A_0, %c0_i32 : i32, i32
  }
  func.func @transform_8(%arg0: i32) -> (i32, i32) {
    %c0_i32 = arith.constant 0 : i32
    %c0_i32_0 = arith.constant 0 : i32
    %c0_i32_1 = arith.constant 0 : i32
    return %c0_i32, %c0_i32_0 : i32, i32
  }
  func.func @transform_9(%arg0: i32) -> (i32, i32) {
    %c0_i32 = arith.constant 0 : i32
    %c0_i32_0 = arith.constant 0 : i32
    return %arg0, %c0_i32 : i32, i32
  }
}

module attributes {stable_mosaic.version = 14 : i64} {
  func.func @_scale_body(%arg0: i32, %arg1: memref<1280x128xf32, #tpu.memory_space<vmem>>, %arg2: memref<2x1280x128xf32, #tpu.memory_space<vmem>>, %arg3: memref<1280x128xf32, #tpu.memory_space<vmem>>, %arg4: memref<1280x128xf32, #tpu.memory_space<vmem>>) attributes {dimension_semantics = [#tpu.dimension_semantics<arbitrary>], iteration_bounds = array<i64: 1>, scalar_prefetch = 0 : i64, scratch_operands = 0 : i64, tpu.core_type = #tpu.core_type<tc>, window_params = [{pipeline_mode = #tpu.pipeline_mode<synchronous>, transform_indices = @transform_0, window_bounds = array<i64: 1280, 128>}, {pipeline_mode = #tpu.pipeline_mode<synchronous>, transform_indices = @transform_1, window_bounds = array<i64: 2, 1280, 128>}, {pipeline_mode = #tpu.pipeline_mode<synchronous>, transform_indices = @transform_2, window_bounds = array<i64: 1280, 128>}, {pipeline_mode = #tpu.pipeline_mode<synchronous>, transform_indices = @transform_3, window_bounds = array<i64: 1280, 128>}]} {
    %get3A = arith.constant 0 : index
    %get3A_0 = arith.constant 0 : index
    %get3A_1 = arith.constant 0 : index
    %get3A_2 = vector.load %arg2[%get3A, %get3A_0, %get3A_1] : memref<2x1280x128xf32, #tpu.memory_space<vmem>>, vector<1x1280x128xf32>
    %get3A_3 = vector.shape_cast %get3A_2 : vector<1x1280x128xf32> to vector<1280x128xf32>
    %get3A_4 = arith.constant 1 : index
    %get3A_5 = arith.constant 0 : index
    %get3A_6 = arith.constant 0 : index
    %get3A_7 = vector.load %arg2[%get3A_4, %get3A_5, %get3A_6] : memref<2x1280x128xf32, #tpu.memory_space<vmem>>, vector<1x1280x128xf32>
    %get3A_8 = vector.shape_cast %get3A_7 : vector<1x1280x128xf32> to vector<1280x128xf32>
    %add3A = arith.addf %get3A_3, %get3A_8 : vector<1280x128xf32>
    %add3A_9 = arith.constant 1.000000e+00 : f32
    %add3A_10 = vector.broadcast %add3A_9 : f32 to vector<1280x128xf32>
    %add3A_11 = arith.addf %add3A, %add3A_10 : vector<1280x128xf32>
    %rsqrt3A = math.rsqrt %add3A_11 : vector<1280x128xf32>
    %swap3A = arith.constant 0 : index
    %swap3A_12 = arith.constant 0 : index
    %swap3A_13 = vector.load %arg4[%swap3A, %swap3A_12] : memref<1280x128xf32, #tpu.memory_space<vmem>>, vector<1280x128xf32>
    tpu.vector_store %arg4[%swap3A, %swap3A_12], %rsqrt3A {strides = array<i32>} : memref<1280x128xf32, #tpu.memory_space<vmem>>, vector<1280x128xf32>,
    %get3A_14 = arith.constant 0 : index
    %get3A_15 = arith.constant 0 : index
    %get3A_16 = vector.load %arg1[%get3A_14, %get3A_15] : memref<1280x128xf32, #tpu.memory_space<vmem>>, vector<1280x128xf32>
    %mul3A = arith.mulf %rsqrt3A, %get3A_16 : vector<1280x128xf32>
    %swap3A_17 = arith.constant 0 : index
    %swap3A_18 = arith.constant 0 : index
    %swap3A_19 = vector.load %arg3[%swap3A_17, %swap3A_18] : memref<1280x128xf32, #tpu.memory_space<vmem>>, vector<1280x128xf32>
    tpu.vector_store %arg3[%swap3A_17, %swap3A_18], %mul3A {strides = array<i32>} : memref<1280x128xf32, #tpu.memory_space<vmem>>, vector<1280x128xf32>,
    return
  }
  func.func @transform_0(%arg0: i32) -> (i32, i32) {
    %c0_i32 = arith.constant 0 : i32
    %c0_i32_0 = arith.constant 0 : i32
    %c0_i32_1 = arith.constant 0 : i32
    return %c0_i32, %c0_i32_0 : i32, i32
  }
  func.func @transform_1(%arg0: i32) -> (i32, i32, i32) {
    %c0_i32 = arith.constant 0 : i32
    %c0_i32_0 = arith.constant 0 : i32
    %c0_i32_1 = arith.constant 0 : i32
    %c0_i32_2 = arith.constant 0 : i32
    return %c0_i32, %c0_i32_0, %c0_i32_1 : i32, i32, i32
  }
  func.func @transform_2(%arg0: i32) -> (i32, i32) {
    %c0_i32 = arith.constant 0 : i32
    %c0_i32_0 = arith.constant 0 : i32
    %c0_i32_1 = arith.constant 0 : i32
    return %c0_i32, %c0_i32_0 : i32, i32
  }
  func.func @transform_3(%arg0: i32) -> (i32, i32) {
    %c0_i32 = arith.constant 0 : i32
    %c0_i32_0 = arith.constant 0 : i32
    %c0_i32_1 = arith.constant 0 : i32
    return %c0_i32, %c0_i32_0 : i32, i32
  }
}

module attributes {stable_mosaic.version = 14 : i64} {
  func.func @_tc2_body(%arg0: i32, %arg1: memref<2x1280x128xf32, #tpu.memory_space<vmem>>, %arg2: memref<1280x128xf32, #tpu.memory_space<vmem>>, %arg3: memref<1280x128xf32, #tpu.memory_space<vmem>>, %arg4: memref<128xf32, #tpu.memory_space<vmem>>, %arg5: memref<128x128xf32, #tpu.memory_space<vmem>>, %arg6: memref<1280x128xf32, #tpu.memory_space<vmem>>) attributes {dimension_semantics = [#tpu.dimension_semantics<arbitrary>], iteration_bounds = array<i64: 1>, scalar_prefetch = 0 : i64, scratch_operands = 0 : i64, tpu.core_type = #tpu.core_type<tc>, window_params = [{pipeline_mode = #tpu.pipeline_mode<synchronous>, transform_indices = @transform_0, window_bounds = array<i64: 2, 1280, 128>}, {pipeline_mode = #tpu.pipeline_mode<synchronous>, transform_indices = @transform_1, window_bounds = array<i64: 1280, 128>}, {pipeline_mode = #tpu.pipeline_mode<synchronous>, transform_indices = @transform_2, window_bounds = array<i64: 1280, 128>}, {pipeline_mode = #tpu.pipeline_mode<synchronous>, transform_indices = @transform_3, window_bounds = array<i64: 128>}, {pipeline_mode = #tpu.pipeline_mode<synchronous>, transform_indices = @transform_4, window_bounds = array<i64: 128, 128>}, {pipeline_mode = #tpu.pipeline_mode<synchronous>, transform_indices = @transform_5, window_bounds = array<i64: 1280, 128>}]} {
    %get3A = arith.constant 0 : index
    %get3A_0 = arith.constant 0 : index
    %get3A_1 = vector.load %arg2[%get3A, %get3A_0] : memref<1280x128xf32, #tpu.memory_space<vmem>>, vector<1280x128xf32>
    %get3A_2 = arith.constant 0 : index
    %get3A_3 = arith.constant 0 : index
    %get3A_4 = arith.constant 0 : index
    %get3A_5 = vector.load %arg1[%get3A_2, %get3A_3, %get3A_4] : memref<2x1280x128xf32, #tpu.memory_space<vmem>>, vector<1x1280x128xf32>
    %get3A_6 = vector.shape_cast %get3A_5 : vector<1x1280x128xf32> to vector<1280x128xf32>
    %get3A_7 = arith.constant 1 : index
    %get3A_8 = arith.constant 0 : index
    %get3A_9 = arith.constant 0 : index
    %get3A_10 = vector.load %arg1[%get3A_7, %get3A_8, %get3A_9] : memref<2x1280x128xf32, #tpu.memory_space<vmem>>, vector<1x1280x128xf32>
    %get3A_11 = vector.shape_cast %get3A_10 : vector<1x1280x128xf32> to vector<1280x128xf32>
    %add3A = arith.addf %get3A_6, %get3A_11 : vector<1280x128xf32>
    %mul3A = arith.mulf %get3A_1, %add3A : vector<1280x128xf32>
    %get3A_12 = arith.constant 0 : index
    %get3A_13 = arith.constant 0 : index
    %get3A_14 = vector.load %arg3[%get3A_12, %get3A_13] : memref<1280x128xf32, #tpu.memory_space<vmem>>, vector<1280x128xf32>
    %mul3A_15 = arith.mulf %get3A_1, %get3A_14 : vector<1280x128xf32>
    %add3A_16 = arith.addf %mul3A, %mul3A_15 : vector<1280x128xf32>
    %get3A_17 = arith.constant 0 : index
    %get3A_18 = vector.load %arg4[%get3A_17] : memref<128xf32, #tpu.memory_space<vmem>>, vector<128xf32>
    %broadcast_in_dim3A = vector.shape_cast %get3A_18 : vector<128xf32> to vector<1x128xf32>
    %add3A_19 = vector.broadcast %broadcast_in_dim3A : vector<1x128xf32> to vector<1280x128xf32>
    %add3A_20 = arith.addf %add3A_16, %add3A_19 : vector<1280x128xf32>
    %max3A = arith.constant 0.000000e+00 : f32
    %max3A_21 = vector.broadcast %max3A : f32 to vector<1280x128xf32>
    %max3A_22 = arith.maximumf %add3A_20, %max3A_21 : vector<1280x128xf32>
    %get3A_23 = arith.constant 0 : index
    %get3A_24 = arith.constant 0 : index
    %get3A_25 = vector.load %arg5[%get3A_23, %get3A_24] : memref<128x128xf32, #tpu.memory_space<vmem>>, vector<128x128xf32>
    %dot_general3A = arith.constant dense<0.000000e+00> : vector<1280x128xf32>
    %dot_general3A_26 = tpu.matmul %max3A_22, %get3A_25, %dot_general3A {dimension_numbers = #tpu.dot_dimension_numbers<[1], [0], [0], [1], [0, 0, 1, 1], [], []>, transpose_lhs_hint = false} : vector<1280x128xf32>, vector<128x128xf32>, vector<1280x128xf32> -> vector<1280x128xf32>
    %mul3A_27 = arith.mulf %get3A_1, %dot_general3A_26 : vector<1280x128xf32>
    %swap3A = arith.constant 0 : index
    %swap3A_28 = arith.constant 0 : index
    %swap3A_29 = vector.load %arg6[%swap3A, %swap3A_28] : memref<1280x128xf32, #tpu.memory_space<vmem>>, vector<1280x128xf32>
    tpu.vector_store %arg6[%swap3A, %swap3A_28], %mul3A_27 {strides = array<i32>} : memref<1280x128xf32, #tpu.memory_space<vmem>>, vector<1280x128xf32>,
    return
  }
  func.func @transform_0(%arg0: i32) -> (i32, i32, i32) {
    %c0_i32 = arith.constant 0 : i32
    %c0_i32_0 = arith.constant 0 : i32
    %c0_i32_1 = arith.constant 0 : i32
    %c0_i32_2 = arith.constant 0 : i32
    return %c0_i32, %c0_i32_0, %c0_i32_1 : i32, i32, i32
  }
  func.func @transform_1(%arg0: i32) -> (i32, i32) {
    %c0_i32 = arith.constant 0 : i32
    %c0_i32_0 = arith.constant 0 : i32
    %c0_i32_1 = arith.constant 0 : i32
    return %c0_i32, %c0_i32_0 : i32, i32
  }
  func.func @transform_2(%arg0: i32) -> (i32, i32) {
    %c0_i32 = arith.constant 0 : i32
    %c0_i32_0 = arith.constant 0 : i32
    %c0_i32_1 = arith.constant 0 : i32
    return %c0_i32, %c0_i32_0 : i32, i32
  }
  func.func @transform_3(%arg0: i32) -> i32 {
    %c0_i32 = arith.constant 0 : i32
    %c0_i32_0 = arith.constant 0 : i32
    return %c0_i32 : i32
  }
  func.func @transform_4(%arg0: i32) -> (i32, i32) {
    %c0_i32 = arith.constant 0 : i32
    %c0_i32_0 = arith.constant 0 : i32
    %c0_i32_1 = arith.constant 0 : i32
    return %c0_i32, %c0_i32_0 : i32, i32
  }
  func.func @transform_5(%arg0: i32) -> (i32, i32) {
    %c0_i32 = arith.constant 0 : i32
    %c0_i32_0 = arith.constant 0 : i32
    %c0_i32_1 = arith.constant 0 : i32
    return %c0_i32, %c0_i32_0 : i32, i32
  }
}

module attributes {stable_mosaic.version = 14 : i64} {
  func.func @_tc3_body(%arg0: i32, %arg1: memref<2x1280x128xf32, #tpu.memory_space<vmem>>, %arg2: memref<1280x128xf32, #tpu.memory_space<vmem>>, %arg3: memref<1280x128xf32, #tpu.memory_space<vmem>>, %arg4: memref<128xf32, #tpu.memory_space<vmem>>, %arg5: memref<128x8xf32, #tpu.memory_space<vmem>>, %arg6: memref<8x128xf32, #tpu.memory_space<vmem>>, %arg7: memref<1280x128xf32, #tpu.memory_space<vmem>>) attributes {dimension_semantics = [#tpu.dimension_semantics<arbitrary>], iteration_bounds = array<i64: 1>, scalar_prefetch = 0 : i64, scratch_operands = 0 : i64, tpu.core_type = #tpu.core_type<tc>, window_params = [{pipeline_mode = #tpu.pipeline_mode<synchronous>, transform_indices = @transform_0, window_bounds = array<i64: 2, 1280, 128>}, {pipeline_mode = #tpu.pipeline_mode<synchronous>, transform_indices = @transform_1, window_bounds = array<i64: 1280, 128>}, {pipeline_mode = #tpu.pipeline_mode<synchronous>, transform_indices = @transform_2, window_bounds = array<i64: 1280, 128>}, {pipeline_mode = #tpu.pipeline_mode<synchronous>, transform_indices = @transform_3, window_bounds = array<i64: 128>}, {pipeline_mode = #tpu.pipeline_mode<synchronous>, transform_indices = @transform_4, window_bounds = array<i64: 128, 8>}, {pipeline_mode = #tpu.pipeline_mode<synchronous>, transform_indices = @transform_5, window_bounds = array<i64: 8, 128>}, {pipeline_mode = #tpu.pipeline_mode<synchronous>, transform_indices = @transform_6, window_bounds = array<i64: 1280, 128>}]} {
    %get3A = arith.constant 0 : index
    %get3A_0 = arith.constant 0 : index
    %get3A_1 = vector.load %arg2[%get3A, %get3A_0] : memref<1280x128xf32, #tpu.memory_space<vmem>>, vector<1280x128xf32>
    %get3A_2 = arith.constant 0 : index
    %get3A_3 = arith.constant 0 : index
    %get3A_4 = arith.constant 0 : index
    %get3A_5 = vector.load %arg1[%get3A_2, %get3A_3, %get3A_4] : memref<2x1280x128xf32, #tpu.memory_space<vmem>>, vector<1x1280x128xf32>
    %get3A_6 = vector.shape_cast %get3A_5 : vector<1x1280x128xf32> to vector<1280x128xf32>
    %get3A_7 = arith.constant 1 : index
    %get3A_8 = arith.constant 0 : index
    %get3A_9 = arith.constant 0 : index
    %get3A_10 = vector.load %arg1[%get3A_7, %get3A_8, %get3A_9] : memref<2x1280x128xf32, #tpu.memory_space<vmem>>, vector<1x1280x128xf32>
    %get3A_11 = vector.shape_cast %get3A_10 : vector<1x1280x128xf32> to vector<1280x128xf32>
    %add3A = arith.addf %get3A_6, %get3A_11 : vector<1280x128xf32>
    %mul3A = arith.mulf %get3A_1, %add3A : vector<1280x128xf32>
    %get3A_12 = arith.constant 0 : index
    %get3A_13 = arith.constant 0 : index
    %get3A_14 = vector.load %arg3[%get3A_12, %get3A_13] : memref<1280x128xf32, #tpu.memory_space<vmem>>, vector<1280x128xf32>
    %mul3A_15 = arith.mulf %get3A_1, %get3A_14 : vector<1280x128xf32>
    %add3A_16 = arith.addf %mul3A, %mul3A_15 : vector<1280x128xf32>
    %get3A_17 = arith.constant 0 : index
    %get3A_18 = vector.load %arg4[%get3A_17] : memref<128xf32, #tpu.memory_space<vmem>>, vector<128xf32>
    %broadcast_in_dim3A = vector.shape_cast %get3A_18 : vector<128xf32> to vector<1x128xf32>
    %add3A_19 = vector.broadcast %broadcast_in_dim3A : vector<1x128xf32> to vector<1280x128xf32>
    %add3A_20 = arith.addf %add3A_16, %add3A_19 : vector<1280x128xf32>
    %exp3A = math.exp %add3A_20 : vector<1280x128xf32>
    %get3A_21 = arith.constant 0 : index
    %get3A_22 = arith.constant 0 : index
    %get3A_23 = vector.load %arg5[%get3A_21, %get3A_22] : memref<128x8xf32, #tpu.memory_space<vmem>>, vector<128x8xf32>
    %dot_general3A = arith.constant dense<0.000000e+00> : vector<1280x8xf32>
    %dot_general3A_24 = tpu.matmul %exp3A, %get3A_23, %dot_general3A {dimension_numbers = #tpu.dot_dimension_numbers<[1], [0], [0], [1], [0, 0, 1, 1], [], []>, precision = #tpu.contract_precision<fp32>, transpose_lhs_hint = false} : vector<1280x128xf32>, vector<128x8xf32>, vector<1280x8xf32> -> vector<1280x8xf32>
    %log3A = math.log %dot_general3A_24 : vector<1280x8xf32>
    %get3A_25 = arith.constant 0 : index
    %get3A_26 = arith.constant 0 : index
    %get3A_27 = vector.load %arg6[%get3A_25, %get3A_26] : memref<8x128xf32, #tpu.memory_space<vmem>>, vector<8x128xf32>
    %dot_general3A_28 = arith.constant dense<0.000000e+00> : vector<1280x128xf32>
    %dot_general3A_29 = tpu.matmul %log3A, %get3A_27, %dot_general3A_28 {dimension_numbers = #tpu.dot_dimension_numbers<[1], [0], [0], [1], [0, 0, 1, 1], [], []>, precision = #tpu.contract_precision<fp32>, transpose_lhs_hint = false} : vector<1280x8xf32>, vector<8x128xf32>, vector<1280x128xf32> -> vector<1280x128xf32>
    %sub3A = arith.subf %add3A_20, %dot_general3A_29 : vector<1280x128xf32>
    %swap3A = arith.constant 0 : index
    %swap3A_30 = arith.constant 0 : index
    %swap3A_31 = vector.load %arg7[%swap3A, %swap3A_30] : memref<1280x128xf32, #tpu.memory_space<vmem>>, vector<1280x128xf32>
    tpu.vector_store %arg7[%swap3A, %swap3A_30], %sub3A {strides = array<i32>} : memref<1280x128xf32, #tpu.memory_space<vmem>>, vector<1280x128xf32>,
    return
  }
  func.func @transform_0(%arg0: i32) -> (i32, i32, i32) {
    %c0_i32 = arith.constant 0 : i32
    %c0_i32_0 = arith.constant 0 : i32
    %c0_i32_1 = arith.constant 0 : i32
    %c0_i32_2 = arith.constant 0 : i32
    return %c0_i32, %c0_i32_0, %c0_i32_1 : i32, i32, i32
  }
  func.func @transform_1(%arg0: i32) -> (i32, i32) {
    %c0_i32 = arith.constant 0 : i32
    %c0_i32_0 = arith.constant 0 : i32
    %c0_i32_1 = arith.constant 0 : i32
    return %c0_i32, %c0_i32_0 : i32, i32
  }
  func.func @transform_2(%arg0: i32) -> (i32, i32) {
    %c0_i32 = arith.constant 0 : i32
    %c0_i32_0 = arith.constant 0 : i32
    %c0_i32_1 = arith.constant 0 : i32
    return %c0_i32, %c0_i32_0 : i32, i32
  }
  func.func @transform_3(%arg0: i32) -> i32 {
    %c0_i32 = arith.constant 0 : i32
    %c0_i32_0 = arith.constant 0 : i32
    return %c0_i32 : i32
  }
  func.func @transform_4(%arg0: i32) -> (i32, i32) {
    %c0_i32 = arith.constant 0 : i32
    %c0_i32_0 = arith.constant 0 : i32
    %c0_i32_1 = arith.constant 0 : i32
    return %c0_i32, %c0_i32_0 : i32, i32
  }
  func.func @transform_5(%arg0: i32) -> (i32, i32) {
    %c0_i32 = arith.constant 0 : i32
    %c0_i32_0 = arith.constant 0 : i32
    %c0_i32_1 = arith.constant 0 : i32
    return %c0_i32, %c0_i32_0 : i32, i32
  }
  func.func @transform_6(%arg0: i32) -> (i32, i32) {
    %c0_i32 = arith.constant 0 : i32
    %c0_i32_0 = arith.constant 0 : i32
    %c0_i32_1 = arith.constant 0 : i32
    return %c0_i32, %c0_i32_0 : i32, i32
  }
}

</mosaic_0001>

<sc_bundles>
// kernel: kernel.12.cloned.1.call-start
scs
__scs_entry_jumppad:
0x0: {  	(pc) =	sbr.rel $0x88, $3  }
0x1: {  	(tag) =	ssettag $0x0;
	lr =	simm.s32 $0x1  }
0x2: {  	[smem:$0x3F9B] =	sst lr;
	_ =	strace $0xD0000000  }
0x3: {  	_ = 	snop  }
0x4: {  	_ = 	snop  }
0x5: {  	_ = 	snop  }
0x6: {  	_ = 	snop  }
0x7: {  	_ = 	snop  }
__scs_overlays_trampoline_lowered:
0x8: {  	[smem:$0x3FAA] =	sst s0  }
0x9: {  	[smem:$0x3FAB] =	sst s1  }
0xa: {  	[smem:$0x3FAC] =	sst s2  }
0xb: {  	[smem:$0x3FAD] =	sst s3  }
0xc: {  	[smem:$0x3FAE] =	sst s4  }
0xd: {  	[smem:$0x3FAF] =	sst s5  }
0xe: {  	[smem:$0x3FB0] =	sst s6  }
0xf: {  	[smem:$0x3FB1] =	sst s7  }
0x10: {  	[smem:$0x3FB2] =	sst s8  }
0x11: {  	[smem:$0x3FB3] =	sst s9;
	s0 =	simm.s32 @!p0 $0x0  }
0x12: {  	s1 =	sld [smem:$0x3F99];
	s0 =	simm.s32 @p0 $0x1  }
0x13: {  	[smem:$0x3FB4] =	sst s0;
	s0 =	simm.s32 @!p1 $0x0  }
0x14: {  	s2 =	sld [smem:$0x3F98];
	s0 =	simm.s32 @p1 $0x1  }
0x15: {  	[smem:$0x3FB5] =	sst s0;
	s0 =	simm.s32 @!p2 $0x0  }
0x16: {  	s3 =	sld [smem:$0x3FDB];
	s0 =	simm.s32 @p2 $0x1  }
0x17: {  	s4 =	simm.s32 $0x1BF5;
	[smem:$0x3FB7] =	sst s0  }
0x18: {  	s0 =	sld [smem:$0x3F9A];
	_ =	swait.ge [sflag:s4], $0x0  }
0x19: {  	s7 =	sld [smem:$0x3F9B]  }
0x1a: {  	s8 =	sadd.s32 $0xFFFFE003, lr  }
0x1b: {  	s9 =	sadd.s32 $0xFFFFFEF7, lr;
	s5 =	simm.s32 $0xFFFFFFFF;
	p2 =	slt.u32 s8, $0xFFFFF086  }
0x1c: {  	p1 =	slt.u32 s9, $0xF7A;
	s5 =	simm.s32 @!p2 $0x0  }
0x1d: {  	s5 =	simm.s32 @p1 $0x1;
	p0 =	seq.s32 s7, s2  }
0x1e: {  	s7 =	smul.u32 @!p0 $0xF7A, s2;
	p2 =	seq.s32 @!p0 s5, $0x0  }
0x1f: {  	s9 =	smul.u32 $0xF7A, s1;
	s8 =	simm.s32 @!p0 $0x1BF5;
	p2 =	por !p2, p0  }
0x20: {  	[sflag:s8] =	ssyncset.s32 @!p0 $0xFFFFF086;
	s6 =	sadd.s32 @!p0 s3, s7;
	s7 =	simm.s32 @!p0 $0x108  }
0x21: {  	s3 =	sadd.s32 s3, s9;
	s6 =	sadd.s32 @!p0 $0x88, s6;
	s7 =	simm.s32 @p2 $0x1082  }
0x22: {  	[simem:s7], [sflag:s8] =	dma.local @!p0 [hbm:s6], $0xF7A  }
0x23: {  	s9 =	sor.u32 $0xD0000000, s2;
	s6 =	simm.s32 $0x108;
	_ =	swait.ge @!p0 [sflag:s8], $0x0  }
0x24: {  	s3 =	sadd.s32 $0x88, s3;
	s6 =	simm.s32 @!p1 $0x1082;
	[sflag:s4] =	ssyncset.s32 $0xFFFFF086  }
0x25: {  	[simem:s6], [sflag:s4] =	dma.local [hbm:s3], $0xF7A  }
0x26: {  	[smem:$0x3F9B] =	sst s1;
	(tag) =	ssettag s2;
	_ =	strace s9  }
0x27: {  	s1 =	sld [smem:$0x3FAB]  }
0x28: {  	s2 =	sld [smem:$0x3FAC]  }
0x29: {  	s4 =	sld [smem:$0x3FAE]  }
0x2a: {  	p0 =	seq.s32 s5, $0x0;
	s5 =	sld [smem:$0x3FAF]  }
0x2b: {  	s6 =	sld [smem:$0x3FB0]  }
0x2c: {  	s7 =	sld [smem:$0x3FB1]  }
0x2d: {  	s3 =	simm.s32 $0x108;
	s8 =	sld [smem:$0x3FB2]  }
0x2e: {  	s3 =	simm.s32 @!p0 $0x1082;
	s9 =	sld [smem:$0x3FB3]  }
0x2f: {  	lr =	sadd.s32 s0, s3;
	s0 =	sld [smem:$0x3FAA]  }
0x30: {  	s3 =	sld [smem:$0x3FAD]  }
0x31: {  	[smem:$0x3FB6] =	sst s10  }
0x32: {  	s10 =	sld [smem:$0x3FB4];
	_ =	sdelay $0x3  }
0x33: {  	p0 =	seq.s32 s10, $0x1;
	s10 =	sld [smem:$0x3FB6];
	_ =	sdelay $0x3  }
0x34: {  	[smem:$0x3FB6] =	sst s10  }
0x35: {  	s10 =	sld [smem:$0x3FB5];
	_ =	sdelay $0x3  }
0x36: {  	p1 =	seq.s32 s10, $0x1;
	s10 =	sld [smem:$0x3FB6];
	_ =	sdelay $0x3  }
0x37: {  	[smem:$0x3FB6] =	sst s10  }
0x38: {  	s10 =	sld [smem:$0x3FB7]  }
0x39: {  	_ = 	snop;
	(pc) =	sbr.ind lr, $3  }
0x3a: {  	_ = 	snop  }
0x3b: {  	_ = 	snop  }
0x3c: {  	p2 =	seq.s32 s10, $0x1;
	s10 =	sld [smem:$0x3FB6]  }
0x3d: {  	_ =	shalt  }
0x3e: {  	_ =	shalt  }
0x3f: {  	_ =	shalt  }
0x40: {  	_ =	shalt  }
0x41: {  	_ =	shalt  }
0x42: {  	_ =	shalt  }
0x43: {  	_ =	shalt  }
0x44: {  	_ =	shalt  }
0x45: {  	_ =	shalt  }
0x46: {  	_ =	shalt  }
0x47: {  	_ =	shalt  }
0x48: {  	_ =	shalt  }
0x49: {  	_ =	shalt  }
0x4a: {  	_ =	shalt  }
0x4b: {  	_ =	shalt  }
0x4c: {  	_ =	shalt  }
0x4d: {  	_ =	shalt  }
0x4e: {  	_ =	shalt  }
0x4f: {  	_ =	shalt  }
0x50: {  	_ =	shalt  }
0x51: {  	_ =	shalt  }
0x52: {  	_ =	shalt  }
0x53: {  	_ =	shalt  }
0x54: {  	_ =	shalt  }
0x55: {  	_ =	shalt  }
0x56: {  	_ =	shalt  }
0x57: {  	_ =	shalt  }
0x58: {  	_ =	shalt  }
0x59: {  	_ =	shalt  }
0x5a: {  	_ =	shalt  }
0x5b: {  	_ =	shalt  }
0x5c: {  	_ =	shalt  }
0x5d: {  	_ =	shalt  }
0x5e: {  	_ =	shalt  }
0x5f: {  	_ =	shalt  }
0x60: {  	_ =	shalt  }
0x61: {  	_ =	shalt  }
0x62: {  	_ =	shalt  }
0x63: {  	_ =	shalt  }
0x64: {  	_ =	shalt  }
0x65: {  	_ =	shalt  }
0x66: {  	_ =	shalt  }
0x67: {  	_ =	shalt  }
0x68: {  	_ =	shalt  }
0x69: {  	_ =	shalt  }
0x6a: {  	_ =	shalt  }
0x6b: {  	_ =	shalt  }
0x6c: {  	_ =	shalt  }
0x6d: {  	_ =	shalt  }
0x6e: {  	_ =	shalt  }
0x6f: {  	_ =	shalt  }
0x70: {  	_ =	shalt  }
0x71: {  	_ =	shalt  }
0x72: {  	_ =	shalt  }
0x73: {  	_ =	shalt  }
0x74: {  	_ =	shalt  }
0x75: {  	_ =	shalt  }
0x76: {  	_ =	shalt  }
0x77: {  	_ =	shalt  }
0x78: {  	_ =	shalt  }
0x79: {  	_ =	shalt  }
0x7a: {  	_ =	shalt  }
0x7b: {  	_ =	shalt  }
0x7c: {  	_ =	shalt  }
0x7d: {  	_ =	shalt  }
0x7e: {  	_ =	shalt  }
0x7f: {  	_ =	shalt  }
0x80: {  	_ =	shalt  }
0x81: {  	_ =	shalt  }
0x82: {  	_ =	shalt  }
0x83: {  	_ =	shalt  }
0x84: {  	_ =	shalt  }
0x85: {  	_ =	shalt  }
0x86: {  	_ =	shalt  }
0x87: {  	_ =	shalt  }
.Lfunc_end0:
.L_simem_size_0:
called_computation.1_lowered:
.L_overlay_start_0:
0x88: {  	s2 =	sld [smem:$0x3FD9]  }
0x89: {  	s3 =	sld [smem:$0x3FFE];
	_ =	sdelay $0x1  }
0x8a: {  	s1 =	srdreg.scid  }
0x8b: {  	s0 =	sand.u32 $0x1, s1  }
0x8c: {  	s17 =	sshll.u32 s0, $0xA;
	s2 =	sadd.s32 s3, s2  }
0x8d: {  	s2 =	sadd.s32 s2, s17  }
0x8e: {  	[smem:$0x3FC2] =	sst s2  }
0x8f: {  	_ = 	snop  }
0x90: {  	s2 =	sld [smem:$0x3FD0];
	(tm) =	ssettm $0x1  }
0x91: {  	s18 =	sld [smem:$0x3FFB];
	_ =	sdelay $0x3  }
0x92: {  	_ =	strace s18  }
0x93: {  	s3 =	sld [smem:$0x3FFC];
	_ =	sdelay $0x3  }
0x94: {  	_ =	strace s3  }
0x95: {  	s3 =	sld [smem:$0x3FFD];
	_ =	sdelay $0x3  }
0x96: {  	_ =	strace s3  }
0x97: {  	_ =	strace $0x8FFFFFFF  }
0x98: {  	s19 =	sld [smem:$0x3FDB];
	_ =	sdelay $0x1  }
0x99: {  	s4 =	simm.s32 $_scs_section_size  }
0x9a: {  	s5 =	simm.s32 $_size__tile_overlayer_lowered;
	s6 =	simm.s32 $_tile_overlayer_lowered  }
0x9b: {  	s22 =	simm.s32 $0x1BFF;
	s21 =	sshll.u32 s6, $0x1;
	s3 =	sadd.s32 s4, s19  }
0x9c: {  	s7 =	simm.s32 $0x0;
	s20 =	sshll.u32 s5, $0x1;
	s5 =	sadd.s32 s21, s3  }
0x9d: {  	[timem:s7], [sflag:s22] =	dma.local [hbm:s5], s20  }
0x9e: {  	_ =	swait.ge [sflag:s22], s20  }
0x9f: {  	s4 =	ssub.s32 $0x0, s20;
	[sflag:s22] =	ssyncset.done $0x0  }
0xa0: {  	[sflag:s22] =	ssyncadd.s32 s4;
	_ =	sdelay $0x1  }
0xa1: {  	s23 =	simm.s32 $0x1B8B  }
0xa2: {  	_ =	swait.ge [sflag:s23], $0x1  }
0xa3: {  	[sflag:s23] =	ssyncset.done $0x0  }
0xa4: {  	s25 =	simm.s32 $0x1B8E;
	s24 =	sld [smem:$0x3FFE];
	[sflag:s23] =	ssyncadd.s32 $0xFFFFFFFF  }
0xa5: {  	s26 =	simm.s32 $execute0_lowered;
	[smem:$0x3FD2] =	sst s25  }
0xa6: {  	s5 =	sshll.u32 s26, $0x1;
	_ =	strace $0x80000049;
	[dreg:$0x1] =	wrdreg $0xFFFFFFFF  }
0xa7: {  	s28 =	simm.s32 $_size_execute0_lowered;
	s3 =	sadd.s32 s3, s5;
	[dreg:$0x0] =	wrdreg $0x0  }
0xa8: {  	s5 =	sshll.u32 s28, $0x1;
	[dreg:$0x2] =	wrdreg s3  }
0xa9: {  	[dreg:$0x3] =	wrdreg s5  }
0xaa: {  	[dreg:$0x4] =	wrdreg $0xC0  }
0xab: {  	_ =	task [dreg:s7], $0x5FFFF  }
0xac: {  	[dreg:$0x1] =	wrdreg $0xFFFFFFFF  }
0xad: {  	[dreg:$0x0] =	wrdreg $0x60  }
0xae: {  	[dreg:$0x2] =	wrdreg s24  }
0xaf: {  	[dreg:$0x3] =	wrdreg s2  }
0xb0: {  	[dreg:$0x4] =	wrdreg $0x68000  }
0xb1: {  	[dreg:$0x5] =	wrdreg $0x90000  }
0xb2: {  	[dreg:$0x6] =	wrdreg $0x9  }
0xb3: {  	_ =	task.clear_ibuf [dreg:s7], $0x7FFFF;
	_ =	strace $0x90000049  }
0xb4: {  	s29 =	simm.s32 $0x9;
	_ =	strace $0x8000004B  }
0xb5: {  	_ =	swait.ge [sflag:s29], $0x1  }
0xb6: {  	[sflag:s29] =	ssyncadd.s32 $0xFFFFFFFF  }
0xb7: {  	_ =	strace $0x9000004B  }
0xb8: {  	_ =	sfence  }
0xb9: {  	s30 =	sld [smem:$0x0];
	_ =	sdelay $0x2  }
0xba: {  	s31 =	sshll.u32 s1, $0xD;
	s1 =	sshrl.u32 s1, $0x2  }
0xbb: {  	s3 =	sand.u32 $0x4000, s31;
	s1 =	sadd.s32 s1, s30  }
0xbc: {  	s0 =	sor.u32 s3, s0;
	s1 =	sshll.u32 s1, $0x11  }
0xbd: {  	s0 =	sor.u32 s1, s0  }
0xbe: {  	s0 =	sadd.s32 $0x8F2B, s0  }
0xbf: {  	[sflag:s0] =	ssyncadd.remote.s32 $0x1  }
0xc0: {  	_ =	sfence.sel $0xFFFF  }
0xc1: {  	[dreg:$0x0] =	wrdreg $0xFFFFFFFF;
	(pc) =	sbr.abs _section_cstart, $3  }
0xc2: {  	[dreg:$0x1] =	wrdreg $0xFFFFFFFF  }
0xc3: {  	_ =	task.clear_ibuf [dreg:s7], $0x2FFFF;
	_ =	strace $0x9FFFFFFF  }
0xc4: {  	(tm) =	ssettm $0x7FFFFFFF  }
0xc5: {  	_ =	shalt  }
tec
execute0_lowered:
.L_overlay_start_1:
0x0: {  	(tag) =	ssettag $0x1  }
0x1: {  	s0 =	rddreg [dreg:$0x0]  }
0x2: {  	s1 =	srdreg.scid;
	s3 =	rddreg [dreg:$0x2]  }
0x3: {  	s9 =	stileid.u32;
	s4 =	rddreg [dreg:$0x3]  }
0x4: {  	s6 =	simm.s32 $0x0;
	s16 =	simm.s32 $0x3;
	s28 =	simm.s32 $0x5000  }
0x5: {  	s29 =	simm.s32 $0x5800;
	s30 =	simm.s32 $0x6000;
	s31 =	simm.s32 $0x5  }
0x6: {  	s12 =	simm.s32 $0x9;
	s10 =	simm.s32 $0xE;
	s11 =	simm.s32 $0xF  }
0x7: {  	s13 =	simm.s32 $0x10;
	s15 =	simm.s32 $0x0;
	s5 =	smul.u32 $0x1400, s9  }
0x8: {  	s1 =	sand.u32 $0x1, s1;
	[smem:$0x7FF] =	sst s6;
	s17 =	smul.u32 $0x2800, s9  }
0x9: {  	s23 =	sshll.u32 s9, $0x6;
	s6 =	simm.s32 $0xB;
	s2 =	smul.u32 $0x14000, s1  }
0xa: {  	_ =	strace $0x8000004A;
	s18 =	smul.u32 $0x5000, s1;
	s1 =	ssub.s32 $0x2, s1  }
0xb: {  	s24 =	sor.u32 $0x1C03, s23;
	[dreg:$0x8] =	wrdreg s23;
	s26 =	sor.u32 $0x1C04, s23  }
0xc: {  	s23 =	simm.s32 $0x3800;
	s7 =	sshrl.u32 s17, $0x3;
	[dreg:$0x9] =	wrdreg s24  }
0xd: {  	s19 =	sshrl.u32 s1, $0x1;
	s21 =	sadd.s32 s17, s3;
	[dreg:$0xc] =	wrdreg s26  }
0xe: {  	s26 =	simm.s32 $0x4800;
	s2 =	sadd.s32 s5, s2;
	s8 =	sadd.s32 s7, s0  }
0xf: {  	s1 =	ssub.s32 s1, s19;
	s5 =	sadd.s32 s17, s4;
	s25 =	sshrl.u32 s21, $0x3  }
0x10: {  	s17 =	simm.s32 $0x4;
	s19 =	simm.s32 $0x2;
	s21 =	simm.s32 $0x2800  }
0x11: {  	s2 =	sshrl.u32 s2, $0x3;
	s22 =	sadd.s32 $0xC800, s8;
	s1 =	smax.u32 s1, $0x1  }
0x12: {  	[dreg:$0xb] =	wrdreg s25;
	s24 =	sshrl.u32 s5, $0x3;
	s25 =	simm.s32 $0x4000  }
0x13: {  	s5 =	simm.s32 $0xA;
	s8 =	simm.s32 $0xD;
	[dreg:$0x7] =	wrdreg s22  }
0x14: {  	s2 =	sadd.s32 s2, s0;
	s0 =	sadd.s32 s18, s0;
	[dreg:$0xa] =	wrdreg s1  }
0x15: {  	s18 =	simm.s32 $0x1;
	[dreg:$0xd] =	wrdreg s24;
	s20 =	sadd.s32 $0x7800, s2  }
0x16: {  	s22 =	simm.s32 $0x3000;
	s2 =	sadd.s32 $0x2800, s2;
	[dreg:$0x5] =	wrdreg s20  }
0x17: {  	s1 =	simm.s32 $0x8;
	s0 =	sadd.s32 $0x11800, s0;
	[dreg:$0x6] =	wrdreg s2  }
0x18: {  	s20 =	simm.s32 $0x80;
	s0 =	sadd.s32 s7, s0;
	s2 =	simm.s32 $0x6  }
0x19: {  	s7 =	simm.s32 $0xC;
	[dreg:$0xe] =	wrdreg s0;
	s0 =	simm.s32 $0x7  }
.LBB2_1:
0x1a: {  	[dreg:$0xf] =	wrdreg s15  }
0x1b: {  	s9 =	simm.s32 $0x0;
	s14 =	rddreg [dreg:$0x5]  }
0x1c: {  	[tilespmem:s9], [sflag:$0x1] =	stream.linear.gather [hbm4b:s14+s9], $0x1400, $0x38;
	[tilespmem:$0xB800] =	vst v63  }
0x1d: {  	s15 =	simm.s32 $0x1400;
	s14 =	rddreg [dreg:$0x6]  }
0x1e: {  	[tilespmem:s15], [sflag:$0x2] =	stream.linear.gather [hbm4b:s14+s9], $0x1400, $0x38;
	[tilespmem:$0xB800] =	vst v63  }
0x1f: {  	s9 =	rddreg [dreg:$0x7]  }
0x20: {  	s14 =	rddreg [dreg:$0x9]  }
0x21: {  	s15 =	rddreg [dreg:$0xb]  }
0x22: {  	[spmem:s15], [sflag:s14] =	dma.local [hbm:s9], $0x500  }
0x23: {  	s9 =	rddreg [dreg:$0x1]  }
0x24: {  	s14 =	rddreg [dreg:$0xc]  }
0x25: {  	[spmem:s24], [sflag:s14] =	dma.local [hbm:s9], $0x500  }
0x26: {  	_ =	swait.ge [sflag:s16], $0x500  }
0x27: {  	[sflag:s16] =	ssyncset.done $0x0  }
0x28: {  	[sflag:s16] =	ssyncadd.s32 $0xFFFFFB00  }
0x29: {  	_ =	swait.ge [sflag:s17], $0x500  }
0x2a: {  	[sflag:s17] =	ssyncset.done $0x0  }
0x2b: {  	[sflag:s17] =	ssyncadd.s32 $0xFFFFFB00  }
0x2c: {  	[bflag:$0x0] =	sbarrier.arrive $0xFFFF  }
0x2d: {  	_ =	swait.ge [sflag:s18], $0x1400  }
0x2e: {  	[sflag:s18] =	ssyncset.done $0x0  }
0x2f: {  	[sflag:s18] =	ssyncadd.s32 $0xFFFFEC00  }
0x30: {  	_ =	swait.ge [sflag:s19], $0x1400  }
0x31: {  	[sflag:s19] =	ssyncset.done $0x0  }
0x32: {  	s24 =	simm.s32 $0x0;
	[sflag:s19] =	ssyncadd.s32 $0xFFFFEC00  }
0x33: {  	[tilespmem:s21], [sflag:$0x1] =	stream.indirect.gather [spmem:s3], $0x10, s24, s20, $0xb8;
	[tilespmem:$0xB800] =	vst v63  }
0x34: {  	s14 =	simm.s32 $0x80  }
0x35: {  	[tilespmem:s22], [sflag:$0x2] =	stream.indirect.gather [spmem:s3], $0x10, s14, s20, $0xb8;
	[tilespmem:$0xB800] =	vst v63  }
0x36: {  	s15 =	simm.s32 $0x100  }
0x37: {  	[tilespmem:s23], [sflag:$0x3] =	stream.indirect.gather [spmem:s3], $0x10, s15, s20, $0xb8;
	[tilespmem:$0xB800] =	vst v63  }
0x38: {  	s24 =	simm.s32 $0x180  }
0x39: {  	[tilespmem:s25], [sflag:$0x4] =	stream.indirect.gather [spmem:s3], $0x10, s24, s20, $0xb8;
	[tilespmem:$0xB800] =	vst v63  }
0x3a: {  	s14 =	simm.s32 $0x200  }
0x3b: {  	[tilespmem:s26], [sflag:$0x5] =	stream.indirect.gather [spmem:s3], $0x10, s14, s20, $0xb8;
	[tilespmem:$0xB800] =	vst v63  }
0x3c: {  	s15 =	simm.s32 $0x280  }
0x3d: {  	[tilespmem:s28], [sflag:$0x6] =	stream.indirect.gather [spmem:s3], $0x10, s15, s20, $0xb8;
	[tilespmem:$0xB800] =	vst v63  }
0x3e: {  	s24 =	simm.s32 $0x300  }
0x3f: {  	[tilespmem:s29], [sflag:$0x7] =	stream.indirect.gather [spmem:s3], $0x10, s24, s20, $0xb8;
	[tilespmem:$0xB800] =	vst v63  }
0x40: {  	s14 =	simm.s32 $0x380  }
0x41: {  	[tilespmem:s30], [sflag:$0x8] =	stream.indirect.gather [spmem:s3], $0x10, s14, s20, $0xb8;
	[tilespmem:$0xB800] =	vst v63  }
0x42: {  	_ =	swait.ge [sflag:s18], $0x800  }
0x43: {  	[sflag:s18] =	ssyncset.done $0x0  }
0x44: {  	s15 =	simm.s32 $0x1400;
	[sflag:s18] =	ssyncadd.s32 $0xFFFFF800  }
0x45: {  	[spmem:s4] =	stream.indirect.scatter.add.f32 [tilespmem:s21], [sflag:$0x9], $0x10, s15, s20, $0xb8;
	[tilespmem:$0xB800] =	vst v63  }
0x46: {  	_ =	swait.ge [sflag:s19], $0x800  }
0x47: {  	[sflag:s19] =	ssyncset.done $0x0  }
0x48: {  	s24 =	simm.s32 $0x1480;
	[sflag:s19] =	ssyncadd.s32 $0xFFFFF800  }
0x49: {  	[spmem:s4] =	stream.indirect.scatter.add.f32 [tilespmem:s22], [sflag:$0xA], $0x10, s24, s20, $0xb8;
	[tilespmem:$0xB800] =	vst v63  }
0x4a: {  	_ =	swait.ge [sflag:s16], $0x800  }
0x4b: {  	[sflag:s16] =	ssyncset.done $0x0  }
0x4c: {  	s14 =	simm.s32 $0x1500;
	[sflag:s16] =	ssyncadd.s32 $0xFFFFF800  }
0x4d: {  	[spmem:s4] =	stream.indirect.scatter.add.f32 [tilespmem:s23], [sflag:$0xB], $0x10, s14, s20, $0xb8;
	[tilespmem:$0xB800] =	vst v63  }
0x4e: {  	_ =	swait.ge [sflag:s17], $0x800  }
0x4f: {  	[sflag:s17] =	ssyncset.done $0x0  }
0x50: {  	s15 =	simm.s32 $0x1580;
	[sflag:s17] =	ssyncadd.s32 $0xFFFFF800  }
0x51: {  	[spmem:s4] =	stream.indirect.scatter.add.f32 [tilespmem:s25], [sflag:$0xC], $0x10, s15, s20, $0xb8;
	[tilespmem:$0xB800] =	vst v63  }
0x52: {  	_ =	swait.ge [sflag:s31], $0x800  }
0x53: {  	[sflag:s31] =	ssyncset.done $0x0  }
0x54: {  	s24 =	simm.s32 $0x1600;
	[sflag:s31] =	ssyncadd.s32 $0xFFFFF800  }
0x55: {  	[spmem:s4] =	stream.indirect.scatter.add.f32 [tilespmem:s26], [sflag:$0xD], $0x10, s24, s20, $0xb8;
	[tilespmem:$0xB800] =	vst v63  }
0x56: {  	_ =	swait.ge [sflag:s2], $0x800  }
0x57: {  	[sflag:s2] =	ssyncset.done $0x0  }
0x58: {  	s14 =	simm.s32 $0x1680;
	[sflag:s2] =	ssyncadd.s32 $0xFFFFF800  }
0x59: {  	[spmem:s4] =	stream.indirect.scatter.add.f32 [tilespmem:s28], [sflag:$0xE], $0x10, s14, s20, $0xb8;
	[tilespmem:$0xB800] =	vst v63  }
0x5a: {  	_ =	swait.ge [sflag:s0], $0x800  }
0x5b: {  	[sflag:s0] =	ssyncset.done $0x0  }
0x5c: {  	s15 =	simm.s32 $0x1700;
	[sflag:s0] =	ssyncadd.s32 $0xFFFFF800  }
0x5d: {  	[spmem:s4] =	stream.indirect.scatter.add.f32 [tilespmem:s29], [sflag:$0xF], $0x10, s15, s20, $0xb8;
	[tilespmem:$0xB800] =	vst v63  }
0x5e: {  	_ =	swait.ge [sflag:s1], $0x800  }
0x5f: {  	[sflag:s1] =	ssyncset.done $0x0  }
0x60: {  	s24 =	simm.s32 $0x1780;
	[sflag:s1] =	ssyncadd.s32 $0xFFFFF800  }
0x61: {  	[spmem:s4] =	stream.indirect.scatter.add.f32 [tilespmem:s30], [sflag:$0x10], $0x10, s24, s20, $0xb8;
	[tilespmem:$0xB800] =	vst v63  }
0x62: {  	_ =	swait.ge [sflag:s12], $0x800  }
0x63: {  	[sflag:s12] =	ssyncset.done $0x0  }
0x64: {  	[sflag:s12] =	ssyncadd.s32 $0xFFFFF800  }
0x65: {  	_ =	swait.ge [sflag:s5], $0x800  }
0x66: {  	[sflag:s5] =	ssyncset.done $0x0  }
0x67: {  	[sflag:s5] =	ssyncadd.s32 $0xFFFFF800  }
0x68: {  	_ =	swait.ge [sflag:s6], $0x800  }
0x69: {  	[sflag:s6] =	ssyncset.done $0x0  }
0x6a: {  	[sflag:s6] =	ssyncadd.s32 $0xFFFFF800  }
0x6b: {  	_ =	swait.ge [sflag:s7], $0x800  }
0x6c: {  	[sflag:s7] =	ssyncset.done $0x0  }
0x6d: {  	[sflag:s7] =	ssyncadd.s32 $0xFFFFF800  }
0x6e: {  	_ =	swait.ge [sflag:s8], $0x800  }
0x6f: {  	[sflag:s8] =	ssyncset.done $0x0  }
0x70: {  	[sflag:s8] =	ssyncadd.s32 $0xFFFFF800  }
0x71: {  	_ =	swait.ge [sflag:s10], $0x800  }
0x72: {  	[sflag:s10] =	ssyncset.done $0x0  }
0x73: {  	[sflag:s10] =	ssyncadd.s32 $0xFFFFF800  }
0x74: {  	_ =	swait.ge [sflag:s11], $0x800  }
0x75: {  	[sflag:s11] =	ssyncset.done $0x0  }
0x76: {  	[sflag:s11] =	ssyncadd.s32 $0xFFFFF800  }
0x77: {  	_ =	swait.ge [sflag:s13], $0x800  }
0x78: {  	s9 =	simm.s32 $0x1000;
	s14 =	simm.s32 $0x2000;
	[sflag:s13] =	ssyncset.done $0x0  }
.LBB2_2:
0x79: {  	s15 =	sshra.s32 s9, $0x2  }
0x7a: {  	[sflag:s13] =	ssyncadd.s32 $0xFFFFF800;
	s9 =	smov.u32 s14;
	s24 =	sadd.s32 $0x1000, s14  }
0x7b: {  	[tilespmem:s21], [sflag:$0x1] =	stream.indirect.gather [spmem:s3], $0x10, s15, s20, $0xb8;
	[tilespmem:$0xB800] =	vst v63  }
0x7c: {  	p0 =	sne.s32 s14, $0x4000;
	s14 =	sadd.s32 $0x80, s15  }
0x7d: {  	[tilespmem:s22], [sflag:$0x2] =	stream.indirect.gather [spmem:s3], $0x10, s14, s20, $0xb8;
	[tilespmem:$0xB800] =	vst v63  }
0x7e: {  	s14 =	sadd.s32 $0x100, s15  }
0x7f: {  	[tilespmem:s23], [sflag:$0x3] =	stream.indirect.gather [spmem:s3], $0x10, s14, s20, $0xb8;
	[tilespmem:$0xB800] =	vst v63  }
0x80: {  	s14 =	sadd.s32 $0x180, s15  }
0x81: {  	[tilespmem:s25], [sflag:$0x4] =	stream.indirect.gather [spmem:s3], $0x10, s14, s20, $0xb8;
	[tilespmem:$0xB800] =	vst v63  }
0x82: {  	s14 =	sadd.s32 $0x200, s15  }
0x83: {  	[tilespmem:s26], [sflag:$0x5] =	stream.indirect.gather [spmem:s3], $0x10, s14, s20, $0xb8;
	[tilespmem:$0xB800] =	vst v63  }
0x84: {  	s14 =	sadd.s32 $0x280, s15  }
0x85: {  	[tilespmem:s28], [sflag:$0x6] =	stream.indirect.gather [spmem:s3], $0x10, s14, s20, $0xb8;
	[tilespmem:$0xB800] =	vst v63  }
0x86: {  	s14 =	sadd.s32 $0x300, s15  }
0x87: {  	[tilespmem:s29], [sflag:$0x7] =	stream.indirect.gather [spmem:s3], $0x10, s14, s20, $0xb8;
	[tilespmem:$0xB800] =	vst v63  }
0x88: {  	s14 =	sadd.s32 $0x380, s15  }
0x89: {  	[tilespmem:s30], [sflag:$0x8] =	stream.indirect.gather [spmem:s3], $0x10, s14, s20, $0xb8;
	[tilespmem:$0xB800] =	vst v63  }
0x8a: {  	_ =	swait.ge [sflag:s18], $0x800  }
0x8b: {  	[sflag:s18] =	ssyncset.done $0x0  }
0x8c: {  	s14 =	sadd.s32 $0x1400, s15;
	[sflag:s18] =	ssyncadd.s32 $0xFFFFF800  }
0x8d: {  	[spmem:s4] =	stream.indirect.scatter.add.f32 [tilespmem:s21], [sflag:$0x9], $0x10, s14, s20, $0xb8;
	[tilespmem:$0xB800] =	vst v63  }
0x8e: {  	_ =	swait.ge [sflag:s19], $0x800  }
0x8f: {  	[sflag:s19] =	ssyncset.done $0x0  }
0x90: {  	s14 =	sadd.s32 $0x1480, s15;
	[sflag:s19] =	ssyncadd.s32 $0xFFFFF800  }
0x91: {  	[spmem:s4] =	stream.indirect.scatter.add.f32 [tilespmem:s22], [sflag:$0xA], $0x10, s14, s20, $0xb8;
	[tilespmem:$0xB800] =	vst v63  }
0x92: {  	_ =	swait.ge [sflag:s16], $0x800  }
0x93: {  	[sflag:s16] =	ssyncset.done $0x0  }
0x94: {  	s14 =	sadd.s32 $0x1500, s15;
	[sflag:s16] =	ssyncadd.s32 $0xFFFFF800  }
0x95: {  	[spmem:s4] =	stream.indirect.scatter.add.f32 [tilespmem:s23], [sflag:$0xB], $0x10, s14, s20, $0xb8;
	[tilespmem:$0xB800] =	vst v63  }
0x96: {  	_ =	swait.ge [sflag:s17], $0x800  }
0x97: {  	[sflag:s17] =	ssyncset.done $0x0  }
0x98: {  	s14 =	sadd.s32 $0x1580, s15;
	[sflag:s17] =	ssyncadd.s32 $0xFFFFF800  }
0x99: {  	[spmem:s4] =	stream.indirect.scatter.add.f32 [tilespmem:s25], [sflag:$0xC], $0x10, s14, s20, $0xb8;
	[tilespmem:$0xB800] =	vst v63  }
0x9a: {  	_ =	swait.ge [sflag:s31], $0x800  }
0x9b: {  	[sflag:s31] =	ssyncset.done $0x0  }
0x9c: {  	s14 =	sadd.s32 $0x1600, s15;
	[sflag:s31] =	ssyncadd.s32 $0xFFFFF800  }
0x9d: {  	[spmem:s4] =	stream.indirect.scatter.add.f32 [tilespmem:s26], [sflag:$0xD], $0x10, s14, s20, $0xb8;
	[tilespmem:$0xB800] =	vst v63  }
0x9e: {  	_ =	swait.ge [sflag:s2], $0x800  }
0x9f: {  	[sflag:s2] =	ssyncset.done $0x0  }
0xa0: {  	s14 =	sadd.s32 $0x1680, s15;
	[sflag:s2] =	ssyncadd.s32 $0xFFFFF800  }
0xa1: {  	[spmem:s4] =	stream.indirect.scatter.add.f32 [tilespmem:s28], [sflag:$0xE], $0x10, s14, s20, $0xb8;
	[tilespmem:$0xB800] =	vst v63  }
0xa2: {  	_ =	swait.ge [sflag:s0], $0x800  }
0xa3: {  	[sflag:s0] =	ssyncset.done $0x0  }
0xa4: {  	s14 =	sadd.s32 $0x1700, s15;
	[sflag:s0] =	ssyncadd.s32 $0xFFFFF800  }
0xa5: {  	[spmem:s4] =	stream.indirect.scatter.add.f32 [tilespmem:s29], [sflag:$0xF], $0x10, s14, s20, $0xb8;
	[tilespmem:$0xB800] =	vst v63  }
0xa6: {  	_ =	swait.ge [sflag:s1], $0x800  }
0xa7: {  	[sflag:s1] =	ssyncset.done $0x0  }
0xa8: {  	s14 =	sadd.s32 $0x1780, s15;
	[sflag:s1] =	ssyncadd.s32 $0xFFFFF800  }
0xa9: {  	[spmem:s4] =	stream.indirect.scatter.add.f32 [tilespmem:s30], [sflag:$0x10], $0x10, s14, s20, $0xb8;
	[tilespmem:$0xB800] =	vst v63  }
0xaa: {  	_ =	swait.ge [sflag:s12], $0x800  }
0xab: {  	[sflag:s12] =	ssyncset.done $0x0  }
0xac: {  	[sflag:s12] =	ssyncadd.s32 $0xFFFFF800  }
0xad: {  	_ =	swait.ge [sflag:s5], $0x800  }
0xae: {  	[sflag:s5] =	ssyncset.done $0x0  }
0xaf: {  	[sflag:s5] =	ssyncadd.s32 $0xFFFFF800  }
0xb0: {  	_ =	swait.ge [sflag:s6], $0x800  }
0xb1: {  	[sflag:s6] =	ssyncset.done $0x0  }
0xb2: {  	[sflag:s6] =	ssyncadd.s32 $0xFFFFF800  }
0xb3: {  	_ =	swait.ge [sflag:s7], $0x800  }
0xb4: {  	[sflag:s7] =	ssyncset.done $0x0  }
0xb5: {  	[sflag:s7] =	ssyncadd.s32 $0xFFFFF800  }
0xb6: {  	_ =	swait.ge [sflag:s8], $0x800  }
0xb7: {  	[sflag:s8] =	ssyncset.done $0x0  }
0xb8: {  	[sflag:s8] =	ssyncadd.s32 $0xFFFFF800  }
0xb9: {  	_ =	swait.ge [sflag:s10], $0x800  }
0xba: {  	[sflag:s10] =	ssyncset.done $0x0  }
0xbb: {  	[sflag:s10] =	ssyncadd.s32 $0xFFFFF800  }
.Ltmp0:
0xbc: {  	_ =	swait.ge [sflag:s11], $0x800;
	(pc) =	sbr.rel @p0 .LBB2_2-.Ltmp0, $4  }
0xbd: {  	[sflag:s11] =	ssyncset.done $0x0  }
0xbe: {  	[sflag:s11] =	ssyncadd.s32 $0xFFFFF800  }
0xbf: {  	_ =	swait.ge [sflag:s13], $0x800  }
0xc0: {  	s14 =	smov.u32 s24;
	[sflag:s13] =	ssyncset.done $0x0  }
0xc1: {  	s9 =	sshra.s32 s9, $0x2;
	[sflag:s13] =	ssyncadd.s32 $0xFFFFF800  }
0xc2: {  	[tilespmem:s21], [sflag:$0x1] =	stream.indirect.gather [spmem:s3], $0x10, s9, s20, $0xb8;
	[tilespmem:$0xB800] =	vst v63  }
0xc3: {  	s14 =	sadd.s32 $0x80, s9  }
0xc4: {  	[tilespmem:s22], [sflag:$0x2] =	stream.indirect.gather [spmem:s3], $0x10, s14, s20, $0xb8;
	[tilespmem:$0xB800] =	vst v63  }
0xc5: {  	s24 =	sadd.s32 $0x100, s9  }
0xc6: {  	[tilespmem:s23], [sflag:$0x3] =	stream.indirect.gather [spmem:s3], $0x10, s24, s20, $0xb8;
	[tilespmem:$0xB800] =	vst v63  }
0xc7: {  	s15 =	sadd.s32 $0x180, s9  }
0xc8: {  	[tilespmem:s25], [sflag:$0x4] =	stream.indirect.gather [spmem:s3], $0x10, s15, s20, $0xb8;
	[tilespmem:$0xB800] =	vst v63  }
0xc9: {  	s24 =	sadd.s32 $0x200, s9  }
0xca: {  	[tilespmem:s26], [sflag:$0x5] =	stream.indirect.gather [spmem:s3], $0x10, s24, s20, $0xb8;
	[tilespmem:$0xB800] =	vst v63  }
0xcb: {  	s15 =	sadd.s32 $0x280, s9  }
0xcc: {  	[tilespmem:s28], [sflag:$0x6] =	stream.indirect.gather [spmem:s3], $0x10, s15, s20, $0xb8;
	[tilespmem:$0xB800] =	vst v63  }
0xcd: {  	s24 =	sadd.s32 $0x300, s9  }
0xce: {  	[tilespmem:s29], [sflag:$0x7] =	stream.indirect.gather [spmem:s3], $0x10, s24, s20, $0xb8;
	[tilespmem:$0xB800] =	vst v63  }
0xcf: {  	s15 =	sadd.s32 $0x380, s9  }
0xd0: {  	[tilespmem:s30], [sflag:$0x8] =	stream.indirect.gather [spmem:s3], $0x10, s15, s20, $0xb8;
	[tilespmem:$0xB800] =	vst v63  }
0xd1: {  	_ =	swait.ge [sflag:s18], $0x800  }
0xd2: {  	[sflag:s18] =	ssyncset.done $0x0  }
0xd3: {  	s24 =	sadd.s32 $0x1400, s9;
	[sflag:s18] =	ssyncadd.s32 $0xFFFFF800  }
0xd4: {  	[spmem:s4] =	stream.indirect.scatter.add.f32 [tilespmem:s21], [sflag:$0x9], $0x10, s24, s20, $0xb8;
	[tilespmem:$0xB800] =	vst v63  }
0xd5: {  	_ =	swait.ge [sflag:s19], $0x800  }
0xd6: {  	[sflag:s19] =	ssyncset.done $0x0  }
0xd7: {  	s15 =	sadd.s32 $0x1480, s9;
	[sflag:s19] =	ssyncadd.s32 $0xFFFFF800  }
0xd8: {  	[spmem:s4] =	stream.indirect.scatter.add.f32 [tilespmem:s22], [sflag:$0xA], $0x10, s15, s20, $0xb8;
	[tilespmem:$0xB800] =	vst v63  }
0xd9: {  	_ =	swait.ge [sflag:s16], $0x800  }
0xda: {  	[sflag:s16] =	ssyncset.done $0x0  }
0xdb: {  	s24 =	sadd.s32 $0x1500, s9;
	[sflag:s16] =	ssyncadd.s32 $0xFFFFF800  }
0xdc: {  	[spmem:s4] =	stream.indirect.scatter.add.f32 [tilespmem:s23], [sflag:$0xB], $0x10, s24, s20, $0xb8;
	[tilespmem:$0xB800] =	vst v63  }
0xdd: {  	_ =	swait.ge [sflag:s17], $0x800  }
0xde: {  	[sflag:s17] =	ssyncset.done $0x0  }
0xdf: {  	s15 =	sadd.s32 $0x1580, s9;
	[sflag:s17] =	ssyncadd.s32 $0xFFFFF800  }
0xe0: {  	[spmem:s4] =	stream.indirect.scatter.add.f32 [tilespmem:s25], [sflag:$0xC], $0x10, s15, s20, $0xb8;
	[tilespmem:$0xB800] =	vst v63  }
0xe1: {  	_ =	swait.ge [sflag:s31], $0x800  }
0xe2: {  	[sflag:s31] =	ssyncset.done $0x0  }
0xe3: {  	s24 =	sadd.s32 $0x1600, s9;
	[sflag:s31] =	ssyncadd.s32 $0xFFFFF800  }
0xe4: {  	[spmem:s4] =	stream.indirect.scatter.add.f32 [tilespmem:s26], [sflag:$0xD], $0x10, s24, s20, $0xb8;
	[tilespmem:$0xB800] =	vst v63  }
0xe5: {  	_ =	swait.ge [sflag:s2], $0x800  }
0xe6: {  	[sflag:s2] =	ssyncset.done $0x0  }
0xe7: {  	s15 =	sadd.s32 $0x1680, s9;
	[sflag:s2] =	ssyncadd.s32 $0xFFFFF800  }
0xe8: {  	[spmem:s4] =	stream.indirect.scatter.add.f32 [tilespmem:s28], [sflag:$0xE], $0x10, s15, s20, $0xb8;
	[tilespmem:$0xB800] =	vst v63  }
0xe9: {  	_ =	swait.ge [sflag:s0], $0x800  }
0xea: {  	[sflag:s0] =	ssyncset.done $0x0  }
0xeb: {  	s24 =	sadd.s32 $0x1700, s9;
	[sflag:s0] =	ssyncadd.s32 $0xFFFFF800  }
0xec: {  	[spmem:s4] =	stream.indirect.scatter.add.f32 [tilespmem:s29], [sflag:$0xF], $0x10, s24, s20, $0xb8;
	[tilespmem:$0xB800] =	vst v63  }
0xed: {  	_ =	swait.ge [sflag:s1], $0x800  }
0xee: {  	[sflag:s1] =	ssyncset.done $0x0  }
0xef: {  	s9 =	sadd.s32 $0x1780, s9;
	[sflag:s1] =	ssyncadd.s32 $0xFFFFF800  }
0xf0: {  	[spmem:s4] =	stream.indirect.scatter.add.f32 [tilespmem:s30], [sflag:$0x10], $0x10, s9, s20, $0xb8;
	[tilespmem:$0xB800] =	vst v63  }
0xf1: {  	_ =	swait.ge [sflag:s12], $0x800  }
0xf2: {  	[sflag:s12] =	ssyncset.done $0x0  }
0xf3: {  	[sflag:s12] =	ssyncadd.s32 $0xFFFFF800  }
0xf4: {  	_ =	swait.ge [sflag:s5], $0x800  }
0xf5: {  	[sflag:s5] =	ssyncset.done $0x0  }
0xf6: {  	[sflag:s5] =	ssyncadd.s32 $0xFFFFF800  }
0xf7: {  	_ =	swait.ge [sflag:s6], $0x800  }
0xf8: {  	[sflag:s6] =	ssyncset.done $0x0  }
0xf9: {  	[sflag:s6] =	ssyncadd.s32 $0xFFFFF800  }
0xfa: {  	_ =	swait.ge [sflag:s7], $0x800  }
0xfb: {  	[sflag:s7] =	ssyncset.done $0x0  }
0xfc: {  	[sflag:s7] =	ssyncadd.s32 $0xFFFFF800  }
0xfd: {  	_ =	swait.ge [sflag:s8], $0x800  }
0xfe: {  	[sflag:s8] =	ssyncset.done $0x0  }
0xff: {  	[sflag:s8] =	ssyncadd.s32 $0xFFFFF800  }
0x100: {  	_ =	swait.ge [sflag:s10], $0x800  }
0x101: {  	[sflag:s10] =	ssyncset.done $0x0  }
0x102: {  	[sflag:s10] =	ssyncadd.s32 $0xFFFFF800  }
0x103: {  	_ =	swait.ge [sflag:s11], $0x800  }
0x104: {  	[sflag:s11] =	ssyncset.done $0x0  }
0x105: {  	[sflag:s11] =	ssyncadd.s32 $0xFFFFF800  }
0x106: {  	_ =	swait.ge [sflag:s13], $0x800  }
0x107: {  	[sflag:s13] =	ssyncset.done $0x0  }
0x108: {  	[sflag:s13] =	ssyncadd.s32 $0xFFFFF800  }
0x109: {  	[bflag:$0x0] =	sbarrier.arrive $0xFFFF  }
0x10a: {  	s14 =	rddreg [dreg:$0x8]  }
0x10b: {  	s24 =	rddreg [dreg:$0xd]  }
0x10c: {  	s15 =	rddreg [dreg:$0xe];
	s9 =	sor.u32 $0x1C11, s14;
	s14 =	simm.s32 $0x11  }
0x10d: {  	[hbm:s15], [sflag:s9] =	dma.local [spmem:s24], $0x500  }
0x10e: {  	_ =	swait.ge [sflag:s14], $0x500  }
0x10f: {  	s15 =	rddreg [dreg:$0xf]  }
0x110: {  	s9 =	rddreg [dreg:$0xa];
	s15 =	sadd.s32 $0x1, s15  }
0x111: {  	p0 =	sne.s32 s15, s9  }
.Ltmp1:
0x112: {  	_ = 	snop;
	(pc) =	sbr.rel @p0 .LBB2_1-.Ltmp1, $3  }
0x113: {  	_ =	sdelay $0x1  }
0x114: {  	[sflag:s14] =	ssyncset.done $0x0  }
0x115: {  	[sflag:s14] =	ssyncadd.s32 $0xFFFFFB00  }
0x116: {  	_ =	sfence.sel $0x180000  }
0x117: {  	[bflag:$0x0] =	sbarrier.arrive $0xFFFF  }
0x118: {  	_ =	strace $0x9000004A  }
0x119: {  	s0 =	stileid.u32;
	[bflag:$0x2] =	sbarrier.arrive $0xFFFF  }
0x11a: {  	p0 =	sne.s32 s0, $0x0;
	s0 =	rddreg [dreg:$0x4]  }
0x11b: {  	s0 =	sadd.s32 @!p0 $0x100000, s0  }
0x11c: {  	[sflag:s0] =	ssyncadd.tile.s32 @!p0 $0x1;
	_ =	shalt  }
.Lfunc_end2:
_tile_overlayer_lowered:
.L_overlay_start_2:
0x11d: {  	(tag) =	ssettag $0x2  }
0x11e: {  	s0 =	rddreg [dreg:$0x0];
	s2 =	stileid.u32  }
0x11f: {  	s1 =	rddreg [dreg:$0x1];
	p0 =	sne.s32 s2, $0x0  }
0x120: {  	s3 =	rddreg [dreg:$0x2];
	[bflag:$0x3] =	sbarrier.arrive $0xFFFF;
	s2 =	simm.s32 @!p0 $0x1C11  }
0x121: {  	[timem:s3], [sflag:s2] =	dma.local @!p0 [hbm:s0], s1  }
0x122: {  	s0 =	simm.s32 @!p0 $0x11  }
0x123: {  	_ =	swait.ge @!p0 [sflag:s0], s1  }
0x124: {  	s1 =	ssub.s32 @!p0 $0x0, s1;
	[sflag:s0] =	ssyncset.done @!p0 $0x0  }
0x125: {  	[sflag:s0] =	ssyncadd.s32 @!p0 s1  }
0x126: {  	[bflag:$0x3] =	sbarrier.arrive $0xFFFF  }
0x127: {  	_ =	shalt  }

// kernel: kernel.15.cloned.1.call-start
scs
__scs_entry_jumppad:
0x0: {  	(pc) =	sbr.rel $0x88, $3  }
0x1: {  	(tag) =	ssettag $0x0;
	lr =	simm.s32 $0x1  }
0x2: {  	[smem:$0x3F9B] =	sst lr;
	_ =	strace $0xD0000000  }
0x3: {  	_ = 	snop  }
0x4: {  	_ = 	snop  }
0x5: {  	_ = 	snop  }
0x6: {  	_ = 	snop  }
0x7: {  	_ = 	snop  }
__scs_overlays_trampoline_lowered:
0x8: {  	[smem:$0x3FAA] =	sst s0  }
0x9: {  	[smem:$0x3FAB] =	sst s1  }
0xa: {  	[smem:$0x3FAC] =	sst s2  }
0xb: {  	[smem:$0x3FAD] =	sst s3  }
0xc: {  	[smem:$0x3FAE] =	sst s4  }
0xd: {  	[smem:$0x3FAF] =	sst s5  }
0xe: {  	[smem:$0x3FB0] =	sst s6  }
0xf: {  	[smem:$0x3FB1] =	sst s7  }
0x10: {  	[smem:$0x3FB2] =	sst s8  }
0x11: {  	[smem:$0x3FB3] =	sst s9;
	s0 =	simm.s32 @!p0 $0x0  }
0x12: {  	s1 =	sld [smem:$0x3F99];
	s0 =	simm.s32 @p0 $0x1  }
0x13: {  	[smem:$0x3FB4] =	sst s0;
	s0 =	simm.s32 @!p1 $0x0  }
0x14: {  	s2 =	sld [smem:$0x3F98];
	s0 =	simm.s32 @p1 $0x1  }
0x15: {  	[smem:$0x3FB5] =	sst s0;
	s0 =	simm.s32 @!p2 $0x0  }
0x16: {  	s3 =	sld [smem:$0x3FDB];
	s0 =	simm.s32 @p2 $0x1  }
0x17: {  	s4 =	simm.s32 $0x1BF5;
	[smem:$0x3FB7] =	sst s0  }
0x18: {  	s0 =	sld [smem:$0x3F9A];
	_ =	swait.ge [sflag:s4], $0x0  }
0x19: {  	s7 =	sld [smem:$0x3F9B]  }
0x1a: {  	s8 =	sadd.s32 $0xFFFFE003, lr  }
0x1b: {  	s9 =	sadd.s32 $0xFFFFFEF7, lr;
	s5 =	simm.s32 $0xFFFFFFFF;
	p2 =	slt.u32 s8, $0xFFFFF086  }
0x1c: {  	p1 =	slt.u32 s9, $0xF7A;
	s5 =	simm.s32 @!p2 $0x0  }
0x1d: {  	s5 =	simm.s32 @p1 $0x1;
	p0 =	seq.s32 s7, s2  }
0x1e: {  	s7 =	smul.u32 @!p0 $0xF7A, s2;
	p2 =	seq.s32 @!p0 s5, $0x0  }
0x1f: {  	s9 =	smul.u32 $0xF7A, s1;
	s8 =	simm.s32 @!p0 $0x1BF5;
	p2 =	por !p2, p0  }
0x20: {  	[sflag:s8] =	ssyncset.s32 @!p0 $0xFFFFF086;
	s6 =	sadd.s32 @!p0 s3, s7;
	s7 =	simm.s32 @!p0 $0x108  }
0x21: {  	s3 =	sadd.s32 s3, s9;
	s6 =	sadd.s32 @!p0 $0x88, s6;
	s7 =	simm.s32 @p2 $0x1082  }
0x22: {  	[simem:s7], [sflag:s8] =	dma.local @!p0 [hbm:s6], $0xF7A  }
0x23: {  	s9 =	sor.u32 $0xD0000000, s2;
	s6 =	simm.s32 $0x108;
	_ =	swait.ge @!p0 [sflag:s8], $0x0  }
0x24: {  	s3 =	sadd.s32 $0x88, s3;
	s6 =	simm.s32 @!p1 $0x1082;
	[sflag:s4] =	ssyncset.s32 $0xFFFFF086  }
0x25: {  	[simem:s6], [sflag:s4] =	dma.local [hbm:s3], $0xF7A  }
0x26: {  	[smem:$0x3F9B] =	sst s1;
	(tag) =	ssettag s2;
	_ =	strace s9  }
0x27: {  	s1 =	sld [smem:$0x3FAB]  }
0x28: {  	s2 =	sld [smem:$0x3FAC]  }
0x29: {  	s4 =	sld [smem:$0x3FAE]  }
0x2a: {  	p0 =	seq.s32 s5, $0x0;
	s5 =	sld [smem:$0x3FAF]  }
0x2b: {  	s6 =	sld [smem:$0x3FB0]  }
0x2c: {  	s7 =	sld [smem:$0x3FB1]  }
0x2d: {  	s3 =	simm.s32 $0x108;
	s8 =	sld [smem:$0x3FB2]  }
0x2e: {  	s3 =	simm.s32 @!p0 $0x1082;
	s9 =	sld [smem:$0x3FB3]  }
0x2f: {  	lr =	sadd.s32 s0, s3;
	s0 =	sld [smem:$0x3FAA]  }
0x30: {  	s3 =	sld [smem:$0x3FAD]  }
0x31: {  	[smem:$0x3FB6] =	sst s10  }
0x32: {  	s10 =	sld [smem:$0x3FB4];
	_ =	sdelay $0x3  }
0x33: {  	p0 =	seq.s32 s10, $0x1;
	s10 =	sld [smem:$0x3FB6];
	_ =	sdelay $0x3  }
0x34: {  	[smem:$0x3FB6] =	sst s10  }
0x35: {  	s10 =	sld [smem:$0x3FB5];
	_ =	sdelay $0x3  }
0x36: {  	p1 =	seq.s32 s10, $0x1;
	s10 =	sld [smem:$0x3FB6];
	_ =	sdelay $0x3  }
0x37: {  	[smem:$0x3FB6] =	sst s10  }
0x38: {  	s10 =	sld [smem:$0x3FB7]  }
0x39: {  	_ = 	snop;
	(pc) =	sbr.ind lr, $3  }
0x3a: {  	_ = 	snop  }
0x3b: {  	_ = 	snop  }
0x3c: {  	p2 =	seq.s32 s10, $0x1;
	s10 =	sld [smem:$0x3FB6]  }
0x3d: {  	_ =	shalt  }
0x3e: {  	_ =	shalt  }
0x3f: {  	_ =	shalt  }
0x40: {  	_ =	shalt  }
0x41: {  	_ =	shalt  }
0x42: {  	_ =	shalt  }
0x43: {  	_ =	shalt  }
0x44: {  	_ =	shalt  }
0x45: {  	_ =	shalt  }
0x46: {  	_ =	shalt  }
0x47: {  	_ =	shalt  }
0x48: {  	_ =	shalt  }
0x49: {  	_ =	shalt  }
0x4a: {  	_ =	shalt  }
0x4b: {  	_ =	shalt  }
0x4c: {  	_ =	shalt  }
0x4d: {  	_ =	shalt  }
0x4e: {  	_ =	shalt  }
0x4f: {  	_ =	shalt  }
0x50: {  	_ =	shalt  }
0x51: {  	_ =	shalt  }
0x52: {  	_ =	shalt  }
0x53: {  	_ =	shalt  }
0x54: {  	_ =	shalt  }
0x55: {  	_ =	shalt  }
0x56: {  	_ =	shalt  }
0x57: {  	_ =	shalt  }
0x58: {  	_ =	shalt  }
0x59: {  	_ =	shalt  }
0x5a: {  	_ =	shalt  }
0x5b: {  	_ =	shalt  }
0x5c: {  	_ =	shalt  }
0x5d: {  	_ =	shalt  }
0x5e: {  	_ =	shalt  }
0x5f: {  	_ =	shalt  }
0x60: {  	_ =	shalt  }
0x61: {  	_ =	shalt  }
0x62: {  	_ =	shalt  }
0x63: {  	_ =	shalt  }
0x64: {  	_ =	shalt  }
0x65: {  	_ =	shalt  }
0x66: {  	_ =	shalt  }
0x67: {  	_ =	shalt  }
0x68: {  	_ =	shalt  }
0x69: {  	_ =	shalt  }
0x6a: {  	_ =	shalt  }
0x6b: {  	_ =	shalt  }
0x6c: {  	_ =	shalt  }
0x6d: {  	_ =	shalt  }
0x6e: {  	_ =	shalt  }
0x6f: {  	_ =	shalt  }
0x70: {  	_ =	shalt  }
0x71: {  	_ =	shalt  }
0x72: {  	_ =	shalt  }
0x73: {  	_ =	shalt  }
0x74: {  	_ =	shalt  }
0x75: {  	_ =	shalt  }
0x76: {  	_ =	shalt  }
0x77: {  	_ =	shalt  }
0x78: {  	_ =	shalt  }
0x79: {  	_ =	shalt  }
0x7a: {  	_ =	shalt  }
0x7b: {  	_ =	shalt  }
0x7c: {  	_ =	shalt  }
0x7d: {  	_ =	shalt  }
0x7e: {  	_ =	shalt  }
0x7f: {  	_ =	shalt  }
0x80: {  	_ =	shalt  }
0x81: {  	_ =	shalt  }
0x82: {  	_ =	shalt  }
0x83: {  	_ =	shalt  }
0x84: {  	_ =	shalt  }
0x85: {  	_ =	shalt  }
0x86: {  	_ =	shalt  }
0x87: {  	_ =	shalt  }
.Lfunc_end0:
.L_simem_size_0:
called_computation.2_lowered:
.L_overlay_start_0:
0x88: {  	s2 =	sld [smem:$0x3FD9]  }
0x89: {  	s3 =	sld [smem:$0x3FFE];
	_ =	sdelay $0x1  }
0x8a: {  	s1 =	srdreg.scid  }
0x8b: {  	s0 =	sand.u32 $0x1, s1  }
0x8c: {  	s17 =	sshll.u32 s0, $0xA;
	s2 =	sadd.s32 s3, s2  }
0x8d: {  	s2 =	sadd.s32 s2, s17  }
0x8e: {  	[smem:$0x3FC2] =	sst s2  }
0x8f: {  	_ = 	snop  }
0x90: {  	s2 =	sld [smem:$0x3FD0];
	(tm) =	ssettm $0x1  }
0x91: {  	s18 =	sld [smem:$0x3FFB];
	_ =	sdelay $0x3  }
0x92: {  	_ =	strace s18  }
0x93: {  	s3 =	sld [smem:$0x3FFC];
	_ =	sdelay $0x3  }
0x94: {  	_ =	strace s3  }
0x95: {  	s3 =	sld [smem:$0x3FFD];
	_ =	sdelay $0x3  }
0x96: {  	_ =	strace s3  }
0x97: {  	_ =	strace $0x8FFFFFFF  }
0x98: {  	s19 =	sld [smem:$0x3FDB];
	_ =	sdelay $0x1  }
0x99: {  	s4 =	simm.s32 $_scs_section_size  }
0x9a: {  	s5 =	simm.s32 $_size__tile_overlayer_lowered;
	s6 =	simm.s32 $_tile_overlayer_lowered  }
0x9b: {  	s22 =	simm.s32 $0x1BFF;
	s21 =	sshll.u32 s6, $0x1;
	s3 =	sadd.s32 s4, s19  }
0x9c: {  	s7 =	simm.s32 $0x0;
	s20 =	sshll.u32 s5, $0x1;
	s5 =	sadd.s32 s21, s3  }
0x9d: {  	[timem:s7], [sflag:s22] =	dma.local [hbm:s5], s20  }
0x9e: {  	_ =	swait.ge [sflag:s22], s20  }
0x9f: {  	s4 =	ssub.s32 $0x0, s20;
	[sflag:s22] =	ssyncset.done $0x0  }
0xa0: {  	[sflag:s22] =	ssyncadd.s32 s4;
	_ =	sdelay $0x1  }
0xa1: {  	s23 =	simm.s32 $0x1B8B  }
0xa2: {  	_ =	swait.ge [sflag:s23], $0x1  }
0xa3: {  	[sflag:s23] =	ssyncset.done $0x0  }
0xa4: {  	s25 =	simm.s32 $0x1B8E;
	s24 =	sld [smem:$0x3FFE];
	[sflag:s23] =	ssyncadd.s32 $0xFFFFFFFF  }
0xa5: {  	s26 =	simm.s32 $execute0_lowered;
	[smem:$0x3FD2] =	sst s25  }
0xa6: {  	s5 =	sshll.u32 s26, $0x1;
	_ =	strace $0x8000004C;
	[dreg:$0x1] =	wrdreg $0xFFFFFFFF  }
0xa7: {  	s28 =	simm.s32 $_size_execute0_lowered;
	s3 =	sadd.s32 s3, s5;
	[dreg:$0x0] =	wrdreg $0x0  }
0xa8: {  	s5 =	sshll.u32 s28, $0x1;
	[dreg:$0x2] =	wrdreg s3  }
0xa9: {  	[dreg:$0x3] =	wrdreg s5  }
0xaa: {  	[dreg:$0x4] =	wrdreg $0xC0  }
0xab: {  	_ =	task [dreg:s7], $0x5FFFF  }
0xac: {  	[dreg:$0x1] =	wrdreg $0xFFFFFFFF  }
0xad: {  	[dreg:$0x0] =	wrdreg $0x60  }
0xae: {  	[dreg:$0x2] =	wrdreg s24  }
0xaf: {  	[dreg:$0x3] =	wrdreg s2  }
0xb0: {  	[dreg:$0x4] =	wrdreg $0x68000  }
0xb1: {  	[dreg:$0x5] =	wrdreg $0x90000  }
0xb2: {  	[dreg:$0x6] =	wrdreg $0x9  }
0xb3: {  	_ =	task.clear_ibuf [dreg:s7], $0x7FFFF;
	_ =	strace $0x9000004C  }
0xb4: {  	s29 =	simm.s32 $0x9;
	_ =	strace $0x8000004E  }
0xb5: {  	_ =	swait.ge [sflag:s29], $0x1  }
0xb6: {  	[sflag:s29] =	ssyncadd.s32 $0xFFFFFFFF  }
0xb7: {  	_ =	strace $0x9000004E  }
0xb8: {  	_ =	sfence  }
0xb9: {  	s30 =	sld [smem:$0x0];
	_ =	sdelay $0x2  }
0xba: {  	s31 =	sshll.u32 s1, $0xD;
	s1 =	sshrl.u32 s1, $0x2  }
0xbb: {  	s3 =	sand.u32 $0x4000, s31;
	s1 =	sadd.s32 s1, s30  }
0xbc: {  	s0 =	sor.u32 s3, s0;
	s1 =	sshll.u32 s1, $0x11  }
0xbd: {  	s0 =	sor.u32 s1, s0  }
0xbe: {  	s0 =	sadd.s32 $0x8F2B, s0  }
0xbf: {  	[sflag:s0] =	ssyncadd.remote.s32 $0x1  }
0xc0: {  	_ =	sfence.sel $0xFFFF  }
0xc1: {  	[dreg:$0x0] =	wrdreg $0xFFFFFFFF;
	(pc) =	sbr.abs _section_cstart, $3  }
0xc2: {  	[dreg:$0x1] =	wrdreg $0xFFFFFFFF  }
0xc3: {  	_ =	task.clear_ibuf [dreg:s7], $0x2FFFF;
	_ =	strace $0x9FFFFFFF  }
0xc4: {  	(tm) =	ssettm $0x7FFFFFFF  }
0xc5: {  	_ =	shalt  }
tec
execute0_lowered:
.L_overlay_start_1:
0x0: {  	(tag) =	ssettag $0x1  }
0x1: {  	s0 =	rddreg [dreg:$0x0]  }
0x2: {  	s1 =	srdreg.scid;
	s3 =	rddreg [dreg:$0x2]  }
0x3: {  	s9 =	stileid.u32;
	s4 =	rddreg [dreg:$0x3]  }
0x4: {  	s6 =	simm.s32 $0x0;
	s16 =	simm.s32 $0x3;
	s28 =	simm.s32 $0x5000  }
0x5: {  	s29 =	simm.s32 $0x5800;
	s30 =	simm.s32 $0x6000;
	s31 =	simm.s32 $0x5  }
0x6: {  	s12 =	simm.s32 $0x9;
	s10 =	simm.s32 $0xE;
	s11 =	simm.s32 $0xF  }
0x7: {  	s13 =	simm.s32 $0x10;
	s15 =	simm.s32 $0x0;
	s5 =	smul.u32 $0x1400, s9  }
0x8: {  	s1 =	sand.u32 $0x1, s1;
	[smem:$0x7FF] =	sst s6;
	s17 =	smul.u32 $0x2800, s9  }
0x9: {  	s23 =	sshll.u32 s9, $0x6;
	s6 =	simm.s32 $0xB;
	s2 =	smul.u32 $0x14000, s1  }
0xa: {  	_ =	strace $0x8000004D;
	s18 =	smul.u32 $0x5000, s1;
	s1 =	ssub.s32 $0x2, s1  }
0xb: {  	s24 =	sor.u32 $0x1C03, s23;
	[dreg:$0x8] =	wrdreg s23;
	s26 =	sor.u32 $0x1C04, s23  }
0xc: {  	s23 =	simm.s32 $0x3800;
	s7 =	sshrl.u32 s17, $0x3;
	[dreg:$0x9] =	wrdreg s24  }
0xd: {  	s19 =	sshrl.u32 s1, $0x1;
	s21 =	sadd.s32 s17, s3;
	[dreg:$0xc] =	wrdreg s26  }
0xe: {  	s26 =	simm.s32 $0x4800;
	s2 =	sadd.s32 s5, s2;
	s8 =	sadd.s32 s7, s0  }
0xf: {  	s1 =	ssub.s32 s1, s19;
	s5 =	sadd.s32 s17, s4;
	s25 =	sshrl.u32 s21, $0x3  }
0x10: {  	s17 =	simm.s32 $0x4;
	s19 =	simm.s32 $0x2;
	s21 =	simm.s32 $0x2800  }
0x11: {  	s2 =	sshrl.u32 s2, $0x3;
	s22 =	sadd.s32 $0xC800, s8;
	s1 =	smax.u32 s1, $0x1  }
0x12: {  	[dreg:$0xb] =	wrdreg s25;
	s24 =	sshrl.u32 s5, $0x3;
	s25 =	simm.s32 $0x4000  }
0x13: {  	s5 =	simm.s32 $0xA;
	s8 =	simm.s32 $0xD;
	[dreg:$0x7] =	wrdreg s22  }
0x14: {  	s2 =	sadd.s32 s2, s0;
	s0 =	sadd.s32 s18, s0;
	[dreg:$0xa] =	wrdreg s1  }
0x15: {  	s18 =	simm.s32 $0x1;
	[dreg:$0xd] =	wrdreg s24;
	s20 =	sadd.s32 $0x7800, s2  }
0x16: {  	s22 =	simm.s32 $0x3000;
	s2 =	sadd.s32 $0x2800, s2;
	[dreg:$0x5] =	wrdreg s20  }
0x17: {  	s1 =	simm.s32 $0x8;
	s0 =	sadd.s32 $0x11800, s0;
	[dreg:$0x6] =	wrdreg s2  }
0x18: {  	s20 =	simm.s32 $0x80;
	s0 =	sadd.s32 s7, s0;
	s2 =	simm.s32 $0x6  }
0x19: {  	s7 =	simm.s32 $0xC;
	[dreg:$0xe] =	wrdreg s0;
	s0 =	simm.s32 $0x7  }
.LBB2_1:
0x1a: {  	[dreg:$0xf] =	wrdreg s15  }
0x1b: {  	s9 =	simm.s32 $0x0;
	s14 =	rddreg [dreg:$0x5]  }
0x1c: {  	[tilespmem:s9], [sflag:$0x1] =	stream.linear.gather [hbm4b:s14+s9], $0x1400, $0x38;
	[tilespmem:$0xB800] =	vst v63  }
0x1d: {  	s15 =	simm.s32 $0x1400;
	s14 =	rddreg [dreg:$0x6]  }
0x1e: {  	[tilespmem:s15], [sflag:$0x2] =	stream.linear.gather [hbm4b:s14+s9], $0x1400, $0x38;
	[tilespmem:$0xB800] =	vst v63  }
0x1f: {  	s9 =	rddreg [dreg:$0x7]  }
0x20: {  	s14 =	rddreg [dreg:$0x9]  }
0x21: {  	s15 =	rddreg [dreg:$0xb]  }
0x22: {  	[spmem:s15], [sflag:s14] =	dma.local [hbm:s9], $0x500  }
0x23: {  	s9 =	rddreg [dreg:$0x1]  }
0x24: {  	s14 =	rddreg [dreg:$0xc]  }
0x25: {  	[spmem:s24], [sflag:s14] =	dma.local [hbm:s9], $0x500  }
0x26: {  	_ =	swait.ge [sflag:s16], $0x500  }
0x27: {  	[sflag:s16] =	ssyncset.done $0x0  }
0x28: {  	[sflag:s16] =	ssyncadd.s32 $0xFFFFFB00  }
0x29: {  	_ =	swait.ge [sflag:s17], $0x500  }
0x2a: {  	[sflag:s17] =	ssyncset.done $0x0  }
0x2b: {  	[sflag:s17] =	ssyncadd.s32 $0xFFFFFB00  }
0x2c: {  	[bflag:$0x0] =	sbarrier.arrive $0xFFFF  }
0x2d: {  	_ =	swait.ge [sflag:s18], $0x1400  }
0x2e: {  	[sflag:s18] =	ssyncset.done $0x0  }
0x2f: {  	[sflag:s18] =	ssyncadd.s32 $0xFFFFEC00  }
0x30: {  	_ =	swait.ge [sflag:s19], $0x1400  }
0x31: {  	[sflag:s19] =	ssyncset.done $0x0  }
0x32: {  	s24 =	simm.s32 $0x0;
	[sflag:s19] =	ssyncadd.s32 $0xFFFFEC00  }
0x33: {  	[tilespmem:s21], [sflag:$0x1] =	stream.indirect.gather [spmem:s3], $0x10, s24, s20, $0xb8;
	[tilespmem:$0xB800] =	vst v63  }
0x34: {  	s14 =	simm.s32 $0x80  }
0x35: {  	[tilespmem:s22], [sflag:$0x2] =	stream.indirect.gather [spmem:s3], $0x10, s14, s20, $0xb8;
	[tilespmem:$0xB800] =	vst v63  }
0x36: {  	s15 =	simm.s32 $0x100  }
0x37: {  	[tilespmem:s23], [sflag:$0x3] =	stream.indirect.gather [spmem:s3], $0x10, s15, s20, $0xb8;
	[tilespmem:$0xB800] =	vst v63  }
0x38: {  	s24 =	simm.s32 $0x180  }
0x39: {  	[tilespmem:s25], [sflag:$0x4] =	stream.indirect.gather [spmem:s3], $0x10, s24, s20, $0xb8;
	[tilespmem:$0xB800] =	vst v63  }
0x3a: {  	s14 =	simm.s32 $0x200  }
0x3b: {  	[tilespmem:s26], [sflag:$0x5] =	stream.indirect.gather [spmem:s3], $0x10, s14, s20, $0xb8;
	[tilespmem:$0xB800] =	vst v63  }
0x3c: {  	s15 =	simm.s32 $0x280  }
0x3d: {  	[tilespmem:s28], [sflag:$0x6] =	stream.indirect.gather [spmem:s3], $0x10, s15, s20, $0xb8;
	[tilespmem:$0xB800] =	vst v63  }
0x3e: {  	s24 =	simm.s32 $0x300  }
0x3f: {  	[tilespmem:s29], [sflag:$0x7] =	stream.indirect.gather [spmem:s3], $0x10, s24, s20, $0xb8;
	[tilespmem:$0xB800] =	vst v63  }
0x40: {  	s14 =	simm.s32 $0x380  }
0x41: {  	[tilespmem:s30], [sflag:$0x8] =	stream.indirect.gather [spmem:s3], $0x10, s14, s20, $0xb8;
	[tilespmem:$0xB800] =	vst v63  }
0x42: {  	_ =	swait.ge [sflag:s18], $0x800  }
0x43: {  	[sflag:s18] =	ssyncset.done $0x0  }
0x44: {  	s15 =	simm.s32 $0x1400;
	[sflag:s18] =	ssyncadd.s32 $0xFFFFF800  }
0x45: {  	[spmem:s4] =	stream.indirect.scatter.add.f32 [tilespmem:s21], [sflag:$0x9], $0x10, s15, s20, $0xb8;
	[tilespmem:$0xB800] =	vst v63  }
0x46: {  	_ =	swait.ge [sflag:s19], $0x800  }
0x47: {  	[sflag:s19] =	ssyncset.done $0x0  }
0x48: {  	s24 =	simm.s32 $0x1480;
	[sflag:s19] =	ssyncadd.s32 $0xFFFFF800  }
0x49: {  	[spmem:s4] =	stream.indirect.scatter.add.f32 [tilespmem:s22], [sflag:$0xA], $0x10, s24, s20, $0xb8;
	[tilespmem:$0xB800] =	vst v63  }
0x4a: {  	_ =	swait.ge [sflag:s16], $0x800  }
0x4b: {  	[sflag:s16] =	ssyncset.done $0x0  }
0x4c: {  	s14 =	simm.s32 $0x1500;
	[sflag:s16] =	ssyncadd.s32 $0xFFFFF800  }
0x4d: {  	[spmem:s4] =	stream.indirect.scatter.add.f32 [tilespmem:s23], [sflag:$0xB], $0x10, s14, s20, $0xb8;
	[tilespmem:$0xB800] =	vst v63  }
0x4e: {  	_ =	swait.ge [sflag:s17], $0x800  }
0x4f: {  	[sflag:s17] =	ssyncset.done $0x0  }
0x50: {  	s15 =	simm.s32 $0x1580;
	[sflag:s17] =	ssyncadd.s32 $0xFFFFF800  }
0x51: {  	[spmem:s4] =	stream.indirect.scatter.add.f32 [tilespmem:s25], [sflag:$0xC], $0x10, s15, s20, $0xb8;
	[tilespmem:$0xB800] =	vst v63  }
0x52: {  	_ =	swait.ge [sflag:s31], $0x800  }
0x53: {  	[sflag:s31] =	ssyncset.done $0x0  }
0x54: {  	s24 =	simm.s32 $0x1600;
	[sflag:s31] =	ssyncadd.s32 $0xFFFFF800  }
0x55: {  	[spmem:s4] =	stream.indirect.scatter.add.f32 [tilespmem:s26], [sflag:$0xD], $0x10, s24, s20, $0xb8;
	[tilespmem:$0xB800] =	vst v63  }
0x56: {  	_ =	swait.ge [sflag:s2], $0x800  }
0x57: {  	[sflag:s2] =	ssyncset.done $0x0  }
0x58: {  	s14 =	simm.s32 $0x1680;
	[sflag:s2] =	ssyncadd.s32 $0xFFFFF800  }
0x59: {  	[spmem:s4] =	stream.indirect.scatter.add.f32 [tilespmem:s28], [sflag:$0xE], $0x10, s14, s20, $0xb8;
	[tilespmem:$0xB800] =	vst v63  }
0x5a: {  	_ =	swait.ge [sflag:s0], $0x800  }
0x5b: {  	[sflag:s0] =	ssyncset.done $0x0  }
0x5c: {  	s15 =	simm.s32 $0x1700;
	[sflag:s0] =	ssyncadd.s32 $0xFFFFF800  }
0x5d: {  	[spmem:s4] =	stream.indirect.scatter.add.f32 [tilespmem:s29], [sflag:$0xF], $0x10, s15, s20, $0xb8;
	[tilespmem:$0xB800] =	vst v63  }
0x5e: {  	_ =	swait.ge [sflag:s1], $0x800  }
0x5f: {  	[sflag:s1] =	ssyncset.done $0x0  }
0x60: {  	s24 =	simm.s32 $0x1780;
	[sflag:s1] =	ssyncadd.s32 $0xFFFFF800  }
0x61: {  	[spmem:s4] =	stream.indirect.scatter.add.f32 [tilespmem:s30], [sflag:$0x10], $0x10, s24, s20, $0xb8;
	[tilespmem:$0xB800] =	vst v63  }
0x62: {  	_ =	swait.ge [sflag:s12], $0x800  }
0x63: {  	[sflag:s12] =	ssyncset.done $0x0  }
0x64: {  	[sflag:s12] =	ssyncadd.s32 $0xFFFFF800  }
0x65: {  	_ =	swait.ge [sflag:s5], $0x800  }
0x66: {  	[sflag:s5] =	ssyncset.done $0x0  }
0x67: {  	[sflag:s5] =	ssyncadd.s32 $0xFFFFF800  }
0x68: {  	_ =	swait.ge [sflag:s6], $0x800  }
0x69: {  	[sflag:s6] =	ssyncset.done $0x0  }
0x6a: {  	[sflag:s6] =	ssyncadd.s32 $0xFFFFF800  }
0x6b: {  	_ =	swait.ge [sflag:s7], $0x800  }
0x6c: {  	[sflag:s7] =	ssyncset.done $0x0  }
0x6d: {  	[sflag:s7] =	ssyncadd.s32 $0xFFFFF800  }
0x6e: {  	_ =	swait.ge [sflag:s8], $0x800  }
0x6f: {  	[sflag:s8] =	ssyncset.done $0x0  }
0x70: {  	[sflag:s8] =	ssyncadd.s32 $0xFFFFF800  }
0x71: {  	_ =	swait.ge [sflag:s10], $0x800  }
0x72: {  	[sflag:s10] =	ssyncset.done $0x0  }
0x73: {  	[sflag:s10] =	ssyncadd.s32 $0xFFFFF800  }
0x74: {  	_ =	swait.ge [sflag:s11], $0x800  }
0x75: {  	[sflag:s11] =	ssyncset.done $0x0  }
0x76: {  	[sflag:s11] =	ssyncadd.s32 $0xFFFFF800  }
0x77: {  	_ =	swait.ge [sflag:s13], $0x800  }
0x78: {  	s9 =	simm.s32 $0x1000;
	s14 =	simm.s32 $0x2000;
	[sflag:s13] =	ssyncset.done $0x0  }
.LBB2_2:
0x79: {  	s15 =	sshra.s32 s9, $0x2  }
0x7a: {  	[sflag:s13] =	ssyncadd.s32 $0xFFFFF800;
	s9 =	smov.u32 s14;
	s24 =	sadd.s32 $0x1000, s14  }
0x7b: {  	[tilespmem:s21], [sflag:$0x1] =	stream.indirect.gather [spmem:s3], $0x10, s15, s20, $0xb8;
	[tilespmem:$0xB800] =	vst v63  }
0x7c: {  	p0 =	sne.s32 s14, $0x4000;
	s14 =	sadd.s32 $0x80, s15  }
0x7d: {  	[tilespmem:s22], [sflag:$0x2] =	stream.indirect.gather [spmem:s3], $0x10, s14, s20, $0xb8;
	[tilespmem:$0xB800] =	vst v63  }
0x7e: {  	s14 =	sadd.s32 $0x100, s15  }
0x7f: {  	[tilespmem:s23], [sflag:$0x3] =	stream.indirect.gather [spmem:s3], $0x10, s14, s20, $0xb8;
	[tilespmem:$0xB800] =	vst v63  }
0x80: {  	s14 =	sadd.s32 $0x180, s15  }
0x81: {  	[tilespmem:s25], [sflag:$0x4] =	stream.indirect.gather [spmem:s3], $0x10, s14, s20, $0xb8;
	[tilespmem:$0xB800] =	vst v63  }
0x82: {  	s14 =	sadd.s32 $0x200, s15  }
0x83: {  	[tilespmem:s26], [sflag:$0x5] =	stream.indirect.gather [spmem:s3], $0x10, s14, s20, $0xb8;
	[tilespmem:$0xB800] =	vst v63  }
0x84: {  	s14 =	sadd.s32 $0x280, s15  }
0x85: {  	[tilespmem:s28], [sflag:$0x6] =	stream.indirect.gather [spmem:s3], $0x10, s14, s20, $0xb8;
	[tilespmem:$0xB800] =	vst v63  }
0x86: {  	s14 =	sadd.s32 $0x300, s15  }
0x87: {  	[tilespmem:s29], [sflag:$0x7] =	stream.indirect.gather [spmem:s3], $0x10, s14, s20, $0xb8;
	[tilespmem:$0xB800] =	vst v63  }
0x88: {  	s14 =	sadd.s32 $0x380, s15  }
0x89: {  	[tilespmem:s30], [sflag:$0x8] =	stream.indirect.gather [spmem:s3], $0x10, s14, s20, $0xb8;
	[tilespmem:$0xB800] =	vst v63  }
0x8a: {  	_ =	swait.ge [sflag:s18], $0x800  }
0x8b: {  	[sflag:s18] =	ssyncset.done $0x0  }
0x8c: {  	s14 =	sadd.s32 $0x1400, s15;
	[sflag:s18] =	ssyncadd.s32 $0xFFFFF800  }
0x8d: {  	[spmem:s4] =	stream.indirect.scatter.add.f32 [tilespmem:s21], [sflag:$0x9], $0x10, s14, s20, $0xb8;
	[tilespmem:$0xB800] =	vst v63  }
0x8e: {  	_ =	swait.ge [sflag:s19], $0x800  }
0x8f: {  	[sflag:s19] =	ssyncset.done $0x0  }
0x90: {  	s14 =	sadd.s32 $0x1480, s15;
	[sflag:s19] =	ssyncadd.s32 $0xFFFFF800  }
0x91: {  	[spmem:s4] =	stream.indirect.scatter.add.f32 [tilespmem:s22], [sflag:$0xA], $0x10, s14, s20, $0xb8;
	[tilespmem:$0xB800] =	vst v63  }
0x92: {  	_ =	swait.ge [sflag:s16], $0x800  }
0x93: {  	[sflag:s16] =	ssyncset.done $0x0  }
0x94: {  	s14 =	sadd.s32 $0x1500, s15;
	[sflag:s16] =	ssyncadd.s32 $0xFFFFF800  }
0x95: {  	[spmem:s4] =	stream.indirect.scatter.add.f32 [tilespmem:s23], [sflag:$0xB], $0x10, s14, s20, $0xb8;
	[tilespmem:$0xB800] =	vst v63  }
0x96: {  	_ =	swait.ge [sflag:s17], $0x800  }
0x97: {  	[sflag:s17] =	ssyncset.done $0x0  }
0x98: {  	s14 =	sadd.s32 $0x1580, s15;
	[sflag:s17] =	ssyncadd.s32 $0xFFFFF800  }
0x99: {  	[spmem:s4] =	stream.indirect.scatter.add.f32 [tilespmem:s25], [sflag:$0xC], $0x10, s14, s20, $0xb8;
	[tilespmem:$0xB800] =	vst v63  }
0x9a: {  	_ =	swait.ge [sflag:s31], $0x800  }
0x9b: {  	[sflag:s31] =	ssyncset.done $0x0  }
0x9c: {  	s14 =	sadd.s32 $0x1600, s15;
	[sflag:s31] =	ssyncadd.s32 $0xFFFFF800  }
0x9d: {  	[spmem:s4] =	stream.indirect.scatter.add.f32 [tilespmem:s26], [sflag:$0xD], $0x10, s14, s20, $0xb8;
	[tilespmem:$0xB800] =	vst v63  }
0x9e: {  	_ =	swait.ge [sflag:s2], $0x800  }
0x9f: {  	[sflag:s2] =	ssyncset.done $0x0  }
0xa0: {  	s14 =	sadd.s32 $0x1680, s15;
	[sflag:s2] =	ssyncadd.s32 $0xFFFFF800  }
0xa1: {  	[spmem:s4] =	stream.indirect.scatter.add.f32 [tilespmem:s28], [sflag:$0xE], $0x10, s14, s20, $0xb8;
	[tilespmem:$0xB800] =	vst v63  }
0xa2: {  	_ =	swait.ge [sflag:s0], $0x800  }
0xa3: {  	[sflag:s0] =	ssyncset.done $0x0  }
0xa4: {  	s14 =	sadd.s32 $0x1700, s15;
	[sflag:s0] =	ssyncadd.s32 $0xFFFFF800  }
0xa5: {  	[spmem:s4] =	stream.indirect.scatter.add.f32 [tilespmem:s29], [sflag:$0xF], $0x10, s14, s20, $0xb8;
	[tilespmem:$0xB800] =	vst v63  }
0xa6: {  	_ =	swait.ge [sflag:s1], $0x800  }
0xa7: {  	[sflag:s1] =	ssyncset.done $0x0  }
0xa8: {  	s14 =	sadd.s32 $0x1780, s15;
	[sflag:s1] =	ssyncadd.s32 $0xFFFFF800  }
0xa9: {  	[spmem:s4] =	stream.indirect.scatter.add.f32 [tilespmem:s30], [sflag:$0x10], $0x10, s14, s20, $0xb8;
	[tilespmem:$0xB800] =	vst v63  }
0xaa: {  	_ =	swait.ge [sflag:s12], $0x800  }
0xab: {  	[sflag:s12] =	ssyncset.done $0x0  }
0xac: {  	[sflag:s12] =	ssyncadd.s32 $0xFFFFF800  }
0xad: {  	_ =	swait.ge [sflag:s5], $0x800  }
0xae: {  	[sflag:s5] =	ssyncset.done $0x0  }
0xaf: {  	[sflag:s5] =	ssyncadd.s32 $0xFFFFF800  }
0xb0: {  	_ =	swait.ge [sflag:s6], $0x800  }
0xb1: {  	[sflag:s6] =	ssyncset.done $0x0  }
0xb2: {  	[sflag:s6] =	ssyncadd.s32 $0xFFFFF800  }
0xb3: {  	_ =	swait.ge [sflag:s7], $0x800  }
0xb4: {  	[sflag:s7] =	ssyncset.done $0x0  }
0xb5: {  	[sflag:s7] =	ssyncadd.s32 $0xFFFFF800  }
0xb6: {  	_ =	swait.ge [sflag:s8], $0x800  }
0xb7: {  	[sflag:s8] =	ssyncset.done $0x0  }
0xb8: {  	[sflag:s8] =	ssyncadd.s32 $0xFFFFF800  }
0xb9: {  	_ =	swait.ge [sflag:s10], $0x800  }
0xba: {  	[sflag:s10] =	ssyncset.done $0x0  }
0xbb: {  	[sflag:s10] =	ssyncadd.s32 $0xFFFFF800  }
.Ltmp0:
0xbc: {  	_ =	swait.ge [sflag:s11], $0x800;
	(pc) =	sbr.rel @p0 .LBB2_2-.Ltmp0, $4  }
0xbd: {  	[sflag:s11] =	ssyncset.done $0x0  }
0xbe: {  	[sflag:s11] =	ssyncadd.s32 $0xFFFFF800  }
0xbf: {  	_ =	swait.ge [sflag:s13], $0x800  }
0xc0: {  	s14 =	smov.u32 s24;
	[sflag:s13] =	ssyncset.done $0x0  }
0xc1: {  	s9 =	sshra.s32 s9, $0x2;
	[sflag:s13] =	ssyncadd.s32 $0xFFFFF800  }
0xc2: {  	[tilespmem:s21], [sflag:$0x1] =	stream.indirect.gather [spmem:s3], $0x10, s9, s20, $0xb8;
	[tilespmem:$0xB800] =	vst v63  }
0xc3: {  	s14 =	sadd.s32 $0x80, s9  }
0xc4: {  	[tilespmem:s22], [sflag:$0x2] =	stream.indirect.gather [spmem:s3], $0x10, s14, s20, $0xb8;
	[tilespmem:$0xB800] =	vst v63  }
0xc5: {  	s24 =	sadd.s32 $0x100, s9  }
0xc6: {  	[tilespmem:s23], [sflag:$0x3] =	stream.indirect.gather [spmem:s3], $0x10, s24, s20, $0xb8;
	[tilespmem:$0xB800] =	vst v63  }
0xc7: {  	s15 =	sadd.s32 $0x180, s9  }
0xc8: {  	[tilespmem:s25], [sflag:$0x4] =	stream.indirect.gather [spmem:s3], $0x10, s15, s20, $0xb8;
	[tilespmem:$0xB800] =	vst v63  }
0xc9: {  	s24 =	sadd.s32 $0x200, s9  }
0xca: {  	[tilespmem:s26], [sflag:$0x5] =	stream.indirect.gather [spmem:s3], $0x10, s24, s20, $0xb8;
	[tilespmem:$0xB800] =	vst v63  }
0xcb: {  	s15 =	sadd.s32 $0x280, s9  }
0xcc: {  	[tilespmem:s28], [sflag:$0x6] =	stream.indirect.gather [spmem:s3], $0x10, s15, s20, $0xb8;
	[tilespmem:$0xB800] =	vst v63  }
0xcd: {  	s24 =	sadd.s32 $0x300, s9  }
0xce: {  	[tilespmem:s29], [sflag:$0x7] =	stream.indirect.gather [spmem:s3], $0x10, s24, s20, $0xb8;
	[tilespmem:$0xB800] =	vst v63  }
0xcf: {  	s15 =	sadd.s32 $0x380, s9  }
0xd0: {  	[tilespmem:s30], [sflag:$0x8] =	stream.indirect.gather [spmem:s3], $0x10, s15, s20, $0xb8;
	[tilespmem:$0xB800] =	vst v63  }
0xd1: {  	_ =	swait.ge [sflag:s18], $0x800  }
0xd2: {  	[sflag:s18] =	ssyncset.done $0x0  }
0xd3: {  	s24 =	sadd.s32 $0x1400, s9;
	[sflag:s18] =	ssyncadd.s32 $0xFFFFF800  }
0xd4: {  	[spmem:s4] =	stream.indirect.scatter.add.f32 [tilespmem:s21], [sflag:$0x9], $0x10, s24, s20, $0xb8;
	[tilespmem:$0xB800] =	vst v63  }
0xd5: {  	_ =	swait.ge [sflag:s19], $0x800  }
0xd6: {  	[sflag:s19] =	ssyncset.done $0x0  }
0xd7: {  	s15 =	sadd.s32 $0x1480, s9;
	[sflag:s19] =	ssyncadd.s32 $0xFFFFF800  }
0xd8: {  	[spmem:s4] =	stream.indirect.scatter.add.f32 [tilespmem:s22], [sflag:$0xA], $0x10, s15, s20, $0xb8;
	[tilespmem:$0xB800] =	vst v63  }
0xd9: {  	_ =	swait.ge [sflag:s16], $0x800  }
0xda: {  	[sflag:s16] =	ssyncset.done $0x0  }
0xdb: {  	s24 =	sadd.s32 $0x1500, s9;
	[sflag:s16] =	ssyncadd.s32 $0xFFFFF800  }
0xdc: {  	[spmem:s4] =	stream.indirect.scatter.add.f32 [tilespmem:s23], [sflag:$0xB], $0x10, s24, s20, $0xb8;
	[tilespmem:$0xB800] =	vst v63  }
0xdd: {  	_ =	swait.ge [sflag:s17], $0x800  }
0xde: {  	[sflag:s17] =	ssyncset.done $0x0  }
0xdf: {  	s15 =	sadd.s32 $0x1580, s9;
	[sflag:s17] =	ssyncadd.s32 $0xFFFFF800  }
0xe0: {  	[spmem:s4] =	stream.indirect.scatter.add.f32 [tilespmem:s25], [sflag:$0xC], $0x10, s15, s20, $0xb8;
	[tilespmem:$0xB800] =	vst v63  }
0xe1: {  	_ =	swait.ge [sflag:s31], $0x800  }
0xe2: {  	[sflag:s31] =	ssyncset.done $0x0  }
0xe3: {  	s24 =	sadd.s32 $0x1600, s9;
	[sflag:s31] =	ssyncadd.s32 $0xFFFFF800  }
0xe4: {  	[spmem:s4] =	stream.indirect.scatter.add.f32 [tilespmem:s26], [sflag:$0xD], $0x10, s24, s20, $0xb8;
	[tilespmem:$0xB800] =	vst v63  }
0xe5: {  	_ =	swait.ge [sflag:s2], $0x800  }
0xe6: {  	[sflag:s2] =	ssyncset.done $0x0  }
0xe7: {  	s15 =	sadd.s32 $0x1680, s9;
	[sflag:s2] =	ssyncadd.s32 $0xFFFFF800  }
0xe8: {  	[spmem:s4] =	stream.indirect.scatter.add.f32 [tilespmem:s28], [sflag:$0xE], $0x10, s15, s20, $0xb8;
	[tilespmem:$0xB800] =	vst v63  }
0xe9: {  	_ =	swait.ge [sflag:s0], $0x800  }
0xea: {  	[sflag:s0] =	ssyncset.done $0x0  }
0xeb: {  	s24 =	sadd.s32 $0x1700, s9;
	[sflag:s0] =	ssyncadd.s32 $0xFFFFF800  }
0xec: {  	[spmem:s4] =	stream.indirect.scatter.add.f32 [tilespmem:s29], [sflag:$0xF], $0x10, s24, s20, $0xb8;
	[tilespmem:$0xB800] =	vst v63  }
0xed: {  	_ =	swait.ge [sflag:s1], $0x800  }
0xee: {  	[sflag:s1] =	ssyncset.done $0x0  }
0xef: {  	s9 =	sadd.s32 $0x1780, s9;
	[sflag:s1] =	ssyncadd.s32 $0xFFFFF800  }
0xf0: {  	[spmem:s4] =	stream.indirect.scatter.add.f32 [tilespmem:s30], [sflag:$0x10], $0x10, s9, s20, $0xb8;
	[tilespmem:$0xB800] =	vst v63  }
0xf1: {  	_ =	swait.ge [sflag:s12], $0x800  }
0xf2: {  	[sflag:s12] =	ssyncset.done $0x0  }
0xf3: {  	[sflag:s12] =	ssyncadd.s32 $0xFFFFF800  }
0xf4: {  	_ =	swait.ge [sflag:s5], $0x800  }
0xf5: {  	[sflag:s5] =	ssyncset.done $0x0  }
0xf6: {  	[sflag:s5] =	ssyncadd.s32 $0xFFFFF800  }
0xf7: {  	_ =	swait.ge [sflag:s6], $0x800  }
0xf8: {  	[sflag:s6] =	ssyncset.done $0x0  }
0xf9: {  	[sflag:s6] =	ssyncadd.s32 $0xFFFFF800  }
0xfa: {  	_ =	swait.ge [sflag:s7], $0x800  }
0xfb: {  	[sflag:s7] =	ssyncset.done $0x0  }
0xfc: {  	[sflag:s7] =	ssyncadd.s32 $0xFFFFF800  }
0xfd: {  	_ =	swait.ge [sflag:s8], $0x800  }
0xfe: {  	[sflag:s8] =	ssyncset.done $0x0  }
0xff: {  	[sflag:s8] =	ssyncadd.s32 $0xFFFFF800  }
0x100: {  	_ =	swait.ge [sflag:s10], $0x800  }
0x101: {  	[sflag:s10] =	ssyncset.done $0x0  }
0x102: {  	[sflag:s10] =	ssyncadd.s32 $0xFFFFF800  }
0x103: {  	_ =	swait.ge [sflag:s11], $0x800  }
0x104: {  	[sflag:s11] =	ssyncset.done $0x0  }
0x105: {  	[sflag:s11] =	ssyncadd.s32 $0xFFFFF800  }
0x106: {  	_ =	swait.ge [sflag:s13], $0x800  }
0x107: {  	[sflag:s13] =	ssyncset.done $0x0  }
0x108: {  	[sflag:s13] =	ssyncadd.s32 $0xFFFFF800  }
0x109: {  	[bflag:$0x0] =	sbarrier.arrive $0xFFFF  }
0x10a: {  	s14 =	rddreg [dreg:$0x8]  }
0x10b: {  	s24 =	rddreg [dreg:$0xd]  }
0x10c: {  	s15 =	rddreg [dreg:$0xe];
	s9 =	sor.u32 $0x1C11, s14;
	s14 =	simm.s32 $0x11  }
0x10d: {  	[hbm:s15], [sflag:s9] =	dma.local [spmem:s24], $0x500  }
0x10e: {  	_ =	swait.ge [sflag:s14], $0x500  }
0x10f: {  	s15 =	rddreg [dreg:$0xf]  }
0x110: {  	s9 =	rddreg [dreg:$0xa];
	s15 =	sadd.s32 $0x1, s15  }
0x111: {  	p0 =	sne.s32 s15, s9  }
.Ltmp1:
0x112: {  	_ = 	snop;
	(pc) =	sbr.rel @p0 .LBB2_1-.Ltmp1, $3  }
0x113: {  	_ =	sdelay $0x1  }
0x114: {  	[sflag:s14] =	ssyncset.done $0x0  }
0x115: {  	[sflag:s14] =	ssyncadd.s32 $0xFFFFFB00  }
0x116: {  	_ =	sfence.sel $0x180000  }
0x117: {  	[bflag:$0x0] =	sbarrier.arrive $0xFFFF  }
0x118: {  	_ =	strace $0x9000004D  }
0x119: {  	s0 =	stileid.u32;
	[bflag:$0x2] =	sbarrier.arrive $0xFFFF  }
0x11a: {  	p0 =	sne.s32 s0, $0x0;
	s0 =	rddreg [dreg:$0x4]  }
0x11b: {  	s0 =	sadd.s32 @!p0 $0x100000, s0  }
0x11c: {  	[sflag:s0] =	ssyncadd.tile.s32 @!p0 $0x1;
	_ =	shalt  }
.Lfunc_end2:
_tile_overlayer_lowered:
.L_overlay_start_2:
0x11d: {  	(tag) =	ssettag $0x2  }
0x11e: {  	s0 =	rddreg [dreg:$0x0];
	s2 =	stileid.u32  }
0x11f: {  	s1 =	rddreg [dreg:$0x1];
	p0 =	sne.s32 s2, $0x0  }
0x120: {  	s3 =	rddreg [dreg:$0x2];
	[bflag:$0x3] =	sbarrier.arrive $0xFFFF;
	s2 =	simm.s32 @!p0 $0x1C11  }
0x121: {  	[timem:s3], [sflag:s2] =	dma.local @!p0 [hbm:s0], s1  }
0x122: {  	s0 =	simm.s32 @!p0 $0x11  }
0x123: {  	_ =	swait.ge @!p0 [sflag:s0], s1  }
0x124: {  	s1 =	ssub.s32 @!p0 $0x0, s1;
	[sflag:s0] =	ssyncset.done @!p0 $0x0  }
0x125: {  	[sflag:s0] =	ssyncadd.s32 @!p0 s1  }
0x126: {  	[bflag:$0x3] =	sbarrier.arrive $0xFFFF  }
0x127: {  	_ =	shalt  }

// kernel: kernel.9.cloned.1.call-start
scs
__scs_entry_jumppad:
0x0: {  	(pc) =	sbr.rel $0x88, $3  }
0x1: {  	(tag) =	ssettag $0x0;
	lr =	simm.s32 $0x1  }
0x2: {  	[smem:$0x3F9B] =	sst lr;
	_ =	strace $0xD0000000  }
0x3: {  	_ = 	snop  }
0x4: {  	_ = 	snop  }
0x5: {  	_ = 	snop  }
0x6: {  	_ = 	snop  }
0x7: {  	_ = 	snop  }
__scs_overlays_trampoline_lowered:
0x8: {  	[smem:$0x3FAA] =	sst s0  }
0x9: {  	[smem:$0x3FAB] =	sst s1  }
0xa: {  	[smem:$0x3FAC] =	sst s2  }
0xb: {  	[smem:$0x3FAD] =	sst s3  }
0xc: {  	[smem:$0x3FAE] =	sst s4  }
0xd: {  	[smem:$0x3FAF] =	sst s5  }
0xe: {  	[smem:$0x3FB0] =	sst s6  }
0xf: {  	[smem:$0x3FB1] =	sst s7  }
0x10: {  	[smem:$0x3FB2] =	sst s8  }
0x11: {  	[smem:$0x3FB3] =	sst s9;
	s0 =	simm.s32 @!p0 $0x0  }
0x12: {  	s1 =	sld [smem:$0x3F99];
	s0 =	simm.s32 @p0 $0x1  }
0x13: {  	[smem:$0x3FB4] =	sst s0;
	s0 =	simm.s32 @!p1 $0x0  }
0x14: {  	s2 =	sld [smem:$0x3F98];
	s0 =	simm.s32 @p1 $0x1  }
0x15: {  	[smem:$0x3FB5] =	sst s0;
	s0 =	simm.s32 @!p2 $0x0  }
0x16: {  	s3 =	sld [smem:$0x3FDB];
	s0 =	simm.s32 @p2 $0x1  }
0x17: {  	s4 =	simm.s32 $0x1BF5;
	[smem:$0x3FB7] =	sst s0  }
0x18: {  	s0 =	sld [smem:$0x3F9A];
	_ =	swait.ge [sflag:s4], $0x0  }
0x19: {  	s7 =	sld [smem:$0x3F9B]  }
0x1a: {  	s8 =	sadd.s32 $0xFFFFE003, lr  }
0x1b: {  	s9 =	sadd.s32 $0xFFFFFEF7, lr;
	s5 =	simm.s32 $0xFFFFFFFF;
	p2 =	slt.u32 s8, $0xFFFFF086  }
0x1c: {  	p1 =	slt.u32 s9, $0xF7A;
	s5 =	simm.s32 @!p2 $0x0  }
0x1d: {  	s5 =	simm.s32 @p1 $0x1;
	p0 =	seq.s32 s7, s2  }
0x1e: {  	s7 =	smul.u32 @!p0 $0xF7A, s2;
	p2 =	seq.s32 @!p0 s5, $0x0  }
0x1f: {  	s9 =	smul.u32 $0xF7A, s1;
	s8 =	simm.s32 @!p0 $0x1BF5;
	p2 =	por !p2, p0  }
0x20: {  	[sflag:s8] =	ssyncset.s32 @!p0 $0xFFFFF086;
	s6 =	sadd.s32 @!p0 s3, s7;
	s7 =	simm.s32 @!p0 $0x108  }
0x21: {  	s3 =	sadd.s32 s3, s9;
	s6 =	sadd.s32 @!p0 $0x88, s6;
	s7 =	simm.s32 @p2 $0x1082  }
0x22: {  	[simem:s7], [sflag:s8] =	dma.local @!p0 [hbm:s6], $0xF7A  }
0x23: {  	s9 =	sor.u32 $0xD0000000, s2;
	s6 =	simm.s32 $0x108;
	_ =	swait.ge @!p0 [sflag:s8], $0x0  }
0x24: {  	s3 =	sadd.s32 $0x88, s3;
	s6 =	simm.s32 @!p1 $0x1082;
	[sflag:s4] =	ssyncset.s32 $0xFFFFF086  }
0x25: {  	[simem:s6], [sflag:s4] =	dma.local [hbm:s3], $0xF7A  }
0x26: {  	[smem:$0x3F9B] =	sst s1;
	(tag) =	ssettag s2;
	_ =	strace s9  }
0x27: {  	s1 =	sld [smem:$0x3FAB]  }
0x28: {  	s2 =	sld [smem:$0x3FAC]  }
0x29: {  	s4 =	sld [smem:$0x3FAE]  }
0x2a: {  	p0 =	seq.s32 s5, $0x0;
	s5 =	sld [smem:$0x3FAF]  }
0x2b: {  	s6 =	sld [smem:$0x3FB0]  }
0x2c: {  	s7 =	sld [smem:$0x3FB1]  }
0x2d: {  	s3 =	simm.s32 $0x108;
	s8 =	sld [smem:$0x3FB2]  }
0x2e: {  	s3 =	simm.s32 @!p0 $0x1082;
	s9 =	sld [smem:$0x3FB3]  }
0x2f: {  	lr =	sadd.s32 s0, s3;
	s0 =	sld [smem:$0x3FAA]  }
0x30: {  	s3 =	sld [smem:$0x3FAD]  }
0x31: {  	[smem:$0x3FB6] =	sst s10  }
0x32: {  	s10 =	sld [smem:$0x3FB4];
	_ =	sdelay $0x3  }
0x33: {  	p0 =	seq.s32 s10, $0x1;
	s10 =	sld [smem:$0x3FB6];
	_ =	sdelay $0x3  }
0x34: {  	[smem:$0x3FB6] =	sst s10  }
0x35: {  	s10 =	sld [smem:$0x3FB5];
	_ =	sdelay $0x3  }
0x36: {  	p1 =	seq.s32 s10, $0x1;
	s10 =	sld [smem:$0x3FB6];
	_ =	sdelay $0x3  }
0x37: {  	[smem:$0x3FB6] =	sst s10  }
0x38: {  	s10 =	sld [smem:$0x3FB7]  }
0x39: {  	_ = 	snop;
	(pc) =	sbr.ind lr, $3  }
0x3a: {  	_ = 	snop  }
0x3b: {  	_ = 	snop  }
0x3c: {  	p2 =	seq.s32 s10, $0x1;
	s10 =	sld [smem:$0x3FB6]  }
0x3d: {  	_ =	shalt  }
0x3e: {  	_ =	shalt  }
0x3f: {  	_ =	shalt  }
0x40: {  	_ =	shalt  }
0x41: {  	_ =	shalt  }
0x42: {  	_ =	shalt  }
0x43: {  	_ =	shalt  }
0x44: {  	_ =	shalt  }
0x45: {  	_ =	shalt  }
0x46: {  	_ =	shalt  }
0x47: {  	_ =	shalt  }
0x48: {  	_ =	shalt  }
0x49: {  	_ =	shalt  }
0x4a: {  	_ =	shalt  }
0x4b: {  	_ =	shalt  }
0x4c: {  	_ =	shalt  }
0x4d: {  	_ =	shalt  }
0x4e: {  	_ =	shalt  }
0x4f: {  	_ =	shalt  }
0x50: {  	_ =	shalt  }
0x51: {  	_ =	shalt  }
0x52: {  	_ =	shalt  }
0x53: {  	_ =	shalt  }
0x54: {  	_ =	shalt  }
0x55: {  	_ =	shalt  }
0x56: {  	_ =	shalt  }
0x57: {  	_ =	shalt  }
0x58: {  	_ =	shalt  }
0x59: {  	_ =	shalt  }
0x5a: {  	_ =	shalt  }
0x5b: {  	_ =	shalt  }
0x5c: {  	_ =	shalt  }
0x5d: {  	_ =	shalt  }
0x5e: {  	_ =	shalt  }
0x5f: {  	_ =	shalt  }
0x60: {  	_ =	shalt  }
0x61: {  	_ =	shalt  }
0x62: {  	_ =	shalt  }
0x63: {  	_ =	shalt  }
0x64: {  	_ =	shalt  }
0x65: {  	_ =	shalt  }
0x66: {  	_ =	shalt  }
0x67: {  	_ =	shalt  }
0x68: {  	_ =	shalt  }
0x69: {  	_ =	shalt  }
0x6a: {  	_ =	shalt  }
0x6b: {  	_ =	shalt  }
0x6c: {  	_ =	shalt  }
0x6d: {  	_ =	shalt  }
0x6e: {  	_ =	shalt  }
0x6f: {  	_ =	shalt  }
0x70: {  	_ =	shalt  }
0x71: {  	_ =	shalt  }
0x72: {  	_ =	shalt  }
0x73: {  	_ =	shalt  }
0x74: {  	_ =	shalt  }
0x75: {  	_ =	shalt  }
0x76: {  	_ =	shalt  }
0x77: {  	_ =	shalt  }
0x78: {  	_ =	shalt  }
0x79: {  	_ =	shalt  }
0x7a: {  	_ =	shalt  }
0x7b: {  	_ =	shalt  }
0x7c: {  	_ =	shalt  }
0x7d: {  	_ =	shalt  }
0x7e: {  	_ =	shalt  }
0x7f: {  	_ =	shalt  }
0x80: {  	_ =	shalt  }
0x81: {  	_ =	shalt  }
0x82: {  	_ =	shalt  }
0x83: {  	_ =	shalt  }
0x84: {  	_ =	shalt  }
0x85: {  	_ =	shalt  }
0x86: {  	_ =	shalt  }
0x87: {  	_ =	shalt  }
.Lfunc_end0:
.L_simem_size_0:
called_computation_lowered:
.L_overlay_start_0:
0x88: {  	s2 =	sld [smem:$0x3FD9]  }
0x89: {  	s3 =	sld [smem:$0x3FFE];
	_ =	sdelay $0x1  }
0x8a: {  	s1 =	srdreg.scid  }
0x8b: {  	s0 =	sand.u32 $0x1, s1  }
0x8c: {  	s17 =	sshll.u32 s0, $0xA;
	s2 =	sadd.s32 s3, s2  }
0x8d: {  	s2 =	sadd.s32 s2, s17  }
0x8e: {  	[smem:$0x3FC2] =	sst s2  }
0x8f: {  	_ = 	snop  }
0x90: {  	s2 =	sld [smem:$0x3FD0];
	(tm) =	ssettm $0x1  }
0x91: {  	s18 =	sld [smem:$0x3FFB];
	_ =	sdelay $0x3  }
0x92: {  	_ =	strace s18  }
0x93: {  	s3 =	sld [smem:$0x3FFC];
	_ =	sdelay $0x3  }
0x94: {  	_ =	strace s3  }
0x95: {  	s3 =	sld [smem:$0x3FFD];
	_ =	sdelay $0x3  }
0x96: {  	_ =	strace s3  }
0x97: {  	_ =	strace $0x8FFFFFFF  }
0x98: {  	s19 =	sld [smem:$0x3FDB];
	_ =	sdelay $0x1  }
0x99: {  	s4 =	simm.s32 $_scs_section_size  }
0x9a: {  	s5 =	simm.s32 $_size__tile_overlayer_lowered;
	s6 =	simm.s32 $_tile_overlayer_lowered  }
0x9b: {  	s22 =	simm.s32 $0x1BFF;
	s21 =	sshll.u32 s6, $0x1;
	s3 =	sadd.s32 s4, s19  }
0x9c: {  	s7 =	simm.s32 $0x0;
	s20 =	sshll.u32 s5, $0x1;
	s5 =	sadd.s32 s21, s3  }
0x9d: {  	[timem:s7], [sflag:s22] =	dma.local [hbm:s5], s20  }
0x9e: {  	_ =	swait.ge [sflag:s22], s20  }
0x9f: {  	s4 =	ssub.s32 $0x0, s20;
	[sflag:s22] =	ssyncset.done $0x0  }
0xa0: {  	[sflag:s22] =	ssyncadd.s32 s4;
	_ =	sdelay $0x1  }
0xa1: {  	s23 =	simm.s32 $0x1B8B  }
0xa2: {  	_ =	swait.ge [sflag:s23], $0x1  }
0xa3: {  	[sflag:s23] =	ssyncset.done $0x0  }
0xa4: {  	s25 =	simm.s32 $0x1B8E;
	s24 =	sld [smem:$0x3FFE];
	[sflag:s23] =	ssyncadd.s32 $0xFFFFFFFF  }
0xa5: {  	s26 =	simm.s32 $execute0_lowered;
	[smem:$0x3FD2] =	sst s25  }
0xa6: {  	s5 =	sshll.u32 s26, $0x1;
	_ =	strace $0x80000046;
	[dreg:$0x1] =	wrdreg $0xFFFFFFFF  }
0xa7: {  	s28 =	simm.s32 $_size_execute0_lowered;
	s3 =	sadd.s32 s3, s5;
	[dreg:$0x0] =	wrdreg $0x0  }
0xa8: {  	s5 =	sshll.u32 s28, $0x1;
	[dreg:$0x2] =	wrdreg s3  }
0xa9: {  	[dreg:$0x3] =	wrdreg s5  }
0xaa: {  	[dreg:$0x4] =	wrdreg $0xC0  }
0xab: {  	_ =	task [dreg:s7], $0x5FFFF  }
0xac: {  	[dreg:$0x1] =	wrdreg $0xFFFFFFFF  }
0xad: {  	[dreg:$0x0] =	wrdreg $0x60  }
0xae: {  	[dreg:$0x2] =	wrdreg s24  }
0xaf: {  	[dreg:$0x3] =	wrdreg s2  }
0xb0: {  	[dreg:$0x4] =	wrdreg $0x1C000  }
0xb1: {  	[dreg:$0x5] =	wrdreg $0x9  }
0xb2: {  	_ =	task.clear_ibuf [dreg:s7], $0x6FFFF;
	_ =	strace $0x90000046  }
0xb3: {  	s29 =	simm.s32 $0x9;
	_ =	strace $0x80000048  }
0xb4: {  	_ =	swait.ge [sflag:s29], $0x1  }
0xb5: {  	[sflag:s29] =	ssyncadd.s32 $0xFFFFFFFF  }
0xb6: {  	_ =	strace $0x90000048  }
0xb7: {  	_ =	sfence  }
0xb8: {  	s30 =	sld [smem:$0x0];
	_ =	sdelay $0x2  }
0xb9: {  	s31 =	sshll.u32 s1, $0xD;
	s1 =	sshrl.u32 s1, $0x2  }
0xba: {  	s3 =	sand.u32 $0x4000, s31;
	s1 =	sadd.s32 s1, s30  }
0xbb: {  	s0 =	sor.u32 s3, s0;
	s1 =	sshll.u32 s1, $0x11  }
0xbc: {  	s0 =	sor.u32 s1, s0  }
0xbd: {  	s0 =	sadd.s32 $0x8F2B, s0  }
0xbe: {  	[sflag:s0] =	ssyncadd.remote.s32 $0x1  }
0xbf: {  	_ =	sfence.sel $0xFFFF  }
0xc0: {  	[dreg:$0x0] =	wrdreg $0xFFFFFFFF;
	(pc) =	sbr.abs _section_cstart, $3  }
0xc1: {  	[dreg:$0x1] =	wrdreg $0xFFFFFFFF  }
0xc2: {  	_ =	task.clear_ibuf [dreg:s7], $0x2FFFF;
	_ =	strace $0x9FFFFFFF  }
0xc3: {  	(tm) =	ssettm $0x7FFFFFFF  }
tec
execute0_lowered:
.L_overlay_start_1:
0x0: {  	(tag) =	ssettag $0x1  }
0x1: {  	s0 =	rddreg [dreg:$0x0]  }
0x2: {  	s2 =	rddreg [dreg:$0x1]  }
0x3: {  	s3 =	rddreg [dreg:$0x2]  }
0x4: {  	s14 =	rddreg [dreg:$0x3]  }
0x5: {  	s30 =	simm.s32 $0x0;
	[dreg:$0x5] =	wrdreg s2  }
0x6: {  	[smem:$0x7FF] =	sst s30;
	s24 =	sadd.s32 $0xC800, s0  }
0x7: {  	s5 =	simm.s32 $0x180;
	_ =	strace $0x80000047;
	[dreg:$0x4] =	wrdreg s24  }
0x8: {  	s6 =	simm.s32 $0x200;
	[dreg:$0x9] =	wrdreg s5  }
0x9: {  	s7 =	simm.s32 $0x280;
	[dreg:$0xa] =	wrdreg s6  }
0xa: {  	s1 =	srdreg.scid;
	s8 =	simm.s32 $0x300;
	[dreg:$0xb] =	wrdreg s7  }
0xb: {  	s13 =	stileid.u32;
	s9 =	simm.s32 $0x380;
	[dreg:$0xc] =	wrdreg s8  }
0xc: {  	s10 =	simm.s32 $0x400;
	s11 =	simm.s32 $0x480;
	[dreg:$0xd] =	wrdreg s9  }
0xd: {  	s12 =	simm.s32 $0x500;
	s16 =	simm.s32 $0x580;
	[dreg:$0xe] =	wrdreg s10  }
0xe: {  	s17 =	simm.s32 $0x600;
	s18 =	simm.s32 $0x680;
	[dreg:$0xf] =	wrdreg s11  }
0xf: {  	s19 =	simm.s32 $0x700;
	s20 =	simm.s32 $0x780;
	[dreg:$0x10] =	wrdreg s12  }
0x10: {  	s21 =	simm.s32 $0x800;
	s22 =	simm.s32 $0x880;
	[dreg:$0x11] =	wrdreg s16  }
0x11: {  	s28 =	simm.s32 $0xD00;
	s29 =	simm.s32 $0xD80;
	[dreg:$0x12] =	wrdreg s17  }
0x12: {  	p0 =	por $0x0, $0x0;
	s1 =	sand.u32 $0x1, s1;
	[dreg:$0x13] =	wrdreg s18  }
0x13: {  	s23 =	smul.u32 $0x1400, s13;
	s31 =	sshll.u32 s13, $0x6;
	[dreg:$0x14] =	wrdreg s19  }
0x14: {  	s4 =	smul.u32 $0x14000, s1;
	s26 =	sor.u32 $0x1C03, s31;
	[dreg:$0x15] =	wrdreg s20  }
0x15: {  	s5 =	smul.u32 $0x5000, s1;
	s1 =	ssub.s32 $0x2, s1;
	[dreg:$0x16] =	wrdreg s21  }
0x16: {  	s6 =	smul.u32 $0x2800, s13;
	[dreg:$0x17] =	wrdreg s22;
	s24 =	simm.s32 $0x980  }
0x17: {  	s8 =	simm.s32 $0xA00;
	s9 =	simm.s32 $0x1;
	s10 =	simm.s32 $0x80  }
0x18: {  	s12 =	simm.s32 $0xB80;
	s21 =	simm.s32 $0xE00;
	s22 =	simm.s32 $0xE80  }
0x19: {  	s17 =	simm.s32 $0x1000;
	s18 =	simm.s32 $0x1080;
	[dreg:$0x7] =	wrdreg s26  }
0x1a: {  	s19 =	simm.s32 $0x1100;
	s20 =	simm.s32 $0x1180;
	[dreg:$0x19] =	wrdreg s24  }
0x1b: {  	s16 =	simm.s32 $0x1380;
	s15 =	sshrl.u32 s1, $0x1;
	[dreg:$0x1a] =	wrdreg s8  }
0x1c: {  	s26 =	simm.s32 $0xB00;
	s8 =	simm.s32 $0x4;
	[dreg:$0x1d] =	wrdreg s12  }
0x1d: {  	s24 =	simm.s32 $0xF80;
	s12 =	simm.s32 $0x5;
	s2 =	sadd.s32 s23, s4  }
0x1e: {  	s1 =	ssub.s32 s1, s15;
	s7 =	sadd.s32 s6, s3;
	s11 =	sshrl.u32 s6, $0x3  }
0x1f: {  	s23 =	simm.s32 $0x900;
	s6 =	simm.s32 $0x2;
	[dreg:$0x1c] =	wrdreg s26  }
0x20: {  	s26 =	simm.s32 $0xC80;
	s15 =	simm.s32 $0x1300;
	s2 =	sshrl.u32 s2, $0x3  }
0x21: {  	s1 =	smax.u32 s1, $0x1;
	s4 =	sshrl.u32 s7, $0x3;
	[dreg:$0x18] =	wrdreg s23  }
0x22: {  	s7 =	simm.s32 $0x3;
	s2 =	sadd.s32 s2, s0;
	p1 =	sne.s32 s1, $0x1  }
.Ltmp0:
0x23: {  	s23 =	simm.s32 $0xF00;
	s25 =	sadd.s32 $0x2800, s2;
	(pc) =	sbr.rel @!p1 .LBB2_5-.Ltmp0, $4  }
0x24: {  	s0 =	sadd.s32 s5, s0;
	s2 =	simm.s32 $0x100;
	[dreg:$0x6] =	wrdreg s25  }
0x25: {  	s5 =	simm.s32 $0x1400;
	s0 =	sadd.s32 $0xCA00, s0;
	[dreg:$0x8] =	wrdreg s2  }
0x26: {  	s25 =	simm.s32 $0xA80;
	s11 =	sadd.s32 s11, s0;
	s0 =	rddreg [dreg:$0x7]  }
0x27: {  	s1 =	sadd.s32 $0xFFFFFFFF, s1;
	[dreg:$0x1b] =	wrdreg s25;
	s25 =	simm.s32 $0xC00  }
0x28: {  	s13 =	smov.u32 s31;
	s31 =	rddreg [dreg:$0x6]  }
0x29: {  	s2 =	rddreg [dreg:$0x4]  }
0x2a: {  	[tilespmem:s30], [sflag:$0x1] =	stream.linear.gather [hbm4b:s31+s30], $0x1400, $0x38;
	[tilespmem:$0x4400] =	vst v63  }
0x2b: {  	s31 =	rddreg [dreg:$0x5]  }
0x2c: {  	[tilespmem:s5], [sflag:$0x2] =	stream.linear.gather [hbm4b:s2+s30], $0x800, $0x38;
	[tilespmem:$0x4400] =	vst v63  }
0x2d: {  	[spmem:s4], [sflag:s0] =	dma.local [hbm:s31], $0x500  }
0x2e: {  	_ =	swait.ge [sflag:s6], $0x800  }
0x2f: {  	[sflag:s6] =	ssyncset.done $0x0  }
0x30: {  	[sflag:s6] =	ssyncadd.s32 $0xFFFFF800  }
0x31: {  	_ =	swait.ge [sflag:s7], $0x500  }
0x32: {  	[sflag:s7] =	ssyncset.done $0x0  }
0x33: {  	[sflag:s7] =	ssyncadd.s32 $0xFFFFFB00  }
0x34: {  	[bflag:$0x0] =	sbarrier.arrive $0xFFFF  }
0x35: {  	_ =	swait.ge [sflag:s9], $0x1400  }
0x36: {  	[sflag:s9] =	ssyncset.done $0x0  }
0x37: {  	[sflag:s9] =	ssyncadd.s32 $0xFFFFEC00  }
0x38: {  	[spmem:s3] =	stream.indirect.scatter.add.f32 [tilespmem:s5], [sflag:$0x1], $0x10, s30, s10, $0xb8;
	[tilespmem:$0x4400] =	vst v63  }
0x39: {  	_ = 	snop  }
0x3a: {  	[spmem:s3] =	stream.indirect.scatter.add.f32 [tilespmem:s5], [sflag:$0x2], $0x10, s10, s10, $0xb8;
	[tilespmem:$0x4400] =	vst v63  }
0x3b: {  	s2 =	rddreg [dreg:$0x8]  }
0x3c: {  	[spmem:s3] =	stream.indirect.scatter.add.f32 [tilespmem:s5], [sflag:$0x3], $0x10, s2, s10, $0xb8;
	[tilespmem:$0x4400] =	vst v63  }
0x3d: {  	s14 =	rddreg [dreg:$0x9]  }
0x3e: {  	[spmem:s3] =	stream.indirect.scatter.add.f32 [tilespmem:s5], [sflag:$0x4], $0x10, s14, s10, $0xb8;
	[tilespmem:$0x4400] =	vst v63  }
0x3f: {  	_ =	swait.ge [sflag:s9], $0x800  }
0x40: {  	[sflag:s9] =	ssyncset.done $0x0  }
0x41: {  	[sflag:s9] =	ssyncadd.s32 $0xFFFFF800  }
0x42: {  	_ =	swait.ge [sflag:s6], $0x800  }
0x43: {  	[sflag:s6] =	ssyncset.done $0x0  }
0x44: {  	[sflag:s6] =	ssyncadd.s32 $0xFFFFF800  }
0x45: {  	_ =	swait.ge [sflag:s7], $0x800  }
0x46: {  	[sflag:s7] =	ssyncset.done $0x0  }
0x47: {  	[sflag:s7] =	ssyncadd.s32 $0xFFFFF800  }
0x48: {  	_ =	swait.ge [sflag:s8], $0x800  }
0x49: {  	[sflag:s8] =	ssyncset.done $0x0  }
0x4a: {  	s2 =	rddreg [dreg:$0xa];
	[sflag:s8] =	ssyncadd.s32 $0xFFFFF800  }
0x4b: {  	[spmem:s3] =	stream.indirect.scatter.add.f32 [tilespmem:s5], [sflag:$0x1], $0x10, s2, s10, $0xb8;
	[tilespmem:$0x4400] =	vst v63  }
0x4c: {  	s14 =	rddreg [dreg:$0xb]  }
0x4d: {  	[spmem:s3] =	stream.indirect.scatter.add.f32 [tilespmem:s5], [sflag:$0x2], $0x10, s14, s10, $0xb8;
	[tilespmem:$0x4400] =	vst v63  }
0x4e: {  	s0 =	rddreg [dreg:$0xc]  }
0x4f: {  	[spmem:s3] =	stream.indirect.scatter.add.f32 [tilespmem:s5], [sflag:$0x3], $0x10, s0, s10, $0xb8;
	[tilespmem:$0x4400] =	vst v63  }
0x50: {  	s14 =	rddreg [dreg:$0xd]  }
0x51: {  	[spmem:s3] =	stream.indirect.scatter.add.f32 [tilespmem:s5], [sflag:$0x4], $0x10, s14, s10, $0xb8;
	[tilespmem:$0x4400] =	vst v63  }
0x52: {  	_ =	swait.ge [sflag:s9], $0x800  }
0x53: {  	[sflag:s9] =	ssyncset.done $0x0  }
0x54: {  	[sflag:s9] =	ssyncadd.s32 $0xFFFFF800  }
0x55: {  	_ =	swait.ge [sflag:s6], $0x800  }
0x56: {  	[sflag:s6] =	ssyncset.done $0x0  }
0x57: {  	[sflag:s6] =	ssyncadd.s32 $0xFFFFF800  }
0x58: {  	_ =	swait.ge [sflag:s7], $0x800  }
0x59: {  	[sflag:s7] =	ssyncset.done $0x0  }
0x5a: {  	[sflag:s7] =	ssyncadd.s32 $0xFFFFF800  }
0x5b: {  	_ =	swait.ge [sflag:s8], $0x800  }
0x5c: {  	[sflag:s8] =	ssyncset.done $0x0  }
0x5d: {  	s2 =	rddreg [dreg:$0xe];
	[sflag:s8] =	ssyncadd.s32 $0xFFFFF800  }
0x5e: {  	[spmem:s3] =	stream.indirect.scatter.add.f32 [tilespmem:s5], [sflag:$0x1], $0x10, s2, s10, $0xb8;
	[tilespmem:$0x4400] =	vst v63  }
0x5f: {  	s14 =	rddreg [dreg:$0xf]  }
0x60: {  	[spmem:s3] =	stream.indirect.scatter.add.f32 [tilespmem:s5], [sflag:$0x2], $0x10, s14, s10, $0xb8;
	[tilespmem:$0x4400] =	vst v63  }
0x61: {  	s0 =	rddreg [dreg:$0x10]  }
0x62: {  	[spmem:s3] =	stream.indirect.scatter.add.f32 [tilespmem:s5], [sflag:$0x3], $0x10, s0, s10, $0xb8;
	[tilespmem:$0x4400] =	vst v63  }
0x63: {  	s14 =	rddreg [dreg:$0x11]  }
0x64: {  	[spmem:s3] =	stream.indirect.scatter.add.f32 [tilespmem:s5], [sflag:$0x4], $0x10, s14, s10, $0xb8;
	[tilespmem:$0x4400] =	vst v63  }
0x65: {  	_ =	swait.ge [sflag:s9], $0x800  }
0x66: {  	[sflag:s9] =	ssyncset.done $0x0  }
0x67: {  	[sflag:s9] =	ssyncadd.s32 $0xFFFFF800  }
0x68: {  	_ =	swait.ge [sflag:s6], $0x800  }
0x69: {  	[sflag:s6] =	ssyncset.done $0x0  }
0x6a: {  	[sflag:s6] =	ssyncadd.s32 $0xFFFFF800  }
0x6b: {  	_ =	swait.ge [sflag:s7], $0x800  }
0x6c: {  	[sflag:s7] =	ssyncset.done $0x0  }
0x6d: {  	[sflag:s7] =	ssyncadd.s32 $0xFFFFF800  }
0x6e: {  	_ =	swait.ge [sflag:s8], $0x800  }
0x6f: {  	[sflag:s8] =	ssyncset.done $0x0  }
0x70: {  	s2 =	rddreg [dreg:$0x12];
	[sflag:s8] =	ssyncadd.s32 $0xFFFFF800  }
0x71: {  	[spmem:s3] =	stream.indirect.scatter.add.f32 [tilespmem:s5], [sflag:$0x1], $0x10, s2, s10, $0xb8;
	[tilespmem:$0x4400] =	vst v63  }
0x72: {  	s14 =	rddreg [dreg:$0x13]  }
0x73: {  	[spmem:s3] =	stream.indirect.scatter.add.f32 [tilespmem:s5], [sflag:$0x2], $0x10, s14, s10, $0xb8;
	[tilespmem:$0x4400] =	vst v63  }
0x74: {  	s0 =	rddreg [dreg:$0x14]  }
0x75: {  	[spmem:s3] =	stream.indirect.scatter.add.f32 [tilespmem:s5], [sflag:$0x3], $0x10, s0, s10, $0xb8;
	[tilespmem:$0x4400] =	vst v63  }
0x76: {  	s14 =	rddreg [dreg:$0x15]  }
0x77: {  	[spmem:s3] =	stream.indirect.scatter.add.f32 [tilespmem:s5], [sflag:$0x4], $0x10, s14, s10, $0xb8;
	[tilespmem:$0x4400] =	vst v63  }
0x78: {  	_ =	swait.ge [sflag:s9], $0x800  }
0x79: {  	[sflag:s9] =	ssyncset.done $0x0  }
0x7a: {  	[sflag:s9] =	ssyncadd.s32 $0xFFFFF800  }
0x7b: {  	_ =	swait.ge [sflag:s6], $0x800  }
0x7c: {  	[sflag:s6] =	ssyncset.done $0x0  }
0x7d: {  	[sflag:s6] =	ssyncadd.s32 $0xFFFFF800  }
0x7e: {  	_ =	swait.ge [sflag:s7], $0x800  }
0x7f: {  	[sflag:s7] =	ssyncset.done $0x0  }
0x80: {  	[sflag:s7] =	ssyncadd.s32 $0xFFFFF800  }
0x81: {  	_ =	swait.ge [sflag:s8], $0x800  }
0x82: {  	[sflag:s8] =	ssyncset.done $0x0  }
0x83: {  	s2 =	rddreg [dreg:$0x16];
	[sflag:s8] =	ssyncadd.s32 $0xFFFFF800  }
0x84: {  	[spmem:s3] =	stream.indirect.scatter.add.f32 [tilespmem:s5], [sflag:$0x1], $0x10, s2, s10, $0xb8;
	[tilespmem:$0x4400] =	vst v63  }
0x85: {  	s14 =	rddreg [dreg:$0x17]  }
0x86: {  	[spmem:s3] =	stream.indirect.scatter.add.f32 [tilespmem:s5], [sflag:$0x2], $0x10, s14, s10, $0xb8;
	[tilespmem:$0x4400] =	vst v63  }
0x87: {  	s0 =	rddreg [dreg:$0x18]  }
0x88: {  	[spmem:s3] =	stream.indirect.scatter.add.f32 [tilespmem:s5], [sflag:$0x3], $0x10, s0, s10, $0xb8;
	[tilespmem:$0x4400] =	vst v63  }
0x89: {  	s14 =	rddreg [dreg:$0x19]  }
0x8a: {  	[spmem:s3] =	stream.indirect.scatter.add.f32 [tilespmem:s5], [sflag:$0x4], $0x10, s14, s10, $0xb8;
	[tilespmem:$0x4400] =	vst v63  }
0x8b: {  	_ =	swait.ge [sflag:s9], $0x800  }
0x8c: {  	[sflag:s9] =	ssyncset.done $0x0  }
0x8d: {  	[sflag:s9] =	ssyncadd.s32 $0xFFFFF800  }
0x8e: {  	_ =	swait.ge [sflag:s6], $0x800  }
0x8f: {  	[sflag:s6] =	ssyncset.done $0x0  }
0x90: {  	[sflag:s6] =	ssyncadd.s32 $0xFFFFF800  }
0x91: {  	_ =	swait.ge [sflag:s7], $0x800  }
0x92: {  	[sflag:s7] =	ssyncset.done $0x0  }
0x93: {  	[sflag:s7] =	ssyncadd.s32 $0xFFFFF800  }
0x94: {  	_ =	swait.ge [sflag:s8], $0x800  }
0x95: {  	[sflag:s8] =	ssyncset.done $0x0  }
0x96: {  	s2 =	rddreg [dreg:$0x1a];
	[sflag:s8] =	ssyncadd.s32 $0xFFFFF800  }
0x97: {  	[spmem:s3] =	stream.indirect.scatter.add.f32 [tilespmem:s5], [sflag:$0x1], $0x10, s2, s10, $0xb8;
	[tilespmem:$0x4400] =	vst v63  }
0x98: {  	s14 =	rddreg [dreg:$0x1b]  }
0x99: {  	[spmem:s3] =	stream.indirect.scatter.add.f32 [tilespmem:s5], [sflag:$0x2], $0x10, s14, s10, $0xb8;
	[tilespmem:$0x4400] =	vst v63  }
0x9a: {  	s0 =	rddreg [dreg:$0x1c]  }
0x9b: {  	[spmem:s3] =	stream.indirect.scatter.add.f32 [tilespmem:s5], [sflag:$0x3], $0x10, s0, s10, $0xb8;
	[tilespmem:$0x4400] =	vst v63  }
0x9c: {  	s14 =	rddreg [dreg:$0x1d]  }
0x9d: {  	[spmem:s3] =	stream.indirect.scatter.add.f32 [tilespmem:s5], [sflag:$0x4], $0x10, s14, s10, $0xb8;
	[tilespmem:$0x4400] =	vst v63  }
0x9e: {  	_ =	swait.ge [sflag:s9], $0x800  }
0x9f: {  	[sflag:s9] =	ssyncset.done $0x0  }
0xa0: {  	[sflag:s9] =	ssyncadd.s32 $0xFFFFF800  }
0xa1: {  	_ =	swait.ge [sflag:s6], $0x800  }
0xa2: {  	[sflag:s6] =	ssyncset.done $0x0  }
0xa3: {  	[sflag:s6] =	ssyncadd.s32 $0xFFFFF800  }
0xa4: {  	_ =	swait.ge [sflag:s7], $0x800  }
0xa5: {  	[sflag:s7] =	ssyncset.done $0x0  }
0xa6: {  	[sflag:s7] =	ssyncadd.s32 $0xFFFFF800  }
0xa7: {  	_ =	swait.ge [sflag:s8], $0x800  }
0xa8: {  	[sflag:s8] =	ssyncset.done $0x0  }
0xa9: {  	[sflag:s8] =	ssyncadd.s32 $0xFFFFF800  }
0xaa: {  	[spmem:s3] =	stream.indirect.scatter.add.f32 [tilespmem:s5], [sflag:$0x1], $0x10, s25, s10, $0xb8;
	[tilespmem:$0x4400] =	vst v63  }
0xab: {  	_ = 	snop  }
0xac: {  	[spmem:s3] =	stream.indirect.scatter.add.f32 [tilespmem:s5], [sflag:$0x2], $0x10, s26, s10, $0xb8;
	[tilespmem:$0x4400] =	vst v63  }
0xad: {  	_ = 	snop  }
0xae: {  	[spmem:s3] =	stream.indirect.scatter.add.f32 [tilespmem:s5], [sflag:$0x3], $0x10, s28, s10, $0xb8;
	[tilespmem:$0x4400] =	vst v63  }
0xaf: {  	_ = 	snop  }
0xb0: {  	[spmem:s3] =	stream.indirect.scatter.add.f32 [tilespmem:s5], [sflag:$0x4], $0x10, s29, s10, $0xb8;
	[tilespmem:$0x4400] =	vst v63  }
0xb1: {  	_ =	swait.ge [sflag:s9], $0x800  }
0xb2: {  	[sflag:s9] =	ssyncset.done $0x0  }
0xb3: {  	[sflag:s9] =	ssyncadd.s32 $0xFFFFF800  }
0xb4: {  	_ =	swait.ge [sflag:s6], $0x800  }
0xb5: {  	[sflag:s6] =	ssyncset.done $0x0  }
0xb6: {  	[sflag:s6] =	ssyncadd.s32 $0xFFFFF800  }
0xb7: {  	_ =	swait.ge [sflag:s7], $0x800  }
0xb8: {  	[sflag:s7] =	ssyncset.done $0x0  }
0xb9: {  	[sflag:s7] =	ssyncadd.s32 $0xFFFFF800  }
0xba: {  	_ =	swait.ge [sflag:s8], $0x800  }
0xbb: {  	[sflag:s8] =	ssyncset.done $0x0  }
0xbc: {  	[sflag:s8] =	ssyncadd.s32 $0xFFFFF800  }
0xbd: {  	[spmem:s3] =	stream.indirect.scatter.add.f32 [tilespmem:s5], [sflag:$0x1], $0x10, s21, s10, $0xb8;
	[tilespmem:$0x4400] =	vst v63  }
0xbe: {  	_ = 	snop  }
0xbf: {  	[spmem:s3] =	stream.indirect.scatter.add.f32 [tilespmem:s5], [sflag:$0x2], $0x10, s22, s10, $0xb8;
	[tilespmem:$0x4400] =	vst v63  }
0xc0: {  	_ = 	snop  }
0xc1: {  	[spmem:s3] =	stream.indirect.scatter.add.f32 [tilespmem:s5], [sflag:$0x3], $0x10, s23, s10, $0xb8;
	[tilespmem:$0x4400] =	vst v63  }
0xc2: {  	_ = 	snop  }
0xc3: {  	[spmem:s3] =	stream.indirect.scatter.add.f32 [tilespmem:s5], [sflag:$0x4], $0x10, s24, s10, $0xb8;
	[tilespmem:$0x4400] =	vst v63  }
0xc4: {  	_ =	swait.ge [sflag:s9], $0x800  }
0xc5: {  	[sflag:s9] =	ssyncset.done $0x0  }
0xc6: {  	[sflag:s9] =	ssyncadd.s32 $0xFFFFF800  }
0xc7: {  	_ =	swait.ge [sflag:s6], $0x800  }
0xc8: {  	[sflag:s6] =	ssyncset.done $0x0  }
0xc9: {  	[sflag:s6] =	ssyncadd.s32 $0xFFFFF800  }
0xca: {  	_ =	swait.ge [sflag:s7], $0x800  }
0xcb: {  	[sflag:s7] =	ssyncset.done $0x0  }
0xcc: {  	[sflag:s7] =	ssyncadd.s32 $0xFFFFF800  }
0xcd: {  	_ =	swait.ge [sflag:s8], $0x800  }
0xce: {  	[sflag:s8] =	ssyncset.done $0x0  }
0xcf: {  	[sflag:s8] =	ssyncadd.s32 $0xFFFFF800  }
0xd0: {  	[spmem:s3] =	stream.indirect.scatter.add.f32 [tilespmem:s5], [sflag:$0x1], $0x10, s17, s10, $0xb8;
	[tilespmem:$0x4400] =	vst v63  }
0xd1: {  	_ = 	snop  }
0xd2: {  	[spmem:s3] =	stream.indirect.scatter.add.f32 [tilespmem:s5], [sflag:$0x2], $0x10, s18, s10, $0xb8;
	[tilespmem:$0x4400] =	vst v63  }
0xd3: {  	_ = 	snop  }
0xd4: {  	[spmem:s3] =	stream.indirect.scatter.add.f32 [tilespmem:s5], [sflag:$0x3], $0x10, s19, s10, $0xb8;
	[tilespmem:$0x4400] =	vst v63  }
0xd5: {  	_ = 	snop  }
0xd6: {  	[spmem:s3] =	stream.indirect.scatter.add.f32 [tilespmem:s5], [sflag:$0x4], $0x10, s20, s10, $0xb8;
	[tilespmem:$0x4400] =	vst v63  }
0xd7: {  	_ =	swait.ge [sflag:s9], $0x800  }
0xd8: {  	[sflag:s9] =	ssyncset.done $0x0  }
0xd9: {  	[sflag:s9] =	ssyncadd.s32 $0xFFFFF800  }
0xda: {  	_ =	swait.ge [sflag:s6], $0x800  }
0xdb: {  	[sflag:s6] =	ssyncset.done $0x0  }
0xdc: {  	[sflag:s6] =	ssyncadd.s32 $0xFFFFF800  }
0xdd: {  	_ =	swait.ge [sflag:s7], $0x800  }
0xde: {  	[sflag:s7] =	ssyncset.done $0x0  }
0xdf: {  	[sflag:s7] =	ssyncadd.s32 $0xFFFFF800  }
0xe0: {  	_ =	swait.ge [sflag:s8], $0x800  }
0xe1: {  	[sflag:s8] =	ssyncset.done $0x0  }
0xe2: {  	s14 =	simm.s32 $0x1200;
	[sflag:s8] =	ssyncadd.s32 $0xFFFFF800  }
0xe3: {  	[spmem:s3] =	stream.indirect.scatter.add.f32 [tilespmem:s5], [sflag:$0x1], $0x10, s14, s10, $0xb8;
	[tilespmem:$0x4400] =	vst v63  }
0xe4: {  	s2 =	simm.s32 $0x1280  }
0xe5: {  	[spmem:s3] =	stream.indirect.scatter.add.f32 [tilespmem:s5], [sflag:$0x2], $0x10, s2, s10, $0xb8;
	[tilespmem:$0x4400] =	vst v63  }
0xe6: {  	_ = 	snop  }
0xe7: {  	[spmem:s3] =	stream.indirect.scatter.add.f32 [tilespmem:s5], [sflag:$0x3], $0x10, s15, s10, $0xb8;
	[tilespmem:$0x4400] =	vst v63  }
0xe8: {  	_ = 	snop  }
0xe9: {  	[spmem:s3] =	stream.indirect.scatter.add.f32 [tilespmem:s5], [sflag:$0x4], $0x10, s16, s10, $0xb8;
	[tilespmem:$0x4400] =	vst v63  }
0xea: {  	_ =	swait.ge [sflag:s9], $0x800  }
0xeb: {  	[sflag:s9] =	ssyncset.done $0x0  }
0xec: {  	[sflag:s9] =	ssyncadd.s32 $0xFFFFF800  }
0xed: {  	_ =	swait.ge [sflag:s6], $0x800  }
0xee: {  	[sflag:s6] =	ssyncset.done $0x0  }
0xef: {  	[sflag:s6] =	ssyncadd.s32 $0xFFFFF800  }
0xf0: {  	_ =	swait.ge [sflag:s7], $0x800  }
0xf1: {  	[sflag:s7] =	ssyncset.done $0x0  }
0xf2: {  	[sflag:s7] =	ssyncadd.s32 $0xFFFFF800  }
0xf3: {  	_ =	swait.ge [sflag:s8], $0x800  }
0xf4: {  	[sflag:s8] =	ssyncset.done $0x0  }
0xf5: {  	p1 =	sne.s32 s1, $0x1;
	[sflag:s8] =	ssyncadd.s32 $0xFFFFF800  }
.Ltmp1:
0xf6: {  	[bflag:$0x0] =	sbarrier.arrive $0xFFFF;
	(pc) =	sbr.rel @!p1 .LBB2_2-.Ltmp1, $4  }
0xf7: {  	s31 =	sor.u32 $0x1C05, s13;
	[dreg:$0x1e] =	wrdreg s13  }
0xf8: {  	[hbm:s11], [sflag:s31] =	dma.local [spmem:s4], $0x500  }
0xf9: {  	s1 =	sadd.s32 $0xFFFFFFFF, s1;
	_ =	swait.ge [sflag:s12], $0x500  }
0xfa: {  	p0 =	por $0x1, $0x1;
	s0 =	rddreg [dreg:$0x7];
	[sflag:s12] =	ssyncset.done $0x0  }
.LBB2_3:
0xfb: {  	s2 =	rddreg [dreg:$0x6]  }
0xfc: {  	[sflag:s12] =	ssyncadd.s32 $0xFFFFFB00;
	s13 =	rddreg [dreg:$0x5]  }
0xfd: {  	[tilespmem:s30], [sflag:$0x1] =	stream.linear.gather [hbm4b:s2+s30], $0x1400, $0x38;
	[tilespmem:$0x4400] =	vst v63  }
0xfe: {  	s14 =	rddreg [dreg:$0x4]  }
0xff: {  	[tilespmem:s5], [sflag:$0x2] =	stream.linear.gather [hbm4b:s14+s30], $0x800, $0x38;
	[tilespmem:$0x4400] =	vst v63  }
0x100: {  	[spmem:s4], [sflag:s0] =	dma.local [hbm:s13], $0x500  }
0x101: {  	_ =	swait.ge [sflag:s6], $0x800  }
0x102: {  	[sflag:s6] =	ssyncset.done $0x0  }
0x103: {  	[sflag:s6] =	ssyncadd.s32 $0xFFFFF800  }
0x104: {  	_ =	swait.ge [sflag:s7], $0x500  }
0x105: {  	[sflag:s7] =	ssyncset.done $0x0  }
0x106: {  	[sflag:s7] =	ssyncadd.s32 $0xFFFFFB00  }
0x107: {  	[bflag:$0x0] =	sbarrier.arrive $0xFFFF  }
0x108: {  	_ =	swait.ge [sflag:s9], $0x1400  }
0x109: {  	[sflag:s9] =	ssyncset.done $0x0  }
0x10a: {  	[sflag:s9] =	ssyncadd.s32 $0xFFFFEC00  }
0x10b: {  	[spmem:s3] =	stream.indirect.scatter.add.f32 [tilespmem:s5], [sflag:$0x1], $0x10, s30, s10, $0xb8;
	[tilespmem:$0x4400] =	vst v63  }
0x10c: {  	_ = 	snop  }
0x10d: {  	[spmem:s3] =	stream.indirect.scatter.add.f32 [tilespmem:s5], [sflag:$0x2], $0x10, s10, s10, $0xb8;
	[tilespmem:$0x4400] =	vst v63  }
0x10e: {  	s13 =	rddreg [dreg:$0x8]  }
0x10f: {  	[spmem:s3] =	stream.indirect.scatter.add.f32 [tilespmem:s5], [sflag:$0x3], $0x10, s13, s10, $0xb8;
	[tilespmem:$0x4400] =	vst v63  }
0x110: {  	s14 =	rddreg [dreg:$0x9]  }
0x111: {  	[spmem:s3] =	stream.indirect.scatter.add.f32 [tilespmem:s5], [sflag:$0x4], $0x10, s14, s10, $0xb8;
	[tilespmem:$0x4400] =	vst v63  }
0x112: {  	_ =	swait.ge [sflag:s9], $0x800  }
0x113: {  	[sflag:s9] =	ssyncset.done $0x0  }
0x114: {  	[sflag:s9] =	ssyncadd.s32 $0xFFFFF800  }
0x115: {  	_ =	swait.ge [sflag:s6], $0x800  }
0x116: {  	[sflag:s6] =	ssyncset.done $0x0  }
0x117: {  	[sflag:s6] =	ssyncadd.s32 $0xFFFFF800  }
0x118: {  	_ =	swait.ge [sflag:s7], $0x800  }
0x119: {  	[sflag:s7] =	ssyncset.done $0x0  }
0x11a: {  	[sflag:s7] =	ssyncadd.s32 $0xFFFFF800  }
0x11b: {  	_ =	swait.ge [sflag:s8], $0x800  }
0x11c: {  	[sflag:s8] =	ssyncset.done $0x0  }
0x11d: {  	s13 =	rddreg [dreg:$0xa];
	[sflag:s8] =	ssyncadd.s32 $0xFFFFF800  }
0x11e: {  	[spmem:s3] =	stream.indirect.scatter.add.f32 [tilespmem:s5], [sflag:$0x1], $0x10, s13, s10, $0xb8;
	[tilespmem:$0x4400] =	vst v63  }
0x11f: {  	s14 =	rddreg [dreg:$0xb]  }
0x120: {  	[spmem:s3] =	stream.indirect.scatter.add.f32 [tilespmem:s5], [sflag:$0x2], $0x10, s14, s10, $0xb8;
	[tilespmem:$0x4400] =	vst v63  }
0x121: {  	s13 =	rddreg [dreg:$0xc]  }
0x122: {  	[spmem:s3] =	stream.indirect.scatter.add.f32 [tilespmem:s5], [sflag:$0x3], $0x10, s13, s10, $0xb8;
	[tilespmem:$0x4400] =	vst v63  }
0x123: {  	s14 =	rddreg [dreg:$0xd]  }
0x124: {  	[spmem:s3] =	stream.indirect.scatter.add.f32 [tilespmem:s5], [sflag:$0x4], $0x10, s14, s10, $0xb8;
	[tilespmem:$0x4400] =	vst v63  }
0x125: {  	_ =	swait.ge [sflag:s9], $0x800  }
0x126: {  	[sflag:s9] =	ssyncset.done $0x0  }
0x127: {  	[sflag:s9] =	ssyncadd.s32 $0xFFFFF800  }
0x128: {  	_ =	swait.ge [sflag:s6], $0x800  }
0x129: {  	[sflag:s6] =	ssyncset.done $0x0  }
0x12a: {  	[sflag:s6] =	ssyncadd.s32 $0xFFFFF800  }
0x12b: {  	_ =	swait.ge [sflag:s7], $0x800  }
0x12c: {  	[sflag:s7] =	ssyncset.done $0x0  }
0x12d: {  	[sflag:s7] =	ssyncadd.s32 $0xFFFFF800  }
0x12e: {  	_ =	swait.ge [sflag:s8], $0x800  }
0x12f: {  	[sflag:s8] =	ssyncset.done $0x0  }
0x130: {  	s13 =	rddreg [dreg:$0xe];
	[sflag:s8] =	ssyncadd.s32 $0xFFFFF800  }
0x131: {  	[spmem:s3] =	stream.indirect.scatter.add.f32 [tilespmem:s5], [sflag:$0x1], $0x10, s13, s10, $0xb8;
	[tilespmem:$0x4400] =	vst v63  }
0x132: {  	s14 =	rddreg [dreg:$0xf]  }
0x133: {  	[spmem:s3] =	stream.indirect.scatter.add.f32 [tilespmem:s5], [sflag:$0x2], $0x10, s14, s10, $0xb8;
	[tilespmem:$0x4400] =	vst v63  }
0x134: {  	s13 =	rddreg [dreg:$0x10]  }
0x135: {  	[spmem:s3] =	stream.indirect.scatter.add.f32 [tilespmem:s5], [sflag:$0x3], $0x10, s13, s10, $0xb8;
	[tilespmem:$0x4400] =	vst v63  }
0x136: {  	s14 =	rddreg [dreg:$0x11]  }
0x137: {  	[spmem:s3] =	stream.indirect.scatter.add.f32 [tilespmem:s5], [sflag:$0x4], $0x10, s14, s10, $0xb8;
	[tilespmem:$0x4400] =	vst v63  }
0x138: {  	_ =	swait.ge [sflag:s9], $0x800  }
0x139: {  	[sflag:s9] =	ssyncset.done $0x0  }
0x13a: {  	[sflag:s9] =	ssyncadd.s32 $0xFFFFF800  }
0x13b: {  	_ =	swait.ge [sflag:s6], $0x800  }
0x13c: {  	[sflag:s6] =	ssyncset.done $0x0  }
0x13d: {  	[sflag:s6] =	ssyncadd.s32 $0xFFFFF800  }
0x13e: {  	_ =	swait.ge [sflag:s7], $0x800  }
0x13f: {  	[sflag:s7] =	ssyncset.done $0x0  }
0x140: {  	[sflag:s7] =	ssyncadd.s32 $0xFFFFF800  }
0x141: {  	_ =	swait.ge [sflag:s8], $0x800  }
0x142: {  	[sflag:s8] =	ssyncset.done $0x0  }
0x143: {  	s13 =	rddreg [dreg:$0x12];
	[sflag:s8] =	ssyncadd.s32 $0xFFFFF800  }
0x144: {  	[spmem:s3] =	stream.indirect.scatter.add.f32 [tilespmem:s5], [sflag:$0x1], $0x10, s13, s10, $0xb8;
	[tilespmem:$0x4400] =	vst v63  }
0x145: {  	s14 =	rddreg [dreg:$0x13]  }
0x146: {  	[spmem:s3] =	stream.indirect.scatter.add.f32 [tilespmem:s5], [sflag:$0x2], $0x10, s14, s10, $0xb8;
	[tilespmem:$0x4400] =	vst v63  }
0x147: {  	s13 =	rddreg [dreg:$0x14]  }
0x148: {  	[spmem:s3] =	stream.indirect.scatter.add.f32 [tilespmem:s5], [sflag:$0x3], $0x10, s13, s10, $0xb8;
	[tilespmem:$0x4400] =	vst v63  }
0x149: {  	s14 =	rddreg [dreg:$0x15]  }
0x14a: {  	[spmem:s3] =	stream.indirect.scatter.add.f32 [tilespmem:s5], [sflag:$0x4], $0x10, s14, s10, $0xb8;
	[tilespmem:$0x4400] =	vst v63  }
0x14b: {  	_ =	swait.ge [sflag:s9], $0x800  }
0x14c: {  	[sflag:s9] =	ssyncset.done $0x0  }
0x14d: {  	[sflag:s9] =	ssyncadd.s32 $0xFFFFF800  }
0x14e: {  	_ =	swait.ge [sflag:s6], $0x800  }
0x14f: {  	[sflag:s6] =	ssyncset.done $0x0  }
0x150: {  	[sflag:s6] =	ssyncadd.s32 $0xFFFFF800  }
0x151: {  	_ =	swait.ge [sflag:s7], $0x800  }
0x152: {  	[sflag:s7] =	ssyncset.done $0x0  }
0x153: {  	[sflag:s7] =	ssyncadd.s32 $0xFFFFF800  }
0x154: {  	_ =	swait.ge [sflag:s8], $0x800  }
0x155: {  	[sflag:s8] =	ssyncset.done $0x0  }
0x156: {  	s13 =	rddreg [dreg:$0x16];
	[sflag:s8] =	ssyncadd.s32 $0xFFFFF800  }
0x157: {  	[spmem:s3] =	stream.indirect.scatter.add.f32 [tilespmem:s5], [sflag:$0x1], $0x10, s13, s10, $0xb8;
	[tilespmem:$0x4400] =	vst v63  }
0x158: {  	s14 =	rddreg [dreg:$0x17]  }
0x159: {  	[spmem:s3] =	stream.indirect.scatter.add.f32 [tilespmem:s5], [sflag:$0x2], $0x10, s14, s10, $0xb8;
	[tilespmem:$0x4400] =	vst v63  }
0x15a: {  	s13 =	rddreg [dreg:$0x18]  }
0x15b: {  	[spmem:s3] =	stream.indirect.scatter.add.f32 [tilespmem:s5], [sflag:$0x3], $0x10, s13, s10, $0xb8;
	[tilespmem:$0x4400] =	vst v63  }
0x15c: {  	s14 =	rddreg [dreg:$0x19]  }
0x15d: {  	[spmem:s3] =	stream.indirect.scatter.add.f32 [tilespmem:s5], [sflag:$0x4], $0x10, s14, s10, $0xb8;
	[tilespmem:$0x4400] =	vst v63  }
0x15e: {  	_ =	swait.ge [sflag:s9], $0x800  }
0x15f: {  	[sflag:s9] =	ssyncset.done $0x0  }
0x160: {  	[sflag:s9] =	ssyncadd.s32 $0xFFFFF800  }
0x161: {  	_ =	swait.ge [sflag:s6], $0x800  }
0x162: {  	[sflag:s6] =	ssyncset.done $0x0  }
0x163: {  	[sflag:s6] =	ssyncadd.s32 $0xFFFFF800  }
0x164: {  	_ =	swait.ge [sflag:s7], $0x800  }
0x165: {  	[sflag:s7] =	ssyncset.done $0x0  }
0x166: {  	[sflag:s7] =	ssyncadd.s32 $0xFFFFF800  }
0x167: {  	_ =	swait.ge [sflag:s8], $0x800  }
0x168: {  	[sflag:s8] =	ssyncset.done $0x0  }
0x169: {  	s13 =	rddreg [dreg:$0x1a];
	[sflag:s8] =	ssyncadd.s32 $0xFFFFF800  }
0x16a: {  	[spmem:s3] =	stream.indirect.scatter.add.f32 [tilespmem:s5], [sflag:$0x1], $0x10, s13, s10, $0xb8;
	[tilespmem:$0x4400] =	vst v63  }
0x16b: {  	s14 =	rddreg [dreg:$0x1b]  }
0x16c: {  	[spmem:s3] =	stream.indirect.scatter.add.f32 [tilespmem:s5], [sflag:$0x2], $0x10, s14, s10, $0xb8;
	[tilespmem:$0x4400] =	vst v63  }
0x16d: {  	s13 =	rddreg [dreg:$0x1c]  }
0x16e: {  	[spmem:s3] =	stream.indirect.scatter.add.f32 [tilespmem:s5], [sflag:$0x3], $0x10, s13, s10, $0xb8;
	[tilespmem:$0x4400] =	vst v63  }
0x16f: {  	s14 =	rddreg [dreg:$0x1d]  }
0x170: {  	[spmem:s3] =	stream.indirect.scatter.add.f32 [tilespmem:s5], [sflag:$0x4], $0x10, s14, s10, $0xb8;
	[tilespmem:$0x4400] =	vst v63  }
0x171: {  	_ =	swait.ge [sflag:s9], $0x800  }
0x172: {  	[sflag:s9] =	ssyncset.done $0x0  }
0x173: {  	[sflag:s9] =	ssyncadd.s32 $0xFFFFF800  }
0x174: {  	_ =	swait.ge [sflag:s6], $0x800  }
0x175: {  	[sflag:s6] =	ssyncset.done $0x0  }
0x176: {  	[sflag:s6] =	ssyncadd.s32 $0xFFFFF800  }
0x177: {  	_ =	swait.ge [sflag:s7], $0x800  }
0x178: {  	[sflag:s7] =	ssyncset.done $0x0  }
0x179: {  	[sflag:s7] =	ssyncadd.s32 $0xFFFFF800  }
0x17a: {  	_ =	swait.ge [sflag:s8], $0x800  }
0x17b: {  	[sflag:s8] =	ssyncset.done $0x0  }
0x17c: {  	[sflag:s8] =	ssyncadd.s32 $0xFFFFF800  }
0x17d: {  	[spmem:s3] =	stream.indirect.scatter.add.f32 [tilespmem:s5], [sflag:$0x1], $0x10, s25, s10, $0xb8;
	[tilespmem:$0x4400] =	vst v63  }
0x17e: {  	_ = 	snop  }
0x17f: {  	[spmem:s3] =	stream.indirect.scatter.add.f32 [tilespmem:s5], [sflag:$0x2], $0x10, s26, s10, $0xb8;
	[tilespmem:$0x4400] =	vst v63  }
0x180: {  	_ = 	snop  }
0x181: {  	[spmem:s3] =	stream.indirect.scatter.add.f32 [tilespmem:s5], [sflag:$0x3], $0x10, s28, s10, $0xb8;
	[tilespmem:$0x4400] =	vst v63  }
0x182: {  	_ = 	snop  }
0x183: {  	[spmem:s3] =	stream.indirect.scatter.add.f32 [tilespmem:s5], [sflag:$0x4], $0x10, s29, s10, $0xb8;
	[tilespmem:$0x4400] =	vst v63  }
0x184: {  	_ =	swait.ge [sflag:s9], $0x800  }
0x185: {  	[sflag:s9] =	ssyncset.done $0x0  }
0x186: {  	[sflag:s9] =	ssyncadd.s32 $0xFFFFF800  }
0x187: {  	_ =	swait.ge [sflag:s6], $0x800  }
0x188: {  	[sflag:s6] =	ssyncset.done $0x0  }
0x189: {  	[sflag:s6] =	ssyncadd.s32 $0xFFFFF800  }
0x18a: {  	_ =	swait.ge [sflag:s7], $0x800  }
0x18b: {  	[sflag:s7] =	ssyncset.done $0x0  }
0x18c: {  	[sflag:s7] =	ssyncadd.s32 $0xFFFFF800  }
0x18d: {  	_ =	swait.ge [sflag:s8], $0x800  }
0x18e: {  	[sflag:s8] =	ssyncset.done $0x0  }
0x18f: {  	[sflag:s8] =	ssyncadd.s32 $0xFFFFF800  }
0x190: {  	[spmem:s3] =	stream.indirect.scatter.add.f32 [tilespmem:s5], [sflag:$0x1], $0x10, s21, s10, $0xb8;
	[tilespmem:$0x4400] =	vst v63  }
0x191: {  	_ = 	snop  }
0x192: {  	[spmem:s3] =	stream.indirect.scatter.add.f32 [tilespmem:s5], [sflag:$0x2], $0x10, s22, s10, $0xb8;
	[tilespmem:$0x4400] =	vst v63  }
0x193: {  	_ = 	snop  }
0x194: {  	[spmem:s3] =	stream.indirect.scatter.add.f32 [tilespmem:s5], [sflag:$0x3], $0x10, s23, s10, $0xb8;
	[tilespmem:$0x4400] =	vst v63  }
0x195: {  	_ = 	snop  }
0x196: {  	[spmem:s3] =	stream.indirect.scatter.add.f32 [tilespmem:s5], [sflag:$0x4], $0x10, s24, s10, $0xb8;
	[tilespmem:$0x4400] =	vst v63  }
0x197: {  	_ =	swait.ge [sflag:s9], $0x800  }
0x198: {  	[sflag:s9] =	ssyncset.done $0x0  }
0x199: {  	[sflag:s9] =	ssyncadd.s32 $0xFFFFF800  }
0x19a: {  	_ =	swait.ge [sflag:s6], $0x800  }
0x19b: {  	[sflag:s6] =	ssyncset.done $0x0  }
0x19c: {  	[sflag:s6] =	ssyncadd.s32 $0xFFFFF800  }
0x19d: {  	_ =	swait.ge [sflag:s7], $0x800  }
0x19e: {  	[sflag:s7] =	ssyncset.done $0x0  }
0x19f: {  	[sflag:s7] =	ssyncadd.s32 $0xFFFFF800  }
0x1a0: {  	_ =	swait.ge [sflag:s8], $0x800  }
0x1a1: {  	[sflag:s8] =	ssyncset.done $0x0  }
0x1a2: {  	[sflag:s8] =	ssyncadd.s32 $0xFFFFF800  }
0x1a3: {  	[spmem:s3] =	stream.indirect.scatter.add.f32 [tilespmem:s5], [sflag:$0x1], $0x10, s17, s10, $0xb8;
	[tilespmem:$0x4400] =	vst v63  }
0x1a4: {  	_ = 	snop  }
0x1a5: {  	[spmem:s3] =	stream.indirect.scatter.add.f32 [tilespmem:s5], [sflag:$0x2], $0x10, s18, s10, $0xb8;
	[tilespmem:$0x4400] =	vst v63  }
0x1a6: {  	_ = 	snop  }
0x1a7: {  	[spmem:s3] =	stream.indirect.scatter.add.f32 [tilespmem:s5], [sflag:$0x3], $0x10, s19, s10, $0xb8;
	[tilespmem:$0x4400] =	vst v63  }
0x1a8: {  	_ = 	snop  }
0x1a9: {  	[spmem:s3] =	stream.indirect.scatter.add.f32 [tilespmem:s5], [sflag:$0x4], $0x10, s20, s10, $0xb8;
	[tilespmem:$0x4400] =	vst v63  }
0x1aa: {  	_ =	swait.ge [sflag:s9], $0x800  }
0x1ab: {  	[sflag:s9] =	ssyncset.done $0x0  }
0x1ac: {  	[sflag:s9] =	ssyncadd.s32 $0xFFFFF800  }
0x1ad: {  	_ =	swait.ge [sflag:s6], $0x800  }
0x1ae: {  	[sflag:s6] =	ssyncset.done $0x0  }
0x1af: {  	[sflag:s6] =	ssyncadd.s32 $0xFFFFF800  }
0x1b0: {  	_ =	swait.ge [sflag:s7], $0x800  }
0x1b1: {  	[sflag:s7] =	ssyncset.done $0x0  }
0x1b2: {  	[sflag:s7] =	ssyncadd.s32 $0xFFFFF800  }
0x1b3: {  	_ =	swait.ge [sflag:s8], $0x800  }
0x1b4: {  	[sflag:s8] =	ssyncset.done $0x0  }
0x1b5: {  	s14 =	simm.s32 $0x1200;
	[sflag:s8] =	ssyncadd.s32 $0xFFFFF800  }
0x1b6: {  	[spmem:s3] =	stream.indirect.scatter.add.f32 [tilespmem:s5], [sflag:$0x1], $0x10, s14, s10, $0xb8;
	[tilespmem:$0x4400] =	vst v63  }
0x1b7: {  	s13 =	simm.s32 $0x1280  }
0x1b8: {  	[spmem:s3] =	stream.indirect.scatter.add.f32 [tilespmem:s5], [sflag:$0x2], $0x10, s13, s10, $0xb8;
	[tilespmem:$0x4400] =	vst v63  }
0x1b9: {  	_ = 	snop  }
0x1ba: {  	[spmem:s3] =	stream.indirect.scatter.add.f32 [tilespmem:s5], [sflag:$0x3], $0x10, s15, s10, $0xb8;
	[tilespmem:$0x4400] =	vst v63  }
0x1bb: {  	_ = 	snop  }
0x1bc: {  	[spmem:s3] =	stream.indirect.scatter.add.f32 [tilespmem:s5], [sflag:$0x4], $0x10, s16, s10, $0xb8;
	[tilespmem:$0x4400] =	vst v63  }
0x1bd: {  	_ =	swait.ge [sflag:s9], $0x800  }
0x1be: {  	[sflag:s9] =	ssyncset.done $0x0  }
0x1bf: {  	[sflag:s9] =	ssyncadd.s32 $0xFFFFF800  }
0x1c0: {  	_ =	swait.ge [sflag:s6], $0x800  }
0x1c1: {  	[sflag:s6] =	ssyncset.done $0x0  }
0x1c2: {  	[sflag:s6] =	ssyncadd.s32 $0xFFFFF800  }
0x1c3: {  	_ =	swait.ge [sflag:s7], $0x800  }
0x1c4: {  	[sflag:s7] =	ssyncset.done $0x0  }
0x1c5: {  	[sflag:s7] =	ssyncadd.s32 $0xFFFFF800  }
0x1c6: {  	_ =	swait.ge [sflag:s8], $0x800  }
0x1c7: {  	p1 =	sne.s32 s1, $0x1;
	[sflag:s8] =	ssyncset.done $0x0  }
.Ltmp2:
0x1c8: {  	[sflag:s8] =	ssyncadd.s32 $0xFFFFF800;
	(pc) =	sbr.rel @p1 .LBB2_3-.Ltmp2, $4  }
0x1c9: {  	[bflag:$0x0] =	sbarrier.arrive $0xFFFF  }
0x1ca: {  	[hbm:s11], [sflag:s31] =	dma.local [spmem:s4], $0x500  }
0x1cb: {  	_ =	swait.ge [sflag:s12], $0x500  }
0x1cc: {  	s1 =	sadd.s32 $0xFFFFFFFF, s1;
	s0 =	rddreg [dreg:$0x7];
	[sflag:s12] =	ssyncset.done $0x0  }
0x1cd: {  	s14 =	rddreg [dreg:$0x3]  }
0x1ce: {  	s13 =	stileid.u32;
	s31 =	rddreg [dreg:$0x1e]  }
.LBB2_5:
0x1cf: {  	s1 =	rddreg [dreg:$0x6]  }
0x1d0: {  	[sflag:s12] =	ssyncadd.s32 @p0 $0xFFFFFB00;
	s2 =	rddreg [dreg:$0x5]  }
0x1d1: {  	[tilespmem:s30], [sflag:$0x1] =	stream.linear.gather [hbm4b:s1+s30], $0x1400, $0x38;
	[tilespmem:$0x4400] =	vst v63  }
0x1d2: {  	s1 =	rddreg [dreg:$0x4]  }
0x1d3: {  	[tilespmem:s5], [sflag:$0x2] =	stream.linear.gather [hbm4b:s1+s30], $0x800, $0x38;
	[tilespmem:$0x4400] =	vst v63  }
0x1d4: {  	[spmem:s4], [sflag:s0] =	dma.local [hbm:s2], $0x500  }
0x1d5: {  	_ =	swait.ge [sflag:s6], $0x800  }
0x1d6: {  	[sflag:s6] =	ssyncset.done $0x0  }
0x1d7: {  	[sflag:s6] =	ssyncadd.s32 $0xFFFFF800  }
0x1d8: {  	_ =	swait.ge [sflag:s7], $0x500  }
0x1d9: {  	[sflag:s7] =	ssyncset.done $0x0  }
0x1da: {  	[sflag:s7] =	ssyncadd.s32 $0xFFFFFB00  }
0x1db: {  	[bflag:$0x0] =	sbarrier.arrive $0xFFFF  }
0x1dc: {  	_ =	swait.ge [sflag:s9], $0x1400  }
0x1dd: {  	[sflag:s9] =	ssyncset.done $0x0  }
0x1de: {  	[sflag:s9] =	ssyncadd.s32 $0xFFFFEC00  }
0x1df: {  	[spmem:s3] =	stream.indirect.scatter.add.f32 [tilespmem:s5], [sflag:$0x1], $0x10, s30, s10, $0xb8;
	[tilespmem:$0x4400] =	vst v63  }
0x1e0: {  	_ = 	snop  }
0x1e1: {  	[spmem:s3] =	stream.indirect.scatter.add.f32 [tilespmem:s5], [sflag:$0x2], $0x10, s10, s10, $0xb8;
	[tilespmem:$0x4400] =	vst v63  }
0x1e2: {  	s2 =	rddreg [dreg:$0x8]  }
0x1e3: {  	[spmem:s3] =	stream.indirect.scatter.add.f32 [tilespmem:s5], [sflag:$0x3], $0x10, s2, s10, $0xb8;
	[tilespmem:$0x4400] =	vst v63  }
0x1e4: {  	s30 =	rddreg [dreg:$0x9]  }
0x1e5: {  	[spmem:s3] =	stream.indirect.scatter.add.f32 [tilespmem:s5], [sflag:$0x4], $0x10, s30, s10, $0xb8;
	[tilespmem:$0x4400] =	vst v63  }
0x1e6: {  	_ =	swait.ge [sflag:s9], $0x800  }
0x1e7: {  	[sflag:s9] =	ssyncset.done $0x0  }
0x1e8: {  	[sflag:s9] =	ssyncadd.s32 $0xFFFFF800  }
0x1e9: {  	_ =	swait.ge [sflag:s6], $0x800  }
0x1ea: {  	[sflag:s6] =	ssyncset.done $0x0  }
0x1eb: {  	[sflag:s6] =	ssyncadd.s32 $0xFFFFF800  }
0x1ec: {  	_ =	swait.ge [sflag:s7], $0x800  }
0x1ed: {  	[sflag:s7] =	ssyncset.done $0x0  }
0x1ee: {  	[sflag:s7] =	ssyncadd.s32 $0xFFFFF800  }
0x1ef: {  	_ =	swait.ge [sflag:s8], $0x800  }
0x1f0: {  	[sflag:s8] =	ssyncset.done $0x0  }
0x1f1: {  	s2 =	rddreg [dreg:$0xa];
	[sflag:s8] =	ssyncadd.s32 $0xFFFFF800  }
0x1f2: {  	[spmem:s3] =	stream.indirect.scatter.add.f32 [tilespmem:s5], [sflag:$0x1], $0x10, s2, s10, $0xb8;
	[tilespmem:$0x4400] =	vst v63  }
0x1f3: {  	s30 =	rddreg [dreg:$0xb]  }
0x1f4: {  	[spmem:s3] =	stream.indirect.scatter.add.f32 [tilespmem:s5], [sflag:$0x2], $0x10, s30, s10, $0xb8;
	[tilespmem:$0x4400] =	vst v63  }
0x1f5: {  	s2 =	rddreg [dreg:$0xc]  }
0x1f6: {  	[spmem:s3] =	stream.indirect.scatter.add.f32 [tilespmem:s5], [sflag:$0x3], $0x10, s2, s10, $0xb8;
	[tilespmem:$0x4400] =	vst v63  }
0x1f7: {  	s30 =	rddreg [dreg:$0xd]  }
0x1f8: {  	[spmem:s3] =	stream.indirect.scatter.add.f32 [tilespmem:s5], [sflag:$0x4], $0x10, s30, s10, $0xb8;
	[tilespmem:$0x4400] =	vst v63  }
0x1f9: {  	_ =	swait.ge [sflag:s9], $0x800  }
0x1fa: {  	[sflag:s9] =	ssyncset.done $0x0  }
0x1fb: {  	[sflag:s9] =	ssyncadd.s32 $0xFFFFF800  }
0x1fc: {  	_ =	swait.ge [sflag:s6], $0x800  }
0x1fd: {  	[sflag:s6] =	ssyncset.done $0x0  }
0x1fe: {  	[sflag:s6] =	ssyncadd.s32 $0xFFFFF800  }
0x1ff: {  	_ =	swait.ge [sflag:s7], $0x800  }
0x200: {  	[sflag:s7] =	ssyncset.done $0x0  }
0x201: {  	[sflag:s7] =	ssyncadd.s32 $0xFFFFF800  }
0x202: {  	_ =	swait.ge [sflag:s8], $0x800  }
0x203: {  	[sflag:s8] =	ssyncset.done $0x0  }
0x204: {  	s2 =	rddreg [dreg:$0xe];
	[sflag:s8] =	ssyncadd.s32 $0xFFFFF800  }
0x205: {  	[spmem:s3] =	stream.indirect.scatter.add.f32 [tilespmem:s5], [sflag:$0x1], $0x10, s2, s10, $0xb8;
	[tilespmem:$0x4400] =	vst v63  }
0x206: {  	s30 =	rddreg [dreg:$0xf]  }
0x207: {  	[spmem:s3] =	stream.indirect.scatter.add.f32 [tilespmem:s5], [sflag:$0x2], $0x10, s30, s10, $0xb8;
	[tilespmem:$0x4400] =	vst v63  }
0x208: {  	s2 =	rddreg [dreg:$0x10]  }
0x209: {  	[spmem:s3] =	stream.indirect.scatter.add.f32 [tilespmem:s5], [sflag:$0x3], $0x10, s2, s10, $0xb8;
	[tilespmem:$0x4400] =	vst v63  }
0x20a: {  	s30 =	rddreg [dreg:$0x11]  }
0x20b: {  	[spmem:s3] =	stream.indirect.scatter.add.f32 [tilespmem:s5], [sflag:$0x4], $0x10, s30, s10, $0xb8;
	[tilespmem:$0x4400] =	vst v63  }
0x20c: {  	_ =	swait.ge [sflag:s9], $0x800  }
0x20d: {  	[sflag:s9] =	ssyncset.done $0x0  }
0x20e: {  	[sflag:s9] =	ssyncadd.s32 $0xFFFFF800  }
0x20f: {  	_ =	swait.ge [sflag:s6], $0x800  }
0x210: {  	[sflag:s6] =	ssyncset.done $0x0  }
0x211: {  	[sflag:s6] =	ssyncadd.s32 $0xFFFFF800  }
0x212: {  	_ =	swait.ge [sflag:s7], $0x800  }
0x213: {  	[sflag:s7] =	ssyncset.done $0x0  }
0x214: {  	[sflag:s7] =	ssyncadd.s32 $0xFFFFF800  }
0x215: {  	_ =	swait.ge [sflag:s8], $0x800  }
0x216: {  	[sflag:s8] =	ssyncset.done $0x0  }
0x217: {  	s2 =	rddreg [dreg:$0x12];
	[sflag:s8] =	ssyncadd.s32 $0xFFFFF800  }
0x218: {  	[spmem:s3] =	stream.indirect.scatter.add.f32 [tilespmem:s5], [sflag:$0x1], $0x10, s2, s10, $0xb8;
	[tilespmem:$0x4400] =	vst v63  }
0x219: {  	s30 =	rddreg [dreg:$0x13]  }
0x21a: {  	[spmem:s3] =	stream.indirect.scatter.add.f32 [tilespmem:s5], [sflag:$0x2], $0x10, s30, s10, $0xb8;
	[tilespmem:$0x4400] =	vst v63  }
0x21b: {  	s2 =	rddreg [dreg:$0x14]  }
0x21c: {  	[spmem:s3] =	stream.indirect.scatter.add.f32 [tilespmem:s5], [sflag:$0x3], $0x10, s2, s10, $0xb8;
	[tilespmem:$0x4400] =	vst v63  }
0x21d: {  	s30 =	rddreg [dreg:$0x15]  }
0x21e: {  	[spmem:s3] =	stream.indirect.scatter.add.f32 [tilespmem:s5], [sflag:$0x4], $0x10, s30, s10, $0xb8;
	[tilespmem:$0x4400] =	vst v63  }
0x21f: {  	_ =	swait.ge [sflag:s9], $0x800  }
0x220: {  	[sflag:s9] =	ssyncset.done $0x0  }
0x221: {  	[sflag:s9] =	ssyncadd.s32 $0xFFFFF800  }
0x222: {  	_ =	swait.ge [sflag:s6], $0x800  }
0x223: {  	[sflag:s6] =	ssyncset.done $0x0  }
0x224: {  	[sflag:s6] =	ssyncadd.s32 $0xFFFFF800  }
0x225: {  	_ =	swait.ge [sflag:s7], $0x800  }
0x226: {  	[sflag:s7] =	ssyncset.done $0x0  }
0x227: {  	[sflag:s7] =	ssyncadd.s32 $0xFFFFF800  }
0x228: {  	_ =	swait.ge [sflag:s8], $0x800  }
0x229: {  	[sflag:s8] =	ssyncset.done $0x0  }
0x22a: {  	s2 =	rddreg [dreg:$0x16];
	[sflag:s8] =	ssyncadd.s32 $0xFFFFF800  }
0x22b: {  	[spmem:s3] =	stream.indirect.scatter.add.f32 [tilespmem:s5], [sflag:$0x1], $0x10, s2, s10, $0xb8;
	[tilespmem:$0x4400] =	vst v63  }
0x22c: {  	s30 =	rddreg [dreg:$0x17]  }
0x22d: {  	[spmem:s3] =	stream.indirect.scatter.add.f32 [tilespmem:s5], [sflag:$0x2], $0x10, s30, s10, $0xb8;
	[tilespmem:$0x4400] =	vst v63  }
0x22e: {  	s2 =	rddreg [dreg:$0x18]  }
0x22f: {  	[spmem:s3] =	stream.indirect.scatter.add.f32 [tilespmem:s5], [sflag:$0x3], $0x10, s2, s10, $0xb8;
	[tilespmem:$0x4400] =	vst v63  }
0x230: {  	s30 =	rddreg [dreg:$0x19]  }
0x231: {  	[spmem:s3] =	stream.indirect.scatter.add.f32 [tilespmem:s5], [sflag:$0x4], $0x10, s30, s10, $0xb8;
	[tilespmem:$0x4400] =	vst v63  }
0x232: {  	_ =	swait.ge [sflag:s9], $0x800  }
0x233: {  	[sflag:s9] =	ssyncset.done $0x0  }
0x234: {  	[sflag:s9] =	ssyncadd.s32 $0xFFFFF800  }
0x235: {  	_ =	swait.ge [sflag:s6], $0x800  }
0x236: {  	[sflag:s6] =	ssyncset.done $0x0  }
0x237: {  	[sflag:s6] =	ssyncadd.s32 $0xFFFFF800  }
0x238: {  	_ =	swait.ge [sflag:s7], $0x800  }
0x239: {  	[sflag:s7] =	ssyncset.done $0x0  }
0x23a: {  	[sflag:s7] =	ssyncadd.s32 $0xFFFFF800  }
0x23b: {  	_ =	swait.ge [sflag:s8], $0x800  }
0x23c: {  	[sflag:s8] =	ssyncset.done $0x0  }
0x23d: {  	s1 =	rddreg [dreg:$0x1a];
	[sflag:s8] =	ssyncadd.s32 $0xFFFFF800  }
0x23e: {  	[spmem:s3] =	stream.indirect.scatter.add.f32 [tilespmem:s5], [sflag:$0x1], $0x10, s1, s10, $0xb8;
	[tilespmem:$0x4400] =	vst v63  }
0x23f: {  	s2 =	rddreg [dreg:$0x1b]  }
0x240: {  	[spmem:s3] =	stream.indirect.scatter.add.f32 [tilespmem:s5], [sflag:$0x2], $0x10, s2, s10, $0xb8;
	[tilespmem:$0x4400] =	vst v63  }
0x241: {  	s30 =	rddreg [dreg:$0x1c]  }
0x242: {  	[spmem:s3] =	stream.indirect.scatter.add.f32 [tilespmem:s5], [sflag:$0x3], $0x10, s30, s10, $0xb8;
	[tilespmem:$0x4400] =	vst v63  }
0x243: {  	s2 =	rddreg [dreg:$0x1d]  }
0x244: {  	[spmem:s3] =	stream.indirect.scatter.add.f32 [tilespmem:s5], [sflag:$0x4], $0x10, s2, s10, $0xb8;
	[tilespmem:$0x4400] =	vst v63  }
0x245: {  	_ =	swait.ge [sflag:s9], $0x800  }
0x246: {  	[sflag:s9] =	ssyncset.done $0x0  }
0x247: {  	[sflag:s9] =	ssyncadd.s32 $0xFFFFF800  }
0x248: {  	_ =	swait.ge [sflag:s6], $0x800  }
0x249: {  	[sflag:s6] =	ssyncset.done $0x0  }
0x24a: {  	[sflag:s6] =	ssyncadd.s32 $0xFFFFF800  }
0x24b: {  	_ =	swait.ge [sflag:s7], $0x800  }
0x24c: {  	[sflag:s7] =	ssyncset.done $0x0  }
0x24d: {  	[sflag:s7] =	ssyncadd.s32 $0xFFFFF800  }
0x24e: {  	_ =	swait.ge [sflag:s8], $0x800  }
0x24f: {  	[sflag:s8] =	ssyncset.done $0x0  }
0x250: {  	[sflag:s8] =	ssyncadd.s32 $0xFFFFF800  }
0x251: {  	[spmem:s3] =	stream.indirect.scatter.add.f32 [tilespmem:s5], [sflag:$0x1], $0x10, s25, s10, $0xb8;
	[tilespmem:$0x4400] =	vst v63  }
0x252: {  	_ = 	snop  }
0x253: {  	[spmem:s3] =	stream.indirect.scatter.add.f32 [tilespmem:s5], [sflag:$0x2], $0x10, s26, s10, $0xb8;
	[tilespmem:$0x4400] =	vst v63  }
0x254: {  	_ = 	snop  }
0x255: {  	[spmem:s3] =	stream.indirect.scatter.add.f32 [tilespmem:s5], [sflag:$0x3], $0x10, s28, s10, $0xb8;
	[tilespmem:$0x4400] =	vst v63  }
0x256: {  	_ = 	snop  }
0x257: {  	[spmem:s3] =	stream.indirect.scatter.add.f32 [tilespmem:s5], [sflag:$0x4], $0x10, s29, s10, $0xb8;
	[tilespmem:$0x4400] =	vst v63  }
0x258: {  	_ =	swait.ge [sflag:s9], $0x800  }
0x259: {  	[sflag:s9] =	ssyncset.done $0x0  }
0x25a: {  	[sflag:s9] =	ssyncadd.s32 $0xFFFFF800  }
0x25b: {  	_ =	swait.ge [sflag:s6], $0x800  }
0x25c: {  	[sflag:s6] =	ssyncset.done $0x0  }
0x25d: {  	[sflag:s6] =	ssyncadd.s32 $0xFFFFF800  }
0x25e: {  	_ =	swait.ge [sflag:s7], $0x800  }
0x25f: {  	[sflag:s7] =	ssyncset.done $0x0  }
0x260: {  	[sflag:s7] =	ssyncadd.s32 $0xFFFFF800  }
0x261: {  	_ =	swait.ge [sflag:s8], $0x800  }
0x262: {  	[sflag:s8] =	ssyncset.done $0x0  }
0x263: {  	[sflag:s8] =	ssyncadd.s32 $0xFFFFF800  }
0x264: {  	[spmem:s3] =	stream.indirect.scatter.add.f32 [tilespmem:s5], [sflag:$0x1], $0x10, s21, s10, $0xb8;
	[tilespmem:$0x4400] =	vst v63  }
0x265: {  	_ = 	snop  }
0x266: {  	[spmem:s3] =	stream.indirect.scatter.add.f32 [tilespmem:s5], [sflag:$0x2], $0x10, s22, s10, $0xb8;
	[tilespmem:$0x4400] =	vst v63  }
0x267: {  	_ = 	snop  }
0x268: {  	[spmem:s3] =	stream.indirect.scatter.add.f32 [tilespmem:s5], [sflag:$0x3], $0x10, s23, s10, $0xb8;
	[tilespmem:$0x4400] =	vst v63  }
0x269: {  	_ = 	snop  }
0x26a: {  	[spmem:s3] =	stream.indirect.scatter.add.f32 [tilespmem:s5], [sflag:$0x4], $0x10, s24, s10, $0xb8;
	[tilespmem:$0x4400] =	vst v63  }
0x26b: {  	_ =	swait.ge [sflag:s9], $0x800  }
0x26c: {  	[sflag:s9] =	ssyncset.done $0x0  }
0x26d: {  	[sflag:s9] =	ssyncadd.s32 $0xFFFFF800  }
0x26e: {  	_ =	swait.ge [sflag:s6], $0x800  }
0x26f: {  	[sflag:s6] =	ssyncset.done $0x0  }
0x270: {  	[sflag:s6] =	ssyncadd.s32 $0xFFFFF800  }
0x271: {  	_ =	swait.ge [sflag:s7], $0x800  }
0x272: {  	[sflag:s7] =	ssyncset.done $0x0  }
0x273: {  	[sflag:s7] =	ssyncadd.s32 $0xFFFFF800  }
0x274: {  	_ =	swait.ge [sflag:s8], $0x800  }
0x275: {  	[sflag:s8] =	ssyncset.done $0x0  }
0x276: {  	[sflag:s8] =	ssyncadd.s32 $0xFFFFF800  }
0x277: {  	[spmem:s3] =	stream.indirect.scatter.add.f32 [tilespmem:s5], [sflag:$0x1], $0x10, s17, s10, $0xb8;
	[tilespmem:$0x4400] =	vst v63  }
0x278: {  	_ = 	snop  }
0x279: {  	[spmem:s3] =	stream.indirect.scatter.add.f32 [tilespmem:s5], [sflag:$0x2], $0x10, s18, s10, $0xb8;
	[tilespmem:$0x4400] =	vst v63  }
0x27a: {  	_ = 	snop  }
0x27b: {  	[spmem:s3] =	stream.indirect.scatter.add.f32 [tilespmem:s5], [sflag:$0x3], $0x10, s19, s10, $0xb8;
	[tilespmem:$0x4400] =	vst v63  }
0x27c: {  	_ = 	snop  }
0x27d: {  	[spmem:s3] =	stream.indirect.scatter.add.f32 [tilespmem:s5], [sflag:$0x4], $0x10, s20, s10, $0xb8;
	[tilespmem:$0x4400] =	vst v63  }
0x27e: {  	_ =	swait.ge [sflag:s9], $0x800  }
0x27f: {  	[sflag:s9] =	ssyncset.done $0x0  }
0x280: {  	[sflag:s9] =	ssyncadd.s32 $0xFFFFF800  }
0x281: {  	_ =	swait.ge [sflag:s6], $0x800  }
0x282: {  	[sflag:s6] =	ssyncset.done $0x0  }
0x283: {  	[sflag:s6] =	ssyncadd.s32 $0xFFFFF800  }
0x284: {  	_ =	swait.ge [sflag:s7], $0x800  }
0x285: {  	[sflag:s7] =	ssyncset.done $0x0  }
0x286: {  	[sflag:s7] =	ssyncadd.s32 $0xFFFFF800  }
0x287: {  	_ =	swait.ge [sflag:s8], $0x800  }
0x288: {  	[sflag:s8] =	ssyncset.done $0x0  }
0x289: {  	s29 =	simm.s32 $0x1200;
	[sflag:s8] =	ssyncadd.s32 $0xFFFFF800  }
0x28a: {  	[spmem:s3] =	stream.indirect.scatter.add.f32 [tilespmem:s5], [sflag:$0x1], $0x10, s29, s10, $0xb8;
	[tilespmem:$0x4400] =	vst v63  }
0x28b: {  	s30 =	simm.s32 $0x1280  }
0x28c: {  	[spmem:s3] =	stream.indirect.scatter.add.f32 [tilespmem:s5], [sflag:$0x2], $0x10, s30, s10, $0xb8;
	[tilespmem:$0x4400] =	vst v63  }
0x28d: {  	_ = 	snop  }
0x28e: {  	[spmem:s3] =	stream.indirect.scatter.add.f32 [tilespmem:s5], [sflag:$0x3], $0x10, s15, s10, $0xb8;
	[tilespmem:$0x4400] =	vst v63  }
0x28f: {  	_ = 	snop  }
0x290: {  	[spmem:s3] =	stream.indirect.scatter.add.f32 [tilespmem:s5], [sflag:$0x4], $0x10, s16, s10, $0xb8;
	[tilespmem:$0x4400] =	vst v63  }
0x291: {  	_ =	swait.ge [sflag:s9], $0x800  }
0x292: {  	[sflag:s9] =	ssyncset.done $0x0  }
0x293: {  	[sflag:s9] =	ssyncadd.s32 $0xFFFFF800  }
0x294: {  	_ =	swait.ge [sflag:s6], $0x800  }
0x295: {  	[sflag:s6] =	ssyncset.done $0x0  }
0x296: {  	[sflag:s6] =	ssyncadd.s32 $0xFFFFF800  }
0x297: {  	_ =	swait.ge [sflag:s7], $0x800  }
0x298: {  	[sflag:s7] =	ssyncset.done $0x0  }
0x299: {  	[sflag:s7] =	ssyncadd.s32 $0xFFFFF800  }
0x29a: {  	_ =	swait.ge [sflag:s8], $0x800  }
0x29b: {  	[sflag:s8] =	ssyncset.done $0x0  }
0x29c: {  	[sflag:s8] =	ssyncadd.s32 $0xFFFFF800  }
0x29d: {  	s31 =	sor.u32 $0x1C05, s31;
	[bflag:$0x0] =	sbarrier.arrive $0xFFFF  }
0x29e: {  	[hbm:s11], [sflag:s31] =	dma.local [spmem:s4], $0x500  }
0x29f: {  	_ =	swait.ge [sflag:s12], $0x500  }
0x2a0: {  	[sflag:s12] =	ssyncset.done $0x0  }
0x2a1: {  	[sflag:s12] =	ssyncadd.s32 $0xFFFFFB00  }
0x2a2: {  	_ =	sfence.sel $0x180000  }
0x2a3: {  	[bflag:$0x0] =	sbarrier.arrive $0xFFFF  }
0x2a4: {  	p0 =	sne.s32 s13, $0x0;
	_ =	strace $0x90000047  }
0x2a5: {  	s0 =	sadd.s32 @!p0 $0x100000, s14;
	[bflag:$0x2] =	sbarrier.arrive $0xFFFF  }
0x2a6: {  	[sflag:s0] =	ssyncadd.tile.s32 @!p0 $0x1;
	_ =	shalt  }
.LBB2_2:
.Ltmp3:
0x2a7: {  	(pc) =	sbr.rel .LBB2_5-.Ltmp3, $3  }
0x2a8: {  	_ =	sdelay $0x1  }
0x2a9: {  	s14 =	rddreg [dreg:$0x3]  }
0x2aa: {  	s13 =	stileid.u32;
	s31 =	rddreg [dreg:$0x1e]  }
.Lfunc_end2:
_tile_overlayer_lowered:
.L_overlay_start_2:
0x2ab: {  	(tag) =	ssettag $0x2  }
0x2ac: {  	s0 =	rddreg [dreg:$0x0];
	s2 =	stileid.u32  }
0x2ad: {  	s1 =	rddreg [dreg:$0x1];
	p0 =	sne.s32 s2, $0x0  }
0x2ae: {  	s3 =	rddreg [dreg:$0x2];
	[bflag:$0x3] =	sbarrier.arrive $0xFFFF;
	s2 =	simm.s32 @!p0 $0x1C05  }
0x2af: {  	[timem:s3], [sflag:s2] =	dma.local @!p0 [hbm:s0], s1  }
0x2b0: {  	s0 =	simm.s32 @!p0 $0x5  }
0x2b1: {  	_ =	swait.ge @!p0 [sflag:s0], s1  }
0x2b2: {  	s1 =	ssub.s32 @!p0 $0x0, s1;
	[sflag:s0] =	ssyncset.done @!p0 $0x0  }
0x2b3: {  	[sflag:s0] =	ssyncadd.s32 @!p0 s1  }
0x2b4: {  	[bflag:$0x3] =	sbarrier.arrive $0xFFFF  }
0x2b5: {  	_ =	shalt  }

</sc_bundles>
